<compile_context>
chip_gen: v7x
topology: tpu7x:2x2x1
jax: 0.10.2.dev20260603
libtpu: 0.0.44.dev20260713+nightly
codegen_flags: <defaults>
</compile_context>

<pallas_src>
import functools

import jax
import jax.numpy as jnp
from jax import lax
from jax.experimental import pallas as pl
from jax.experimental.pallas import tpu as pltpu
from jax.experimental.pallas import tpu_sc as plsc

NUM_FIELDS = 26
FIELD_DIM = 100000
EMBED_DIM = 16
BATCH = 16384
TOTAL_ROWS = NUM_FIELDS * FIELD_DIM
ROWS_PER_BLOCK = 8
BLOCK_WORDS = ROWS_PER_BLOCK * EMBED_DIM

NC = 2
NS = 16
NW = NC * NS
BPW = BATCH // NW
CHUNK = 16
NCHUNKS = BPW // CHUNK
ROWS = CHUNK * NUM_FIELDS
WROWS = BPW * NUM_FIELDS


RSTEP = 1024
BLK_PER_STEP = RSTEP // ROWS_PER_BLOCK
NSTEPS = TOTAL_ROWS // RSTEP
TAIL_ROWS = TOTAL_ROWS - NSTEPS * RSTEP
TAIL_BLOCKS = TAIL_ROWS // ROWS_PER_BLOCK


def _tr_body(embt_hbm, out_hbm, in_v0, in_v1, out_v0, out_v1, tin_v, tout_v,
             isem0, isem1, osem0, osem1, tsem):
    wid = lax.axis_index("s") * NC + lax.axis_index("c")
    count = (NSTEPS - wid + NW - 1) // NW
    in_bufs = (in_v0, in_v1)
    out_bufs = (out_v0, out_v1)
    isems = (isem0, isem1)
    osems = (osem0, osem1)
    lanes = lax.iota(jnp.int32, 16)

    def fire(n, buf):
        g = wid + n * NW
        pltpu.async_copy(embt_hbm.at[:, pl.ds(g * RSTEP, RSTEP)],
                         in_bufs[buf], isems[buf])

    @pl.when(count > 0)
    def _():
        fire(0, 0)

    c_row = lanes >> 3
    c_col = (lanes & 7) << 4

    def transpose(in_v, out_v):
        @functools.partial(plsc.parallel_loop, 0, RSTEP // 16, unroll=2)
        def _(g):
            r0 = g * 16
            rows_o = (r0 >> 3) + c_row
            for d in range(EMBED_DIM):
                v = in_v[d, pl.ds(r0, 16)]
                plsc.store_scatter(out_v, [rows_o, c_col + d], v)

    def step(n, buf):
        @pl.when(n + 1 < count)
        def _():
            fire(n + 1, 1 - buf)
        pltpu.make_async_copy(embt_hbm.at[:, pl.ds(0, RSTEP)],
                              in_bufs[buf], isems[buf]).wait()
        @pl.when(n >= 2)
        def _():
            pltpu.make_async_copy(out_bufs[buf],
                                  out_hbm.at[pl.ds(0, BLK_PER_STEP), :],
                                  osems[buf]).wait()
        transpose(in_bufs[buf], out_bufs[buf])
        g = wid + n * NW
        pltpu.async_copy(out_bufs[buf],
                         out_hbm.at[pl.ds(g * BLK_PER_STEP, BLK_PER_STEP), :],
                         osems[buf])

    def pair_body(p, _):
        n = 2 * p

        @pl.when(n < count)
        def _():
            step(n, 0)

        @pl.when(n + 1 < count)
        def _():
            step(n + 1, 1)
        return 0

    lax.fori_loop(0, (NSTEPS // NW + 2) // 2, pair_body, 0)

    @pl.when(count >= 1)
    def _():
        pltpu.make_async_copy(out_bufs[0],
                              out_hbm.at[pl.ds(0, BLK_PER_STEP), :],
                              osems[0]).wait()

    @pl.when(count >= 2)
    def _():
        pltpu.make_async_copy(out_bufs[1],
                              out_hbm.at[pl.ds(0, BLK_PER_STEP), :],
                              osems[1]).wait()

    @pl.when(wid == NW - 1)
    def _():
        pltpu.async_copy(embt_hbm.at[:, pl.ds(NSTEPS * RSTEP, TAIL_ROWS)],
                         tin_v, tsem).wait()

        def rbody(g, _):
            r0 = g * 16
            rows_o = (r0 >> 3) + c_row
            for d in range(EMBED_DIM):
                v = tin_v[d, pl.ds(r0, 16)]
                plsc.store_scatter(tout_v, [rows_o, c_col + d], v)
            return 0
        lax.fori_loop(0, TAIL_ROWS // 16, rbody, 0)
        pltpu.async_copy(
            tout_v,
            out_hbm.at[pl.ds(NSTEPS * BLK_PER_STEP, TAIL_BLOCKS), :],
            tsem).wait()


_tr_call = pl.kernel(
    _tr_body,
    out_type=jax.ShapeDtypeStruct((TOTAL_ROWS // ROWS_PER_BLOCK, BLOCK_WORDS),
                                  jnp.float32),
    mesh=plsc.VectorSubcoreMesh(core_axis_name="c", subcore_axis_name="s"),
    compiler_params=pltpu.CompilerParams(
        needs_layout_passes=False, use_tc_tiling_on_sc=True),
    scratch_types=[
        pltpu.VMEM((EMBED_DIM, RSTEP), jnp.float32),
        pltpu.VMEM((EMBED_DIM, RSTEP), jnp.float32),
        pltpu.VMEM((BLK_PER_STEP, BLOCK_WORDS), jnp.float32),
        pltpu.VMEM((BLK_PER_STEP, BLOCK_WORDS), jnp.float32),
        pltpu.VMEM((EMBED_DIM, TAIL_ROWS), jnp.float32),
        pltpu.VMEM((TAIL_BLOCKS, BLOCK_WORDS), jnp.float32),
        pltpu.SemaphoreType.DMA,
        pltpu.SemaphoreType.DMA,
        pltpu.SemaphoreType.DMA,
        pltpu.SemaphoreType.DMA,
        pltpu.SemaphoreType.DMA,
    ],
)


def _fm_body(idx_hbm, emb_hbm, lin_hbm, out_hbm,
             idx_v, blk_v0, blk_v1, rows_v0, rows_v1, lin_v0, lin_v1,
             vtmp_v, out_v,
             isem, sem0, sem1, lsem0, lsem1):
    wid = lax.axis_index("s") * NC + lax.axis_index("c")
    base = wid * BPW

    blk_bufs = (blk_v0, blk_v1)
    rows_bufs = (rows_v0, rows_v1)
    lin_bufs = (lin_v0, lin_v1)
    sems = (sem0, sem1)
    lsems = (lsem0, lsem1)

    pltpu.async_copy(idx_hbm.at[pl.ds(base * NUM_FIELDS, WROWS)], idx_v,
                     isem).wait()

    def fire(k, buf):
        def blk_body(j, _):
            w = idx_v[pl.ds(k * ROWS + j * 16, 16)]
            blk_bufs[buf][pl.ds(j * 16, 16)] = lax.shift_right_logical(w, 3)
            return 0
        lax.fori_loop(0, ROWS // 16, blk_body, 0)
        pltpu.async_copy(emb_hbm.at[blk_bufs[buf]], rows_bufs[buf], sems[buf])
        pltpu.async_copy(lin_hbm.at[idx_v.at[pl.ds(k * ROWS, ROWS)]],
                         lin_bufs[buf], lsems[buf])

    fire(0, 0)

    lanes = lax.iota(jnp.int32, 16)

    def process(k, buf):
        @pl.when(k + 1 < NCHUNKS)
        def _():
            fire(k + 1, 1 - buf)

        pltpu.make_async_copy(emb_hbm.at[blk_bufs[buf]], rows_bufs[buf],
                              sems[buf]).wait()
        pltpu.make_async_copy(lin_hbm.at[idx_v.at[pl.ds(0, ROWS)]],
                              lin_bufs[buf], lsems[buf]).wait()

        rows = rows_bufs[buf]
        linv = lin_bufs[buf]

        def sample_body(i, _):
            ivbase = k * ROWS + i * NUM_FIELDS
            iv0 = idx_v[pl.ds(ivbase, 16)]
            iv1 = idx_v[pl.ds(ivbase + NUM_FIELDS - 16, 16)]
            subs0 = (iv0 & 7) * EMBED_DIM
            subs1 = (iv1 & 7) * EMBED_DIM
            off = subs0[0]
            r = rows[i * NUM_FIELDS, pl.ds(off, EMBED_DIM)]
            s = r
            q = r * r
            for f in range(1, NUM_FIELDS):
                if f < 16:
                    off = subs0[f]
                else:
                    off = subs1[f - (NUM_FIELDS - 16)]
                r = rows[i * NUM_FIELDS + f, pl.ds(off, EMBED_DIM)]
                s = s + r
                q = q + r * r
            vtmp_v[pl.ds(i * EMBED_DIM, EMBED_DIM)] = s * s - q
            return 0

        lax.fori_loop(0, CHUNK, sample_body, 0)

        rowid = lanes
        vbase = rowid * EMBED_DIM
        acc = plsc.load_gather(vtmp_v, [vbase])
        for d in range(1, EMBED_DIM):
            acc = acc + plsc.load_gather(vtmp_v, [vbase + d])
        lin_base = rowid * NUM_FIELDS
        lacc = plsc.load_gather(linv, [lin_base])
        for f in range(1, NUM_FIELDS):
            lacc = lacc + plsc.load_gather(linv, [lin_base + f])
        out_v[pl.ds(k * CHUNK, CHUNK)] = 0.5 * acc + lacc

    def pair_body(g, _):
        process(2 * g, 0)
        process(2 * g + 1, 1)
        return 0

    lax.fori_loop(0, NCHUNKS // 2, pair_body, 0)

    pltpu.sync_copy(out_v, out_hbm.at[pl.ds(base, BPW)])


_fm_call = pl.kernel(
    _fm_body,
    out_type=jax.ShapeDtypeStruct((BATCH,), jnp.float32),
    mesh=plsc.VectorSubcoreMesh(core_axis_name="c", subcore_axis_name="s"),
    compiler_params=pltpu.CompilerParams(
        needs_layout_passes=False, use_tc_tiling_on_sc=True),
    scratch_types=[
        pltpu.VMEM((WROWS,), jnp.int32),
        pltpu.VMEM((ROWS,), jnp.int32),
        pltpu.VMEM((ROWS,), jnp.int32),
        pltpu.VMEM((ROWS, BLOCK_WORDS), jnp.float32),
        pltpu.VMEM((ROWS, BLOCK_WORDS), jnp.float32),
        pltpu.VMEM((ROWS,), jnp.float32),
        pltpu.VMEM((ROWS,), jnp.float32),
        pltpu.VMEM((CHUNK * EMBED_DIM,), jnp.float32),
        pltpu.VMEM((BPW,), jnp.float32),
        pltpu.SemaphoreType.DMA,
        pltpu.SemaphoreType.DMA,
        pltpu.SemaphoreType.DMA,
        pltpu.SemaphoreType.DMA,
        pltpu.SemaphoreType.DMA,
    ],
)


@jax.jit
def kernel(x, emb_table, lin_weight, bias):
    offsets = (jnp.arange(NUM_FIELDS, dtype=jnp.int32) * FIELD_DIM)[None, :]
    idx = (x + offsets).reshape(-1)
    emb_blocks = _tr_call(emb_table.T)
    out = _fm_call(idx, emb_blocks, lin_weight.reshape(-1))
    return out + bias[0]

# --- scband reference (transcript-rebuilt; emitter-appended) ---
"""Pipeline reference for scband-fm-30485677867314 (READ-ONLY COPY).

The authoritative reference and input builder live on the scoring server;
editing this copy changes nothing except your own understanding.
"""

import jax, jax.numpy as jnp
import numpy as np

NUM_FIELDS = 26
FIELD_DIM = 100000
TOTAL_ROWS = NUM_FIELDS * FIELD_DIM
EMBED_DIM = 16
BATCH = 16384


def setup_inputs(seed: int = 0) -> dict:
    key = jax.random.key(seed)
    k1, k2, k3, k4 = jax.random.split(key, 4)
    x = jax.random.randint(k1, (BATCH, NUM_FIELDS), 0, FIELD_DIM, dtype=jnp.int64 if jax.config.jax_enable_x64 else jnp.int32).astype(jnp.int32)
    emb_table = jax.random.normal(k2, (TOTAL_ROWS, EMBED_DIM), dtype=jnp.float32) * 0.01
    lin_weight = jax.random.normal(k3, (TOTAL_ROWS, 1), dtype=jnp.float32) * 0.01
    bias = jnp.zeros((1,), dtype=jnp.float32)
    return {"x": x, "emb_table": emb_table, "lin_weight": lin_weight, "bias": bias}


def reference(x, emb_table, lin_weight, bias):
    # offsets per field: cumulative start index of each field's rows in the shared table
    offsets = (jnp.arange(NUM_FIELDS, dtype=x.dtype) * FIELD_DIM)[None, :]
    idx = x + offsets  # [B, F]
    # LinearLayer: sum of per-feature scalar weights + bias -> [B, 1]
    lin = jnp.sum(jnp.take(lin_weight, idx, axis=0), axis=1) + bias  # [B, 1]
    # EmbeddingLayer: gather embeddings -> [B, F, D]
    e = jnp.take(emb_table, idx, axis=0)
    # FMLayer (reduce_sum=True): 0.5 * ((sum_f e)^2 - sum_f e^2) summed over embed dim, keepdim
    s = jnp.sum(e, axis=1)          # [B, D]
    square_of_sum = s * s           # [B, D]
    sum_of_square = jnp.sum(e * e, axis=1)  # [B, D]
    fm = 0.5 * jnp.sum(square_of_sum - sum_of_square, axis=1, keepdims=True)  # [B, 1]
    logits = jnp.squeeze(lin + fm, axis=1)  # [B]
    return logits

if __name__ == "__main__":
    import jax
    _d = setup_inputs()
    print(jax.jit(kernel)(*tuple(_d.values())))

</pallas_src>

<mosaic_0001>
#map = affine_map<(d0, d1) -> (0, 0)>
module attributes {stable_mosaic.version = 14 : i64} {
  func.func @_tr_body(%arg0: i32, %arg1: i32, %arg2: memref<16x2600000xf32, #tpu.memory_space<hbm>>, %arg3: memref<325000x128xf32, #tpu.memory_space<hbm>>, %arg4: memref<16x1024xf32, #tpu.memory_space<vmem>>, %arg5: memref<16x1024xf32, #tpu.memory_space<vmem>>, %arg6: memref<128x128xf32, #tpu.memory_space<vmem>>, %arg7: memref<128x128xf32, #tpu.memory_space<vmem>>, %arg8: memref<16x64xf32, #tpu.memory_space<vmem>>, %arg9: memref<8x128xf32, #tpu.memory_space<vmem>>, %arg10: memref<!tpu.dma_semaphore, #tpu.memory_space<semaphore_mem>>, %arg11: memref<!tpu.dma_semaphore, #tpu.memory_space<semaphore_mem>>, %arg12: memref<!tpu.dma_semaphore, #tpu.memory_space<semaphore_mem>>, %arg13: memref<!tpu.dma_semaphore, #tpu.memory_space<semaphore_mem>>, %arg14: memref<!tpu.dma_semaphore, #tpu.memory_space<semaphore_mem>>) attributes {dimension_semantics = [#tpu.dimension_semantics<core_parallel>, #tpu.dimension_semantics<subcore_parallel>], iteration_bounds = array<i64: 2, 16>, scalar_prefetch = 0 : i64, scratch_operands = 11 : i64, tpu.core_type = #tpu.core_type<sc_vector_subcore>, window_params = [{transform_indices = #map}, {transform_indices = #map}]} {
    %mul3A = arith.constant 2 : i32
    %mul3A_0 = arith.muli %arg1, %mul3A : i32
    %add3A = arith.addi %mul3A_0, %arg0 : i32
    %sub3A = arith.constant 2539 : i32
    %sub3A_1 = arith.subi %sub3A, %add3A : i32
    %add3A_2 = arith.constant 32 : i32
    %add3A_3 = arith.addi %sub3A_1, %add3A_2 : i32
    %sub3A_4 = arith.constant 1 : i32
    %sub3A_5 = arith.subi %add3A_3, %sub3A_4 : i32
    %jit3A = arith.constant 32 : i32
    %div3A = arith.divsi %sub3A_5, %jit3A : i32
    %sign3A = arith.constant 0 : i32
    %sign3A_6 = arith.cmpi sgt, %sub3A_5, %sign3A : i32
    %sign3A_7 = arith.extui %sign3A_6 : i1 to i32
    %sign3A_8 = arith.constant 0 : i32
    %sign3A_9 = arith.cmpi slt, %sub3A_5, %sign3A_8 : i32
    %sign3A_10 = arith.extui %sign3A_9 : i1 to i32
    %sign3A_11 = arith.subi %sign3A_7, %sign3A_10 : i32
    %sign3A_12 = arith.constant 0 : i32
    %sign3A_13 = arith.cmpi sgt, %jit3A, %sign3A_12 : i32
    %sign3A_14 = arith.extui %sign3A_13 : i1 to i32
    %sign3A_15 = arith.constant 0 : i32
    %sign3A_16 = arith.cmpi slt, %jit3A, %sign3A_15 : i32
    %sign3A_17 = arith.extui %sign3A_16 : i1 to i32
    %sign3A_18 = arith.subi %sign3A_14, %sign3A_17 : i32
    %ne3A = arith.cmpi ne, %sign3A_11, %sign3A_18 : i32
    %rem3A = arith.remsi %sub3A_5, %jit3A : i32
    %ne3A_19 = arith.constant 0 : i32
    %ne3A_20 = arith.cmpi ne, %rem3A, %ne3A_19 : i32
    %and3A = arith.andi %ne3A, %ne3A_20 : i1
    %sub3A_21 = arith.constant 1 : i32
    %sub3A_22 = arith.subi %div3A, %sub3A_21 : i32
    %select_n3A = arith.select %and3A, %sub3A_22, %div3A : i32
    %iota3A = tpu.iota {dimensions = array<i32: 0>} : vector<16xi32>
    %gt3A = arith.constant 0 : i32
    %gt3A_23 = arith.cmpi sgt, %select_n3A, %gt3A : i32
    %convert_element_type3A = arith.extui %gt3A_23 : i1 to i32
    %cond3A = arith.constant 0 : i32
    %cond3A_24 = arith.cmpi ne, %convert_element_type3A, %cond3A : i32
    scf.if %cond3A_24 {
      %add3A_51 = arith.constant 0 : i32
      %add3A_52 = arith.addi %add3A, %add3A_51 : i32
      %mul3A_53 = arith.constant 1024 : i32
      %mul3A_54 = arith.muli %add3A_52, %mul3A_53 : i32
      %dma_start3A = arith.constant 0 : i32
      %dma_start3A_55 = tpu.memref_slice %arg2[%dma_start3A, %mul3A_54] : memref<16x2600000xf32, #tpu.memory_space<hbm>> -> memref<16x1024xf32, #tpu.memory_space<hbm>>
      %dma_start3A_56 = arith.constant 0 : i32
      %dma_start3A_57 = tpu.memref_slice %arg2[%dma_start3A_56, %mul3A_54] : memref<16x2600000xf32, #tpu.memory_space<hbm>> -> memref<16x1024xf32, #tpu.memory_space<hbm>>
      tpu.enqueue_dma source(%dma_start3A_57 : memref<16x1024xf32, #tpu.memory_space<hbm>>) target(%arg4 : memref<16x1024xf32, #tpu.memory_space<vmem>>) target_semaphore(%arg10 : memref<!tpu.dma_semaphore, #tpu.memory_space<semaphore_mem>>)
    } else {
    }
    %shift_right_arithmetic3A = arith.constant 3 : i32
    %shift_right_arithmetic3A_25 = vector.broadcast %shift_right_arithmetic3A : i32 to vector<16xi32>
    %shift_right_arithmetic3A_26 = arith.shrsi %iota3A, %shift_right_arithmetic3A_25 : vector<16xi32>
    %and3A_27 = arith.constant 7 : i32
    %and3A_28 = vector.broadcast %and3A_27 : i32 to vector<16xi32>
    %and3A_29 = arith.andi %iota3A, %and3A_28 : vector<16xi32>
    %shift_left3A = arith.constant 4 : i32
    %shift_left3A_30 = vector.broadcast %shift_left3A : i32 to vector<16xi32>
    %shift_left3A_31 = arith.shli %and3A_29, %shift_left3A_30 : vector<16xi32>
    %scan3A = arith.constant 0 : i32
    %scan3A_32 = arith.constant 0 : i32
    %scan3A_33 = arith.constant 40 : i32
    %scan3A_34 = arith.addi %scan3A_32, %scan3A_33 : i32
    %scan3A_35 = arith.constant 1 : i32
    %scan3A_36 = scf.for %scan3A_51 = %scan3A_32 to %scan3A_34 step %scan3A_35 iter_args(%scan3A_52 = %scan3A) -> (i32)  : i32 {
      %mul3A_53 = arith.constant 2 : i32
      %mul3A_54 = arith.muli %mul3A_53, %scan3A_51 : i32
      %lt3A = arith.cmpi slt, %mul3A_54, %select_n3A : i32
      %convert_element_type3A_55 = arith.extui %lt3A : i1 to i32
      %cond3A_56 = arith.constant 0 : i32
      %cond3A_57 = arith.cmpi ne, %convert_element_type3A_55, %cond3A_56 : i32
      scf.if %cond3A_57 {
        %add3A_65 = arith.constant 1 : i32
        %add3A_66 = arith.addi %mul3A_54, %add3A_65 : i32
        %lt3A_67 = arith.cmpi slt, %add3A_66, %select_n3A : i32
        %convert_element_type3A_68 = arith.extui %lt3A_67 : i1 to i32
        %cond3A_69 = arith.constant 0 : i32
        %cond3A_70 = arith.cmpi ne, %convert_element_type3A_68, %cond3A_69 : i32
        scf.if %cond3A_70 {
          %add3A_89 = arith.constant 1 : i32
          %add3A_90 = arith.addi %mul3A_54, %add3A_89 : i32
          %mul3A_91 = arith.constant 32 : i32
          %mul3A_92 = arith.muli %add3A_90, %mul3A_91 : i32
          %add3A_93 = arith.addi %add3A, %mul3A_92 : i32
          %mul3A_94 = arith.constant 1024 : i32
          %mul3A_95 = arith.muli %add3A_93, %mul3A_94 : i32
          %dma_start3A_96 = arith.constant 0 : i32
          %dma_start3A_97 = tpu.memref_slice %arg2[%dma_start3A_96, %mul3A_95] : memref<16x2600000xf32, #tpu.memory_space<hbm>> -> memref<16x1024xf32, #tpu.memory_space<hbm>>
          %dma_start3A_98 = arith.constant 0 : i32
          %dma_start3A_99 = tpu.memref_slice %arg2[%dma_start3A_98, %mul3A_95] : memref<16x2600000xf32, #tpu.memory_space<hbm>> -> memref<16x1024xf32, #tpu.memory_space<hbm>>
          tpu.enqueue_dma source(%dma_start3A_99 : memref<16x1024xf32, #tpu.memory_space<hbm>>) target(%arg5 : memref<16x1024xf32, #tpu.memory_space<vmem>>) target_semaphore(%arg11 : memref<!tpu.dma_semaphore, #tpu.memory_space<semaphore_mem>>)
        } else {
        }
        %dma_wait3A = arith.constant 0 : i32
        %dma_wait3A_71 = arith.constant 0 : i32
        %dma_wait3A_72 = tpu.memref_slice %arg2[%dma_wait3A, %dma_wait3A_71] : memref<16x2600000xf32, #tpu.memory_space<hbm>> -> memref<16x1024xf32, #tpu.memory_space<hbm>>
        %dma_wait3A_73 = arith.constant 0 : i32
        %dma_wait3A_74 = arith.constant 0 : i32
        %dma_wait3A_75 = tpu.memref_slice %arg2[%dma_wait3A_73, %dma_wait3A_74] : memref<16x2600000xf32, #tpu.memory_space<hbm>> -> memref<16x1024xf32, #tpu.memory_space<hbm>>
        tpu.wait_dma2 semaphore(%arg10 : memref<!tpu.dma_semaphore, #tpu.memory_space<semaphore_mem>>) src(%dma_wait3A_75 : memref<16x1024xf32, #tpu.memory_space<hbm>>) dst(%arg4 : memref<16x1024xf32, #tpu.memory_space<vmem>>)
        %ge3A_76 = arith.constant 2 : i32
        %ge3A_77 = arith.cmpi sge, %mul3A_54, %ge3A_76 : i32
        %convert_element_type3A_78 = arith.extui %ge3A_77 : i1 to i32
        %cond3A_79 = arith.constant 0 : i32
        %cond3A_80 = arith.cmpi ne, %convert_element_type3A_78, %cond3A_79 : i32
        scf.if %cond3A_80 {
          %dma_wait3A_89 = arith.constant 0 : i32
          %dma_wait3A_90 = arith.constant 0 : i32
          %dma_wait3A_91 = tpu.memref_slice %arg3[%dma_wait3A_89, %dma_wait3A_90] : memref<325000x128xf32, #tpu.memory_space<hbm>> -> memref<128x128xf32, #tpu.memory_space<hbm>>
          %dma_wait3A_92 = arith.constant 0 : i32
          %dma_wait3A_93 = arith.constant 0 : i32
          %dma_wait3A_94 = tpu.memref_slice %arg3[%dma_wait3A_92, %dma_wait3A_93] : memref<325000x128xf32, #tpu.memory_space<hbm>> -> memref<128x128xf32, #tpu.memory_space<hbm>>
          tpu.wait_dma2 semaphore(%arg12 : memref<!tpu.dma_semaphore, #tpu.memory_space<semaphore_mem>>) src(%arg6 : memref<128x128xf32, #tpu.memory_space<vmem>>) dst(%dma_wait3A_94 : memref<128x128xf32, #tpu.memory_space<hbm>>)
        } else {
        }
        %mul3A_81 = arith.constant 32 : i32
        %mul3A_82 = arith.muli %mul3A_54, %mul3A_81 : i32
        %add3A_83 = arith.addi %add3A, %mul3A_82 : i32
        %mul3A_84 = arith.constant 128 : i32
        %mul3A_85 = arith.muli %add3A_83, %mul3A_84 : i32
        %dma_start3A = arith.constant 0 : i32
        %dma_start3A_86 = tpu.memref_slice %arg3[%mul3A_85, %dma_start3A] : memref<325000x128xf32, #tpu.memory_space<hbm>> -> memref<128x128xf32, #tpu.memory_space<hbm>>
        %dma_start3A_87 = arith.constant 0 : i32
        %dma_start3A_88 = tpu.memref_slice %arg3[%mul3A_85, %dma_start3A_87] : memref<325000x128xf32, #tpu.memory_space<hbm>> -> memref<128x128xf32, #tpu.memory_space<hbm>>
        tpu.enqueue_dma source(%arg6 : memref<128x128xf32, #tpu.memory_space<vmem>>) target(%dma_start3A_88 : memref<128x128xf32, #tpu.memory_space<hbm>>) target_semaphore(%arg12 : memref<!tpu.dma_semaphore, #tpu.memory_space<semaphore_mem>>)
      } else {
      }
      %add3A_58 = arith.constant 1 : i32
      %add3A_59 = arith.addi %mul3A_54, %add3A_58 : i32
      %lt3A_60 = arith.cmpi slt, %add3A_59, %select_n3A : i32
      %convert_element_type3A_61 = arith.extui %lt3A_60 : i1 to i32
      %cond3A_62 = arith.constant 0 : i32
      %cond3A_63 = arith.cmpi ne, %convert_element_type3A_61, %cond3A_62 : i32
      scf.if %cond3A_63 {
        %add3A_65 = arith.constant 1 : i32
        %add3A_66 = arith.addi %mul3A_54, %add3A_65 : i32
        %add3A_67 = arith.constant 1 : i32
        %add3A_68 = arith.addi %add3A_66, %add3A_67 : i32
        %lt3A_69 = arith.cmpi slt, %add3A_68, %select_n3A : i32
        %convert_element_type3A_70 = arith.extui %lt3A_69 : i1 to i32
        %cond3A_71 = arith.constant 0 : i32
        %cond3A_72 = arith.cmpi ne, %convert_element_type3A_70, %cond3A_71 : i32
        scf.if %cond3A_72 {
          %add3A_91 = arith.constant 1 : i32
          %add3A_92 = arith.addi %add3A_66, %add3A_91 : i32
          %mul3A_93 = arith.constant 32 : i32
          %mul3A_94 = arith.muli %add3A_92, %mul3A_93 : i32
          %add3A_95 = arith.addi %add3A, %mul3A_94 : i32
          %mul3A_96 = arith.constant 1024 : i32
          %mul3A_97 = arith.muli %add3A_95, %mul3A_96 : i32
          %dma_start3A_98 = arith.constant 0 : i32
          %dma_start3A_99 = tpu.memref_slice %arg2[%dma_start3A_98, %mul3A_97] : memref<16x2600000xf32, #tpu.memory_space<hbm>> -> memref<16x1024xf32, #tpu.memory_space<hbm>>
          %dma_start3A_100 = arith.constant 0 : i32
          %dma_start3A_101 = tpu.memref_slice %arg2[%dma_start3A_100, %mul3A_97] : memref<16x2600000xf32, #tpu.memory_space<hbm>> -> memref<16x1024xf32, #tpu.memory_space<hbm>>
          tpu.enqueue_dma source(%dma_start3A_101 : memref<16x1024xf32, #tpu.memory_space<hbm>>) target(%arg4 : memref<16x1024xf32, #tpu.memory_space<vmem>>) target_semaphore(%arg10 : memref<!tpu.dma_semaphore, #tpu.memory_space<semaphore_mem>>)
        } else {
        }
        %dma_wait3A = arith.constant 0 : i32
        %dma_wait3A_73 = arith.constant 0 : i32
        %dma_wait3A_74 = tpu.memref_slice %arg2[%dma_wait3A, %dma_wait3A_73] : memref<16x2600000xf32, #tpu.memory_space<hbm>> -> memref<16x1024xf32, #tpu.memory_space<hbm>>
        %dma_wait3A_75 = arith.constant 0 : i32
        %dma_wait3A_76 = arith.constant 0 : i32
        %dma_wait3A_77 = tpu.memref_slice %arg2[%dma_wait3A_75, %dma_wait3A_76] : memref<16x2600000xf32, #tpu.memory_space<hbm>> -> memref<16x1024xf32, #tpu.memory_space<hbm>>
        tpu.wait_dma2 semaphore(%arg11 : memref<!tpu.dma_semaphore, #tpu.memory_space<semaphore_mem>>) src(%dma_wait3A_77 : memref<16x1024xf32, #tpu.memory_space<hbm>>) dst(%arg5 : memref<16x1024xf32, #tpu.memory_space<vmem>>)
        %ge3A_78 = arith.constant 2 : i32
        %ge3A_79 = arith.cmpi sge, %add3A_66, %ge3A_78 : i32
        %convert_element_type3A_80 = arith.extui %ge3A_79 : i1 to i32
        %cond3A_81 = arith.constant 0 : i32
        %cond3A_82 = arith.cmpi ne, %convert_element_type3A_80, %cond3A_81 : i32
        scf.if %cond3A_82 {
          %dma_wait3A_91 = arith.constant 0 : i32
          %dma_wait3A_92 = arith.constant 0 : i32
          %dma_wait3A_93 = tpu.memref_slice %arg3[%dma_wait3A_91, %dma_wait3A_92] : memref<325000x128xf32, #tpu.memory_space<hbm>> -> memref<128x128xf32, #tpu.memory_space<hbm>>
          %dma_wait3A_94 = arith.constant 0 : i32
          %dma_wait3A_95 = arith.constant 0 : i32
          %dma_wait3A_96 = tpu.memref_slice %arg3[%dma_wait3A_94, %dma_wait3A_95] : memref<325000x128xf32, #tpu.memory_space<hbm>> -> memref<128x128xf32, #tpu.memory_space<hbm>>
          tpu.wait_dma2 semaphore(%arg13 : memref<!tpu.dma_semaphore, #tpu.memory_space<semaphore_mem>>) src(%arg7 : memref<128x128xf32, #tpu.memory_space<vmem>>) dst(%dma_wait3A_96 : memref<128x128xf32, #tpu.memory_space<hbm>>)
        } else {
        }
        %mul3A_83 = arith.constant 32 : i32
        %mul3A_84 = arith.muli %add3A_66, %mul3A_83 : i32
        %add3A_85 = arith.addi %add3A, %mul3A_84 : i32
        %mul3A_86 = arith.constant 128 : i32
        %mul3A_87 = arith.muli %add3A_85, %mul3A_86 : i32
        %dma_start3A = arith.constant 0 : i32
        %dma_start3A_88 = tpu.memref_slice %arg3[%mul3A_87, %dma_start3A] : memref<325000x128xf32, #tpu.memory_space<hbm>> -> memref<128x128xf32, #tpu.memory_space<hbm>>
        %dma_start3A_89 = arith.constant 0 : i32
        %dma_start3A_90 = tpu.memref_slice %arg3[%mul3A_87, %dma_start3A_89] : memref<325000x128xf32, #tpu.memory_space<hbm>> -> memref<128x128xf32, #tpu.memory_space<hbm>>
        tpu.enqueue_dma source(%arg7 : memref<128x128xf32, #tpu.memory_space<vmem>>) target(%dma_start3A_90 : memref<128x128xf32, #tpu.memory_space<hbm>>) target_semaphore(%arg13 : memref<!tpu.dma_semaphore, #tpu.memory_space<semaphore_mem>>)
      } else {
      }
      %scan3A_64 = arith.constant 0 : i32
      scf.yield %scan3A_64 : i32
    }
    %scan3A_37 = arith.constant 40 : i32
    %ge3A = arith.constant 1 : i32
    %ge3A_38 = arith.cmpi sge, %select_n3A, %ge3A : i32
    %convert_element_type3A_39 = arith.extui %ge3A_38 : i1 to i32
    %cond3A_40 = arith.constant 0 : i32
    %cond3A_41 = arith.cmpi ne, %convert_element_type3A_39, %cond3A_40 : i32
    scf.if %cond3A_41 {
      %dma_wait3A = arith.constant 0 : i32
      %dma_wait3A_51 = arith.constant 0 : i32
      %dma_wait3A_52 = tpu.memref_slice %arg3[%dma_wait3A, %dma_wait3A_51] : memref<325000x128xf32, #tpu.memory_space<hbm>> -> memref<128x128xf32, #tpu.memory_space<hbm>>
      %dma_wait3A_53 = arith.constant 0 : i32
      %dma_wait3A_54 = arith.constant 0 : i32
      %dma_wait3A_55 = tpu.memref_slice %arg3[%dma_wait3A_53, %dma_wait3A_54] : memref<325000x128xf32, #tpu.memory_space<hbm>> -> memref<128x128xf32, #tpu.memory_space<hbm>>
      tpu.wait_dma2 semaphore(%arg12 : memref<!tpu.dma_semaphore, #tpu.memory_space<semaphore_mem>>) src(%arg6 : memref<128x128xf32, #tpu.memory_space<vmem>>) dst(%dma_wait3A_55 : memref<128x128xf32, #tpu.memory_space<hbm>>)
    } else {
    }
    %ge3A_42 = arith.constant 2 : i32
    %ge3A_43 = arith.cmpi sge, %select_n3A, %ge3A_42 : i32
    %convert_element_type3A_44 = arith.extui %ge3A_43 : i1 to i32
    %cond3A_45 = arith.constant 0 : i32
    %cond3A_46 = arith.cmpi ne, %convert_element_type3A_44, %cond3A_45 : i32
    scf.if %cond3A_46 {
      %dma_wait3A = arith.constant 0 : i32
      %dma_wait3A_51 = arith.constant 0 : i32
      %dma_wait3A_52 = tpu.memref_slice %arg3[%dma_wait3A, %dma_wait3A_51] : memref<325000x128xf32, #tpu.memory_space<hbm>> -> memref<128x128xf32, #tpu.memory_space<hbm>>
      %dma_wait3A_53 = arith.constant 0 : i32
      %dma_wait3A_54 = arith.constant 0 : i32
      %dma_wait3A_55 = tpu.memref_slice %arg3[%dma_wait3A_53, %dma_wait3A_54] : memref<325000x128xf32, #tpu.memory_space<hbm>> -> memref<128x128xf32, #tpu.memory_space<hbm>>
      tpu.wait_dma2 semaphore(%arg13 : memref<!tpu.dma_semaphore, #tpu.memory_space<semaphore_mem>>) src(%arg7 : memref<128x128xf32, #tpu.memory_space<vmem>>) dst(%dma_wait3A_55 : memref<128x128xf32, #tpu.memory_space<hbm>>)
    } else {
    }
    %eq3A = arith.constant 31 : i32
    %eq3A_47 = arith.cmpi eq, %add3A, %eq3A : i32
    %convert_element_type3A_48 = arith.extui %eq3A_47 : i1 to i32
    %cond3A_49 = arith.constant 0 : i32
    %cond3A_50 = arith.cmpi ne, %convert_element_type3A_48, %cond3A_49 : i32
    scf.if %cond3A_50 {
      %dma_start3A = arith.constant 0 : i32
      %dma_start3A_51 = arith.constant 2599936 : i32
      %dma_start3A_52 = tpu.memref_slice %arg2[%dma_start3A, %dma_start3A_51] : memref<16x2600000xf32, #tpu.memory_space<hbm>> -> memref<16x64xf32, #tpu.memory_space<hbm>>
      %dma_start3A_53 = arith.constant 0 : i32
      %dma_start3A_54 = arith.constant 2599936 : i32
      %dma_start3A_55 = tpu.memref_slice %arg2[%dma_start3A_53, %dma_start3A_54] : memref<16x2600000xf32, #tpu.memory_space<hbm>> -> memref<16x64xf32, #tpu.memory_space<hbm>>
      tpu.enqueue_dma source(%dma_start3A_55 : memref<16x64xf32, #tpu.memory_space<hbm>>) target(%arg8 : memref<16x64xf32, #tpu.memory_space<vmem>>) target_semaphore(%arg14 : memref<!tpu.dma_semaphore, #tpu.memory_space<semaphore_mem>>)
      %dma_wait3A = arith.constant 0 : i32
      %dma_wait3A_56 = arith.constant 2599936 : i32
      %dma_wait3A_57 = tpu.memref_slice %arg2[%dma_wait3A, %dma_wait3A_56] : memref<16x2600000xf32, #tpu.memory_space<hbm>> -> memref<16x64xf32, #tpu.memory_space<hbm>>
      %dma_wait3A_58 = arith.constant 0 : i32
      %dma_wait3A_59 = arith.constant 2599936 : i32
      %dma_wait3A_60 = tpu.memref_slice %arg2[%dma_wait3A_58, %dma_wait3A_59] : memref<16x2600000xf32, #tpu.memory_space<hbm>> -> memref<16x64xf32, #tpu.memory_space<hbm>>
      tpu.wait_dma2 semaphore(%arg14 : memref<!tpu.dma_semaphore, #tpu.memory_space<semaphore_mem>>) src(%dma_wait3A_60 : memref<16x64xf32, #tpu.memory_space<hbm>>) dst(%arg8 : memref<16x64xf32, #tpu.memory_space<vmem>>)
      %scan3A_61 = arith.constant 0 : i32
      %scan3A_62 = arith.constant 0 : i32
      %scan3A_63 = arith.constant 4 : i32
      %scan3A_64 = arith.addi %scan3A_62, %scan3A_63 : i32
      %scan3A_65 = arith.constant 1 : i32
      %scan3A_66 = scf.for %scan3A_80 = %scan3A_62 to %scan3A_64 step %scan3A_65 iter_args(%scan3A_81 = %scan3A_61) -> (i32)  : i32 {
        %mul3A_82 = arith.constant 16 : i32
        %mul3A_83 = arith.muli %scan3A_80, %mul3A_82 : i32
        %shift_right_arithmetic3A_84 = arith.constant 3 : i32
        %shift_right_arithmetic3A_85 = arith.shrsi %mul3A_83, %shift_right_arithmetic3A_84 : i32
        %add3A_86 = vector.broadcast %shift_right_arithmetic3A_85 : i32 to vector<16xi32>
        %add3A_87 = arith.addi %add3A_86, %shift_right_arithmetic3A_26 : vector<16xi32>
        %get3A = arith.constant 0 : i32
        %get3A_88 = arith.index_cast %get3A : i32 to index
        %get3A_89 = arith.index_cast %mul3A_83 : i32 to index
        %get3A_90 = tpu.vector_load %arg8[%get3A_88, %get3A_89] {strides = array<i32>} : memref<16x64xf32, #tpu.memory_space<vmem>>, vector<16xf32>,
        %add3A_91 = arith.constant 0 : i32
        %add3A_92 = vector.broadcast %add3A_91 : i32 to vector<16xi32>
        %add3A_93 = arith.addi %shift_left3A_31, %add3A_92 : vector<16xi32>
        tpu.vector_store_idx %arg9[%add3A_87, %add3A_93], %get3A_90 : memref<8x128xf32, #tpu.memory_space<vmem>>[vector<16xi32>, vector<16xi32>], vector<16xf32>,
        %get3A_94 = arith.constant 1 : i32
        %get3A_95 = arith.index_cast %get3A_94 : i32 to index
        %get3A_96 = arith.index_cast %mul3A_83 : i32 to index
        %get3A_97 = tpu.vector_load %arg8[%get3A_95, %get3A_96] {strides = array<i32>} : memref<16x64xf32, #tpu.memory_space<vmem>>, vector<16xf32>,
        %add3A_98 = arith.constant 1 : i32
        %add3A_99 = vector.broadcast %add3A_98 : i32 to vector<16xi32>
        %add3A_100 = arith.addi %shift_left3A_31, %add3A_99 : vector<16xi32>
        tpu.vector_store_idx %arg9[%add3A_87, %add3A_100], %get3A_97 : memref<8x128xf32, #tpu.memory_space<vmem>>[vector<16xi32>, vector<16xi32>], vector<16xf32>,
        %get3A_101 = arith.constant 2 : i32
        %get3A_102 = arith.index_cast %get3A_101 : i32 to index
        %get3A_103 = arith.index_cast %mul3A_83 : i32 to index
        %get3A_104 = tpu.vector_load %arg8[%get3A_102, %get3A_103] {strides = array<i32>} : memref<16x64xf32, #tpu.memory_space<vmem>>, vector<16xf32>,
        %add3A_105 = arith.constant 2 : i32
        %add3A_106 = vector.broadcast %add3A_105 : i32 to vector<16xi32>
        %add3A_107 = arith.addi %shift_left3A_31, %add3A_106 : vector<16xi32>
        tpu.vector_store_idx %arg9[%add3A_87, %add3A_107], %get3A_104 : memref<8x128xf32, #tpu.memory_space<vmem>>[vector<16xi32>, vector<16xi32>], vector<16xf32>,
        %get3A_108 = arith.constant 3 : i32
        %get3A_109 = arith.index_cast %get3A_108 : i32 to index
        %get3A_110 = arith.index_cast %mul3A_83 : i32 to index
        %get3A_111 = tpu.vector_load %arg8[%get3A_109, %get3A_110] {strides = array<i32>} : memref<16x64xf32, #tpu.memory_space<vmem>>, vector<16xf32>,
        %add3A_112 = arith.constant 3 : i32
        %add3A_113 = vector.broadcast %add3A_112 : i32 to vector<16xi32>
        %add3A_114 = arith.addi %shift_left3A_31, %add3A_113 : vector<16xi32>
        tpu.vector_store_idx %arg9[%add3A_87, %add3A_114], %get3A_111 : memref<8x128xf32, #tpu.memory_space<vmem>>[vector<16xi32>, vector<16xi32>], vector<16xf32>,
        %get3A_115 = arith.constant 4 : i32
        %get3A_116 = arith.index_cast %get3A_115 : i32 to index
        %get3A_117 = arith.index_cast %mul3A_83 : i32 to index
        %get3A_118 = tpu.vector_load %arg8[%get3A_116, %get3A_117] {strides = array<i32>} : memref<16x64xf32, #tpu.memory_space<vmem>>, vector<16xf32>,
        %add3A_119 = arith.constant 4 : i32
        %add3A_120 = vector.broadcast %add3A_119 : i32 to vector<16xi32>
        %add3A_121 = arith.addi %shift_left3A_31, %add3A_120 : vector<16xi32>
        tpu.vector_store_idx %arg9[%add3A_87, %add3A_121], %get3A_118 : memref<8x128xf32, #tpu.memory_space<vmem>>[vector<16xi32>, vector<16xi32>], vector<16xf32>,
        %get3A_122 = arith.constant 5 : i32
        %get3A_123 = arith.index_cast %get3A_122 : i32 to index
        %get3A_124 = arith.index_cast %mul3A_83 : i32 to index
        %get3A_125 = tpu.vector_load %arg8[%get3A_123, %get3A_124] {strides = array<i32>} : memref<16x64xf32, #tpu.memory_space<vmem>>, vector<16xf32>,
        %add3A_126 = arith.constant 5 : i32
        %add3A_127 = vector.broadcast %add3A_126 : i32 to vector<16xi32>
        %add3A_128 = arith.addi %shift_left3A_31, %add3A_127 : vector<16xi32>
        tpu.vector_store_idx %arg9[%add3A_87, %add3A_128], %get3A_125 : memref<8x128xf32, #tpu.memory_space<vmem>>[vector<16xi32>, vector<16xi32>], vector<16xf32>,
        %get3A_129 = arith.constant 6 : i32
        %get3A_130 = arith.index_cast %get3A_129 : i32 to index
        %get3A_131 = arith.index_cast %mul3A_83 : i32 to index
        %get3A_132 = tpu.vector_load %arg8[%get3A_130, %get3A_131] {strides = array<i32>} : memref<16x64xf32, #tpu.memory_space<vmem>>, vector<16xf32>,
        %add3A_133 = arith.constant 6 : i32
        %add3A_134 = vector.broadcast %add3A_133 : i32 to vector<16xi32>
        %add3A_135 = arith.addi %shift_left3A_31, %add3A_134 : vector<16xi32>
        tpu.vector_store_idx %arg9[%add3A_87, %add3A_135], %get3A_132 : memref<8x128xf32, #tpu.memory_space<vmem>>[vector<16xi32>, vector<16xi32>], vector<16xf32>,
        %get3A_136 = arith.constant 7 : i32
        %get3A_137 = arith.index_cast %get3A_136 : i32 to index
        %get3A_138 = arith.index_cast %mul3A_83 : i32 to index
        %get3A_139 = tpu.vector_load %arg8[%get3A_137, %get3A_138] {strides = array<i32>} : memref<16x64xf32, #tpu.memory_space<vmem>>, vector<16xf32>,
        %add3A_140 = arith.constant 7 : i32
        %add3A_141 = vector.broadcast %add3A_140 : i32 to vector<16xi32>
        %add3A_142 = arith.addi %shift_left3A_31, %add3A_141 : vector<16xi32>
        tpu.vector_store_idx %arg9[%add3A_87, %add3A_142], %get3A_139 : memref<8x128xf32, #tpu.memory_space<vmem>>[vector<16xi32>, vector<16xi32>], vector<16xf32>,
        %get3A_143 = arith.constant 8 : i32
        %get3A_144 = arith.index_cast %get3A_143 : i32 to index
        %get3A_145 = arith.index_cast %mul3A_83 : i32 to index
        %get3A_146 = tpu.vector_load %arg8[%get3A_144, %get3A_145] {strides = array<i32>} : memref<16x64xf32, #tpu.memory_space<vmem>>, vector<16xf32>,
        %add3A_147 = arith.constant 8 : i32
        %add3A_148 = vector.broadcast %add3A_147 : i32 to vector<16xi32>
        %add3A_149 = arith.addi %shift_left3A_31, %add3A_148 : vector<16xi32>
        tpu.vector_store_idx %arg9[%add3A_87, %add3A_149], %get3A_146 : memref<8x128xf32, #tpu.memory_space<vmem>>[vector<16xi32>, vector<16xi32>], vector<16xf32>,
        %get3A_150 = arith.constant 9 : i32
        %get3A_151 = arith.index_cast %get3A_150 : i32 to index
        %get3A_152 = arith.index_cast %mul3A_83 : i32 to index
        %get3A_153 = tpu.vector_load %arg8[%get3A_151, %get3A_152] {strides = array<i32>} : memref<16x64xf32, #tpu.memory_space<vmem>>, vector<16xf32>,
        %add3A_154 = arith.constant 9 : i32
        %add3A_155 = vector.broadcast %add3A_154 : i32 to vector<16xi32>
        %add3A_156 = arith.addi %shift_left3A_31, %add3A_155 : vector<16xi32>
        tpu.vector_store_idx %arg9[%add3A_87, %add3A_156], %get3A_153 : memref<8x128xf32, #tpu.memory_space<vmem>>[vector<16xi32>, vector<16xi32>], vector<16xf32>,
        %get3A_157 = arith.constant 10 : i32
        %get3A_158 = arith.index_cast %get3A_157 : i32 to index
        %get3A_159 = arith.index_cast %mul3A_83 : i32 to index
        %get3A_160 = tpu.vector_load %arg8[%get3A_158, %get3A_159] {strides = array<i32>} : memref<16x64xf32, #tpu.memory_space<vmem>>, vector<16xf32>,
        %add3A_161 = arith.constant 10 : i32
        %add3A_162 = vector.broadcast %add3A_161 : i32 to vector<16xi32>
        %add3A_163 = arith.addi %shift_left3A_31, %add3A_162 : vector<16xi32>
        tpu.vector_store_idx %arg9[%add3A_87, %add3A_163], %get3A_160 : memref<8x128xf32, #tpu.memory_space<vmem>>[vector<16xi32>, vector<16xi32>], vector<16xf32>,
        %get3A_164 = arith.constant 11 : i32
        %get3A_165 = arith.index_cast %get3A_164 : i32 to index
        %get3A_166 = arith.index_cast %mul3A_83 : i32 to index
        %get3A_167 = tpu.vector_load %arg8[%get3A_165, %get3A_166] {strides = array<i32>} : memref<16x64xf32, #tpu.memory_space<vmem>>, vector<16xf32>,
        %add3A_168 = arith.constant 11 : i32
        %add3A_169 = vector.broadcast %add3A_168 : i32 to vector<16xi32>
        %add3A_170 = arith.addi %shift_left3A_31, %add3A_169 : vector<16xi32>
        tpu.vector_store_idx %arg9[%add3A_87, %add3A_170], %get3A_167 : memref<8x128xf32, #tpu.memory_space<vmem>>[vector<16xi32>, vector<16xi32>], vector<16xf32>,
        %get3A_171 = arith.constant 12 : i32
        %get3A_172 = arith.index_cast %get3A_171 : i32 to index
        %get3A_173 = arith.index_cast %mul3A_83 : i32 to index
        %get3A_174 = tpu.vector_load %arg8[%get3A_172, %get3A_173] {strides = array<i32>} : memref<16x64xf32, #tpu.memory_space<vmem>>, vector<16xf32>,
        %add3A_175 = arith.constant 12 : i32
        %add3A_176 = vector.broadcast %add3A_175 : i32 to vector<16xi32>
        %add3A_177 = arith.addi %shift_left3A_31, %add3A_176 : vector<16xi32>
        tpu.vector_store_idx %arg9[%add3A_87, %add3A_177], %get3A_174 : memref<8x128xf32, #tpu.memory_space<vmem>>[vector<16xi32>, vector<16xi32>], vector<16xf32>,
        %get3A_178 = arith.constant 13 : i32
        %get3A_179 = arith.index_cast %get3A_178 : i32 to index
        %get3A_180 = arith.index_cast %mul3A_83 : i32 to index
        %get3A_181 = tpu.vector_load %arg8[%get3A_179, %get3A_180] {strides = array<i32>} : memref<16x64xf32, #tpu.memory_space<vmem>>, vector<16xf32>,
        %add3A_182 = arith.constant 13 : i32
        %add3A_183 = vector.broadcast %add3A_182 : i32 to vector<16xi32>
        %add3A_184 = arith.addi %shift_left3A_31, %add3A_183 : vector<16xi32>
        tpu.vector_store_idx %arg9[%add3A_87, %add3A_184], %get3A_181 : memref<8x128xf32, #tpu.memory_space<vmem>>[vector<16xi32>, vector<16xi32>], vector<16xf32>,
        %get3A_185 = arith.constant 14 : i32
        %get3A_186 = arith.index_cast %get3A_185 : i32 to index
        %get3A_187 = arith.index_cast %mul3A_83 : i32 to index
        %get3A_188 = tpu.vector_load %arg8[%get3A_186, %get3A_187] {strides = array<i32>} : memref<16x64xf32, #tpu.memory_space<vmem>>, vector<16xf32>,
        %add3A_189 = arith.constant 14 : i32
        %add3A_190 = vector.broadcast %add3A_189 : i32 to vector<16xi32>
        %add3A_191 = arith.addi %shift_left3A_31, %add3A_190 : vector<16xi32>
        tpu.vector_store_idx %arg9[%add3A_87, %add3A_191], %get3A_188 : memref<8x128xf32, #tpu.memory_space<vmem>>[vector<16xi32>, vector<16xi32>], vector<16xf32>,
        %get3A_192 = arith.constant 15 : i32
        %get3A_193 = arith.index_cast %get3A_192 : i32 to index
        %get3A_194 = arith.index_cast %mul3A_83 : i32 to index
        %get3A_195 = tpu.vector_load %arg8[%get3A_193, %get3A_194] {strides = array<i32>} : memref<16x64xf32, #tpu.memory_space<vmem>>, vector<16xf32>,
        %add3A_196 = arith.constant 15 : i32
        %add3A_197 = vector.broadcast %add3A_196 : i32 to vector<16xi32>
        %add3A_198 = arith.addi %shift_left3A_31, %add3A_197 : vector<16xi32>
        tpu.vector_store_idx %arg9[%add3A_87, %add3A_198], %get3A_195 : memref<8x128xf32, #tpu.memory_space<vmem>>[vector<16xi32>, vector<16xi32>], vector<16xf32>,
        %scan3A_199 = arith.constant 0 : i32
        scf.yield %scan3A_199 : i32
      }
      %scan3A_67 = arith.constant 4 : i32
      %dma_start3A_68 = arith.constant 324992 : i32
      %dma_start3A_69 = arith.constant 0 : i32
      %dma_start3A_70 = tpu.memref_slice %arg3[%dma_start3A_68, %dma_start3A_69] : memref<325000x128xf32, #tpu.memory_space<hbm>> -> memref<8x128xf32, #tpu.memory_space<hbm>>
      %dma_start3A_71 = arith.constant 324992 : i32
      %dma_start3A_72 = arith.constant 0 : i32
      %dma_start3A_73 = tpu.memref_slice %arg3[%dma_start3A_71, %dma_start3A_72] : memref<325000x128xf32, #tpu.memory_space<hbm>> -> memref<8x128xf32, #tpu.memory_space<hbm>>
      tpu.enqueue_dma source(%arg9 : memref<8x128xf32, #tpu.memory_space<vmem>>) target(%dma_start3A_73 : memref<8x128xf32, #tpu.memory_space<hbm>>) target_semaphore(%arg14 : memref<!tpu.dma_semaphore, #tpu.memory_space<semaphore_mem>>)
      %dma_wait3A_74 = arith.constant 324992 : i32
      %dma_wait3A_75 = arith.constant 0 : i32
      %dma_wait3A_76 = tpu.memref_slice %arg3[%dma_wait3A_74, %dma_wait3A_75] : memref<325000x128xf32, #tpu.memory_space<hbm>> -> memref<8x128xf32, #tpu.memory_space<hbm>>
      %dma_wait3A_77 = arith.constant 324992 : i32
      %dma_wait3A_78 = arith.constant 0 : i32
      %dma_wait3A_79 = tpu.memref_slice %arg3[%dma_wait3A_77, %dma_wait3A_78] : memref<325000x128xf32, #tpu.memory_space<hbm>> -> memref<8x128xf32, #tpu.memory_space<hbm>>
      tpu.wait_dma2 semaphore(%arg14 : memref<!tpu.dma_semaphore, #tpu.memory_space<semaphore_mem>>) src(%arg9 : memref<8x128xf32, #tpu.memory_space<vmem>>) dst(%dma_wait3A_79 : memref<8x128xf32, #tpu.memory_space<hbm>>)
    } else {
    }
    return
  }
}

#map = affine_map<(d0, d1) -> (0)>
#map1 = affine_map<(d0, d1) -> (0, 0)>
module attributes {stable_mosaic.version = 14 : i64} {
  func.func @_fm_body(%arg0: i32, %arg1: i32, %arg2: memref<425984xi32, #tpu.memory_space<hbm>>, %arg3: memref<325000x128xf32, #tpu.memory_space<hbm>>, %arg4: memref<2600000xf32, #tpu.memory_space<hbm>>, %arg5: memref<16384xf32, #tpu.memory_space<hbm>>, %arg6: memref<13312xi32, #tpu.memory_space<vmem>>, %arg7: memref<416xi32, #tpu.memory_space<vmem>>, %arg8: memref<416xi32, #tpu.memory_space<vmem>>, %arg9: memref<416x128xf32, #tpu.memory_space<vmem>>, %arg10: memref<416x128xf32, #tpu.memory_space<vmem>>, %arg11: memref<416xf32, #tpu.memory_space<vmem>>, %arg12: memref<416xf32, #tpu.memory_space<vmem>>, %arg13: memref<256xf32, #tpu.memory_space<vmem>>, %arg14: memref<512xf32, #tpu.memory_space<vmem>>, %arg15: memref<!tpu.dma_semaphore, #tpu.memory_space<semaphore_mem>>, %arg16: memref<!tpu.dma_semaphore, #tpu.memory_space<semaphore_mem>>, %arg17: memref<!tpu.dma_semaphore, #tpu.memory_space<semaphore_mem>>, %arg18: memref<!tpu.dma_semaphore, #tpu.memory_space<semaphore_mem>>, %arg19: memref<!tpu.dma_semaphore, #tpu.memory_space<semaphore_mem>>) attributes {dimension_semantics = [#tpu.dimension_semantics<core_parallel>, #tpu.dimension_semantics<subcore_parallel>], iteration_bounds = array<i64: 2, 16>, scalar_prefetch = 0 : i64, scratch_operands = 14 : i64, tpu.core_type = #tpu.core_type<sc_vector_subcore>, window_params = [{transform_indices = #map}, {transform_indices = #map1}, {transform_indices = #map}, {transform_indices = #map}]} {
    %mul3A = arith.constant 2 : i32
    %mul3A_0 = arith.muli %arg1, %mul3A : i32
    %add3A = arith.addi %mul3A_0, %arg0 : i32
    %mul3A_1 = arith.constant 512 : i32
    %mul3A_2 = arith.muli %add3A, %mul3A_1 : i32
    %mul3A_3 = arith.constant 26 : i32
    %mul3A_4 = arith.muli %mul3A_2, %mul3A_3 : i32
    %dma_start3A = tpu.memref_slice %arg2[%mul3A_4] : memref<425984xi32, #tpu.memory_space<hbm>> -> memref<13312xi32, #tpu.memory_space<hbm>>
    %dma_start3A_5 = tpu.memref_slice %arg2[%mul3A_4] : memref<425984xi32, #tpu.memory_space<hbm>> -> memref<13312xi32, #tpu.memory_space<hbm>>
    tpu.enqueue_dma source(%dma_start3A_5 : memref<13312xi32, #tpu.memory_space<hbm>>) target(%arg6 : memref<13312xi32, #tpu.memory_space<vmem>>) target_semaphore(%arg15 : memref<!tpu.dma_semaphore, #tpu.memory_space<semaphore_mem>>)
    %dma_wait3A = tpu.memref_slice %arg2[%mul3A_4] : memref<425984xi32, #tpu.memory_space<hbm>> -> memref<13312xi32, #tpu.memory_space<hbm>>
    %dma_wait3A_6 = tpu.memref_slice %arg2[%mul3A_4] : memref<425984xi32, #tpu.memory_space<hbm>> -> memref<13312xi32, #tpu.memory_space<hbm>>
    tpu.wait_dma2 semaphore(%arg15 : memref<!tpu.dma_semaphore, #tpu.memory_space<semaphore_mem>>) src(%dma_wait3A_6 : memref<13312xi32, #tpu.memory_space<hbm>>) dst(%arg6 : memref<13312xi32, #tpu.memory_space<vmem>>)
    %scan3A = arith.constant 0 : i32
    %scan3A_7 = arith.constant 0 : i32
    %scan3A_8 = arith.constant 26 : i32
    %scan3A_9 = arith.addi %scan3A_7, %scan3A_8 : i32
    %scan3A_10 = arith.constant 1 : i32
    %scan3A_11 = scf.for %scan3A_27 = %scan3A_7 to %scan3A_9 step %scan3A_10 iter_args(%scan3A_28 = %scan3A) -> (i32)  : i32 {
      %mul3A_29 = arith.constant 16 : i32
      %mul3A_30 = arith.muli %scan3A_27, %mul3A_29 : i32
      %add3A_31 = arith.constant 0 : i32
      %add3A_32 = arith.addi %add3A_31, %mul3A_30 : i32
      %get3A = arith.index_cast %add3A_32 : i32 to index
      %get3A_33 = tpu.vector_load %arg6[%get3A] {strides = array<i32>} : memref<13312xi32, #tpu.memory_space<vmem>>, vector<16xi32>,
      %shift_right_logical3A = arith.constant 3 : i32
      %shift_right_logical3A_34 = vector.broadcast %shift_right_logical3A : i32 to vector<16xi32>
      %shift_right_logical3A_35 = arith.shrui %get3A_33, %shift_right_logical3A_34 : vector<16xi32>
      %mul3A_36 = arith.constant 16 : i32
      %mul3A_37 = arith.muli %scan3A_27, %mul3A_36 : i32
      %swap3A = arith.index_cast %mul3A_37 : i32 to index
      %swap3A_38 = tpu.vector_load %arg7[%swap3A] {strides = array<i32>} : memref<416xi32, #tpu.memory_space<vmem>>, vector<16xi32>,
      tpu.vector_store %arg7[%swap3A], %shift_right_logical3A_35 {strides = array<i32>} : memref<416xi32, #tpu.memory_space<vmem>>, vector<16xi32>,
      %scan3A_39 = arith.constant 0 : i32
      scf.yield %scan3A_39 : i32
    }
    %scan3A_12 = arith.constant 26 : i32
    %dma_start3A_13 = arith.constant 0 : i32
    %dma_start3A_14 = arith.constant 0 : i32
    %dma_start3A_15 = tpu.memref_slice %arg3[%dma_start3A_13, %dma_start3A_14] : memref<325000x128xf32, #tpu.memory_space<hbm>> -> memref<325000x128xf32, #tpu.memory_space<hbm>>
    tpu.enqueue_indirect_dma source(%dma_start3A_15 : memref<325000x128xf32, #tpu.memory_space<hbm>>) target(%arg9 : memref<416x128xf32, #tpu.memory_space<vmem>>) offsets(%arg7 : memref<416xi32, #tpu.memory_space<vmem>>) semaphore(%arg16 : memref<!tpu.dma_semaphore, #tpu.memory_space<semaphore_mem>>)
    %dma_start3A_16 = arith.constant 0 : i32
    %dma_start3A_17 = tpu.memref_slice %arg6[%dma_start3A_16] : memref<13312xi32, #tpu.memory_space<vmem>> -> memref<416xi32, #tpu.memory_space<vmem>>
    %dma_start3A_18 = arith.constant 0 : i32
    %dma_start3A_19 = tpu.memref_slice %arg4[%dma_start3A_18] : memref<2600000xf32, #tpu.memory_space<hbm>> -> memref<2600000xf32, #tpu.memory_space<hbm>>
    tpu.enqueue_indirect_dma source(%dma_start3A_19 : memref<2600000xf32, #tpu.memory_space<hbm>>) target(%arg11 : memref<416xf32, #tpu.memory_space<vmem>>) offsets(%dma_start3A_17 : memref<416xi32, #tpu.memory_space<vmem>>) semaphore(%arg18 : memref<!tpu.dma_semaphore, #tpu.memory_space<semaphore_mem>>)
    %iota3A = tpu.iota {dimensions = array<i32: 0>} : vector<16xi32>
    %scan3A_20 = arith.constant 0 : i32
    %scan3A_21 = arith.constant 0 : i32
    %scan3A_22 = arith.constant 16 : i32
    %scan3A_23 = arith.addi %scan3A_21, %scan3A_22 : i32
    %scan3A_24 = arith.constant 1 : i32
    %scan3A_25 = scf.for %scan3A_27 = %scan3A_21 to %scan3A_23 step %scan3A_24 iter_args(%scan3A_28 = %scan3A_20) -> (i32)  : i32 {
      %mul3A_29 = arith.constant 2 : i32
      %mul3A_30 = arith.muli %mul3A_29, %scan3A_27 : i32
      %add3A_31 = arith.constant 1 : i32
      %add3A_32 = arith.addi %mul3A_30, %add3A_31 : i32
      %lt3A = arith.constant 32 : i32
      %lt3A_33 = arith.cmpi slt, %add3A_32, %lt3A : i32
      %convert_element_type3A = arith.extui %lt3A_33 : i1 to i32
      %cond3A = arith.constant 0 : i32
      %cond3A_34 = arith.cmpi ne, %convert_element_type3A, %cond3A : i32
      scf.if %cond3A_34 {
        %add3A_505 = arith.constant 1 : i32
        %add3A_506 = arith.addi %mul3A_30, %add3A_505 : i32
        %scan3A_507 = arith.constant 0 : i32
        %scan3A_508 = arith.constant 0 : i32
        %scan3A_509 = arith.constant 26 : i32
        %scan3A_510 = arith.addi %scan3A_508, %scan3A_509 : i32
        %scan3A_511 = arith.constant 1 : i32
        %scan3A_512 = scf.for %scan3A_522 = %scan3A_508 to %scan3A_510 step %scan3A_511 iter_args(%scan3A_523 = %scan3A_507) -> (i32)  : i32 {
          %mul3A_524 = arith.constant 416 : i32
          %mul3A_525 = arith.muli %add3A_506, %mul3A_524 : i32
          %mul3A_526 = arith.constant 16 : i32
          %mul3A_527 = arith.muli %scan3A_522, %mul3A_526 : i32
          %add3A_528 = arith.addi %mul3A_525, %mul3A_527 : i32
          %get3A = arith.index_cast %add3A_528 : i32 to index
          %get3A_529 = tpu.vector_load %arg6[%get3A] {strides = array<i32>} : memref<13312xi32, #tpu.memory_space<vmem>>, vector<16xi32>,
          %shift_right_logical3A = arith.constant 3 : i32
          %shift_right_logical3A_530 = vector.broadcast %shift_right_logical3A : i32 to vector<16xi32>
          %shift_right_logical3A_531 = arith.shrui %get3A_529, %shift_right_logical3A_530 : vector<16xi32>
          %mul3A_532 = arith.constant 16 : i32
          %mul3A_533 = arith.muli %scan3A_522, %mul3A_532 : i32
          %swap3A_534 = arith.index_cast %mul3A_533 : i32 to index
          %swap3A_535 = tpu.vector_load %arg8[%swap3A_534] {strides = array<i32>} : memref<416xi32, #tpu.memory_space<vmem>>, vector<16xi32>,
          tpu.vector_store %arg8[%swap3A_534], %shift_right_logical3A_531 {strides = array<i32>} : memref<416xi32, #tpu.memory_space<vmem>>, vector<16xi32>,
          %scan3A_536 = arith.constant 0 : i32
          scf.yield %scan3A_536 : i32
        }
        %scan3A_513 = arith.constant 26 : i32
        %dma_start3A_514 = arith.constant 0 : i32
        %dma_start3A_515 = arith.constant 0 : i32
        %dma_start3A_516 = tpu.memref_slice %arg3[%dma_start3A_514, %dma_start3A_515] : memref<325000x128xf32, #tpu.memory_space<hbm>> -> memref<325000x128xf32, #tpu.memory_space<hbm>>
        tpu.enqueue_indirect_dma source(%dma_start3A_516 : memref<325000x128xf32, #tpu.memory_space<hbm>>) target(%arg10 : memref<416x128xf32, #tpu.memory_space<vmem>>) offsets(%arg8 : memref<416xi32, #tpu.memory_space<vmem>>) semaphore(%arg17 : memref<!tpu.dma_semaphore, #tpu.memory_space<semaphore_mem>>)
        %mul3A_517 = arith.constant 416 : i32
        %mul3A_518 = arith.muli %add3A_506, %mul3A_517 : i32
        %dma_start3A_519 = tpu.memref_slice %arg6[%mul3A_518] : memref<13312xi32, #tpu.memory_space<vmem>> -> memref<416xi32, #tpu.memory_space<vmem>>
        %dma_start3A_520 = arith.constant 0 : i32
        %dma_start3A_521 = tpu.memref_slice %arg4[%dma_start3A_520] : memref<2600000xf32, #tpu.memory_space<hbm>> -> memref<2600000xf32, #tpu.memory_space<hbm>>
        tpu.enqueue_indirect_dma source(%dma_start3A_521 : memref<2600000xf32, #tpu.memory_space<hbm>>) target(%arg12 : memref<416xf32, #tpu.memory_space<vmem>>) offsets(%dma_start3A_519 : memref<416xi32, #tpu.memory_space<vmem>>) semaphore(%arg19 : memref<!tpu.dma_semaphore, #tpu.memory_space<semaphore_mem>>)
      } else {
      }
      %dma_wait3A_35 = arith.constant 0 : i32
      %dma_wait3A_36 = arith.constant 0 : i32
      %dma_wait3A_37 = tpu.memref_slice %arg3[%dma_wait3A_35, %dma_wait3A_36] : memref<325000x128xf32, #tpu.memory_space<hbm>> -> memref<325000x128xf32, #tpu.memory_space<hbm>>
      tpu.wait_indirect_dma semaphore(%arg16 : memref<!tpu.dma_semaphore, #tpu.memory_space<semaphore_mem>>) src(%dma_wait3A_37 : memref<325000x128xf32, #tpu.memory_space<hbm>>) dst(%arg9 : memref<416x128xf32, #tpu.memory_space<vmem>>)
      %dma_wait3A_38 = arith.constant 0 : i32
      %dma_wait3A_39 = tpu.memref_slice %arg6[%dma_wait3A_38] : memref<13312xi32, #tpu.memory_space<vmem>> -> memref<416xi32, #tpu.memory_space<vmem>>
      %dma_wait3A_40 = arith.constant 0 : i32
      %dma_wait3A_41 = tpu.memref_slice %arg4[%dma_wait3A_40] : memref<2600000xf32, #tpu.memory_space<hbm>> -> memref<2600000xf32, #tpu.memory_space<hbm>>
      tpu.wait_indirect_dma semaphore(%arg18 : memref<!tpu.dma_semaphore, #tpu.memory_space<semaphore_mem>>) src(%dma_wait3A_41 : memref<2600000xf32, #tpu.memory_space<hbm>>) dst(%arg11 : memref<416xf32, #tpu.memory_space<vmem>>)
      %scan3A_42 = arith.constant 0 : i32
      %scan3A_43 = arith.constant 0 : i32
      %scan3A_44 = arith.constant 16 : i32
      %scan3A_45 = arith.addi %scan3A_43, %scan3A_44 : i32
      %scan3A_46 = arith.constant 1 : i32
      %scan3A_47 = scf.for %scan3A_505 = %scan3A_43 to %scan3A_45 step %scan3A_46 iter_args(%scan3A_506 = %scan3A_42) -> (i32)  : i32 {
        %mul3A_507 = arith.constant 416 : i32
        %mul3A_508 = arith.muli %mul3A_30, %mul3A_507 : i32
        %mul3A_509 = arith.constant 26 : i32
        %mul3A_510 = arith.muli %scan3A_505, %mul3A_509 : i32
        %add3A_511 = arith.addi %mul3A_508, %mul3A_510 : i32
        %get3A = arith.index_cast %add3A_511 : i32 to index
        %get3A_512 = tpu.vector_load %arg6[%get3A] {strides = array<i32>} : memref<13312xi32, #tpu.memory_space<vmem>>, vector<16xi32>,
        %add3A_513 = arith.constant 26 : i32
        %add3A_514 = arith.addi %add3A_511, %add3A_513 : i32
        %sub3A = arith.constant 16 : i32
        %sub3A_515 = arith.subi %add3A_514, %sub3A : i32
        %get3A_516 = arith.index_cast %sub3A_515 : i32 to index
        %get3A_517 = tpu.vector_load %arg6[%get3A_516] {strides = array<i32>} : memref<13312xi32, #tpu.memory_space<vmem>>, vector<16xi32>,
        %and3A = arith.constant 7 : i32
        %and3A_518 = vector.broadcast %and3A : i32 to vector<16xi32>
        %and3A_519 = arith.andi %get3A_512, %and3A_518 : vector<16xi32>
        %mul3A_520 = arith.constant 16 : i32
        %mul3A_521 = vector.broadcast %mul3A_520 : i32 to vector<16xi32>
        %mul3A_522 = arith.muli %and3A_519, %mul3A_521 : vector<16xi32>
        %and3A_523 = arith.constant 7 : i32
        %and3A_524 = vector.broadcast %and3A_523 : i32 to vector<16xi32>
        %and3A_525 = arith.andi %get3A_517, %and3A_524 : vector<16xi32>
        %mul3A_526 = arith.constant 16 : i32
        %mul3A_527 = vector.broadcast %mul3A_526 : i32 to vector<16xi32>
        %mul3A_528 = arith.muli %and3A_525, %mul3A_527 : vector<16xi32>
        %slice3A = vector.extract_strided_slice %mul3A_522 {offsets = [0], sizes = [1], strides = [1]} : vector<16xi32> to vector<1xi32>
        %squeeze3A = vector.extract %slice3A[0] : i32 from vector<1xi32>
        %mul3A_529 = arith.constant 26 : i32
        %mul3A_530 = arith.muli %scan3A_505, %mul3A_529 : i32
        %get3A_531 = arith.index_cast %mul3A_530 : i32 to index
        %get3A_532 = arith.index_cast %squeeze3A : i32 to index
        %get3A_533 = tpu.vector_load %arg9[%get3A_531, %get3A_532] {strides = array<i32>} : memref<416x128xf32, #tpu.memory_space<vmem>>, vector<16xf32>,
        %mul3A_534 = arith.mulf %get3A_533, %get3A_533 : vector<16xf32>
        %slice3A_535 = vector.extract_strided_slice %mul3A_522 {offsets = [1], sizes = [1], strides = [1]} : vector<16xi32> to vector<1xi32>
        %squeeze3A_536 = vector.extract %slice3A_535[0] : i32 from vector<1xi32>
        %mul3A_537 = arith.constant 26 : i32
        %mul3A_538 = arith.muli %scan3A_505, %mul3A_537 : i32
        %add3A_539 = arith.constant 1 : i32
        %add3A_540 = arith.addi %mul3A_538, %add3A_539 : i32
        %get3A_541 = arith.index_cast %add3A_540 : i32 to index
        %get3A_542 = arith.index_cast %squeeze3A_536 : i32 to index
        %get3A_543 = tpu.vector_load %arg9[%get3A_541, %get3A_542] {strides = array<i32>} : memref<416x128xf32, #tpu.memory_space<vmem>>, vector<16xf32>,
        %add3A_544 = arith.addf %get3A_533, %get3A_543 : vector<16xf32>
        %mul3A_545 = arith.mulf %get3A_543, %get3A_543 : vector<16xf32>
        %add3A_546 = arith.addf %mul3A_534, %mul3A_545 : vector<16xf32>
        %slice3A_547 = vector.extract_strided_slice %mul3A_522 {offsets = [2], sizes = [1], strides = [1]} : vector<16xi32> to vector<1xi32>
        %squeeze3A_548 = vector.extract %slice3A_547[0] : i32 from vector<1xi32>
        %mul3A_549 = arith.constant 26 : i32
        %mul3A_550 = arith.muli %scan3A_505, %mul3A_549 : i32
        %add3A_551 = arith.constant 2 : i32
        %add3A_552 = arith.addi %mul3A_550, %add3A_551 : i32
        %get3A_553 = arith.index_cast %add3A_552 : i32 to index
        %get3A_554 = arith.index_cast %squeeze3A_548 : i32 to index
        %get3A_555 = tpu.vector_load %arg9[%get3A_553, %get3A_554] {strides = array<i32>} : memref<416x128xf32, #tpu.memory_space<vmem>>, vector<16xf32>,
        %add3A_556 = arith.addf %add3A_544, %get3A_555 : vector<16xf32>
        %mul3A_557 = arith.mulf %get3A_555, %get3A_555 : vector<16xf32>
        %add3A_558 = arith.addf %add3A_546, %mul3A_557 : vector<16xf32>
        %slice3A_559 = vector.extract_strided_slice %mul3A_522 {offsets = [3], sizes = [1], strides = [1]} : vector<16xi32> to vector<1xi32>
        %squeeze3A_560 = vector.extract %slice3A_559[0] : i32 from vector<1xi32>
        %mul3A_561 = arith.constant 26 : i32
        %mul3A_562 = arith.muli %scan3A_505, %mul3A_561 : i32
        %add3A_563 = arith.constant 3 : i32
        %add3A_564 = arith.addi %mul3A_562, %add3A_563 : i32
        %get3A_565 = arith.index_cast %add3A_564 : i32 to index
        %get3A_566 = arith.index_cast %squeeze3A_560 : i32 to index
        %get3A_567 = tpu.vector_load %arg9[%get3A_565, %get3A_566] {strides = array<i32>} : memref<416x128xf32, #tpu.memory_space<vmem>>, vector<16xf32>,
        %add3A_568 = arith.addf %add3A_556, %get3A_567 : vector<16xf32>
        %mul3A_569 = arith.mulf %get3A_567, %get3A_567 : vector<16xf32>
        %add3A_570 = arith.addf %add3A_558, %mul3A_569 : vector<16xf32>
        %slice3A_571 = vector.extract_strided_slice %mul3A_522 {offsets = [4], sizes = [1], strides = [1]} : vector<16xi32> to vector<1xi32>
        %squeeze3A_572 = vector.extract %slice3A_571[0] : i32 from vector<1xi32>
        %mul3A_573 = arith.constant 26 : i32
        %mul3A_574 = arith.muli %scan3A_505, %mul3A_573 : i32
        %add3A_575 = arith.constant 4 : i32
        %add3A_576 = arith.addi %mul3A_574, %add3A_575 : i32
        %get3A_577 = arith.index_cast %add3A_576 : i32 to index
        %get3A_578 = arith.index_cast %squeeze3A_572 : i32 to index
        %get3A_579 = tpu.vector_load %arg9[%get3A_577, %get3A_578] {strides = array<i32>} : memref<416x128xf32, #tpu.memory_space<vmem>>, vector<16xf32>,
        %add3A_580 = arith.addf %add3A_568, %get3A_579 : vector<16xf32>
        %mul3A_581 = arith.mulf %get3A_579, %get3A_579 : vector<16xf32>
        %add3A_582 = arith.addf %add3A_570, %mul3A_581 : vector<16xf32>
        %slice3A_583 = vector.extract_strided_slice %mul3A_522 {offsets = [5], sizes = [1], strides = [1]} : vector<16xi32> to vector<1xi32>
        %squeeze3A_584 = vector.extract %slice3A_583[0] : i32 from vector<1xi32>
        %mul3A_585 = arith.constant 26 : i32
        %mul3A_586 = arith.muli %scan3A_505, %mul3A_585 : i32
        %add3A_587 = arith.constant 5 : i32
        %add3A_588 = arith.addi %mul3A_586, %add3A_587 : i32
        %get3A_589 = arith.index_cast %add3A_588 : i32 to index
        %get3A_590 = arith.index_cast %squeeze3A_584 : i32 to index
        %get3A_591 = tpu.vector_load %arg9[%get3A_589, %get3A_590] {strides = array<i32>} : memref<416x128xf32, #tpu.memory_space<vmem>>, vector<16xf32>,
        %add3A_592 = arith.addf %add3A_580, %get3A_591 : vector<16xf32>
        %mul3A_593 = arith.mulf %get3A_591, %get3A_591 : vector<16xf32>
        %add3A_594 = arith.addf %add3A_582, %mul3A_593 : vector<16xf32>
        %slice3A_595 = vector.extract_strided_slice %mul3A_522 {offsets = [6], sizes = [1], strides = [1]} : vector<16xi32> to vector<1xi32>
        %squeeze3A_596 = vector.extract %slice3A_595[0] : i32 from vector<1xi32>
        %mul3A_597 = arith.constant 26 : i32
        %mul3A_598 = arith.muli %scan3A_505, %mul3A_597 : i32
        %add3A_599 = arith.constant 6 : i32
        %add3A_600 = arith.addi %mul3A_598, %add3A_599 : i32
        %get3A_601 = arith.index_cast %add3A_600 : i32 to index
        %get3A_602 = arith.index_cast %squeeze3A_596 : i32 to index
        %get3A_603 = tpu.vector_load %arg9[%get3A_601, %get3A_602] {strides = array<i32>} : memref<416x128xf32, #tpu.memory_space<vmem>>, vector<16xf32>,
        %add3A_604 = arith.addf %add3A_592, %get3A_603 : vector<16xf32>
        %mul3A_605 = arith.mulf %get3A_603, %get3A_603 : vector<16xf32>
        %add3A_606 = arith.addf %add3A_594, %mul3A_605 : vector<16xf32>
        %slice3A_607 = vector.extract_strided_slice %mul3A_522 {offsets = [7], sizes = [1], strides = [1]} : vector<16xi32> to vector<1xi32>
        %squeeze3A_608 = vector.extract %slice3A_607[0] : i32 from vector<1xi32>
        %mul3A_609 = arith.constant 26 : i32
        %mul3A_610 = arith.muli %scan3A_505, %mul3A_609 : i32
        %add3A_611 = arith.constant 7 : i32
        %add3A_612 = arith.addi %mul3A_610, %add3A_611 : i32
        %get3A_613 = arith.index_cast %add3A_612 : i32 to index
        %get3A_614 = arith.index_cast %squeeze3A_608 : i32 to index
        %get3A_615 = tpu.vector_load %arg9[%get3A_613, %get3A_614] {strides = array<i32>} : memref<416x128xf32, #tpu.memory_space<vmem>>, vector<16xf32>,
        %add3A_616 = arith.addf %add3A_604, %get3A_615 : vector<16xf32>
        %mul3A_617 = arith.mulf %get3A_615, %get3A_615 : vector<16xf32>
        %add3A_618 = arith.addf %add3A_606, %mul3A_617 : vector<16xf32>
        %slice3A_619 = vector.extract_strided_slice %mul3A_522 {offsets = [8], sizes = [1], strides = [1]} : vector<16xi32> to vector<1xi32>
        %squeeze3A_620 = vector.extract %slice3A_619[0] : i32 from vector<1xi32>
        %mul3A_621 = arith.constant 26 : i32
        %mul3A_622 = arith.muli %scan3A_505, %mul3A_621 : i32
        %add3A_623 = arith.constant 8 : i32
        %add3A_624 = arith.addi %mul3A_622, %add3A_623 : i32
        %get3A_625 = arith.index_cast %add3A_624 : i32 to index
        %get3A_626 = arith.index_cast %squeeze3A_620 : i32 to index
        %get3A_627 = tpu.vector_load %arg9[%get3A_625, %get3A_626] {strides = array<i32>} : memref<416x128xf32, #tpu.memory_space<vmem>>, vector<16xf32>,
        %add3A_628 = arith.addf %add3A_616, %get3A_627 : vector<16xf32>
        %mul3A_629 = arith.mulf %get3A_627, %get3A_627 : vector<16xf32>
        %add3A_630 = arith.addf %add3A_618, %mul3A_629 : vector<16xf32>
        %slice3A_631 = vector.extract_strided_slice %mul3A_522 {offsets = [9], sizes = [1], strides = [1]} : vector<16xi32> to vector<1xi32>
        %squeeze3A_632 = vector.extract %slice3A_631[0] : i32 from vector<1xi32>
        %mul3A_633 = arith.constant 26 : i32
        %mul3A_634 = arith.muli %scan3A_505, %mul3A_633 : i32
        %add3A_635 = arith.constant 9 : i32
        %add3A_636 = arith.addi %mul3A_634, %add3A_635 : i32
        %get3A_637 = arith.index_cast %add3A_636 : i32 to index
        %get3A_638 = arith.index_cast %squeeze3A_632 : i32 to index
        %get3A_639 = tpu.vector_load %arg9[%get3A_637, %get3A_638] {strides = array<i32>} : memref<416x128xf32, #tpu.memory_space<vmem>>, vector<16xf32>,
        %add3A_640 = arith.addf %add3A_628, %get3A_639 : vector<16xf32>
        %mul3A_641 = arith.mulf %get3A_639, %get3A_639 : vector<16xf32>
        %add3A_642 = arith.addf %add3A_630, %mul3A_641 : vector<16xf32>
        %slice3A_643 = vector.extract_strided_slice %mul3A_522 {offsets = [10], sizes = [1], strides = [1]} : vector<16xi32> to vector<1xi32>
        %squeeze3A_644 = vector.extract %slice3A_643[0] : i32 from vector<1xi32>
        %mul3A_645 = arith.constant 26 : i32
        %mul3A_646 = arith.muli %scan3A_505, %mul3A_645 : i32
        %add3A_647 = arith.constant 10 : i32
        %add3A_648 = arith.addi %mul3A_646, %add3A_647 : i32
        %get3A_649 = arith.index_cast %add3A_648 : i32 to index
        %get3A_650 = arith.index_cast %squeeze3A_644 : i32 to index
        %get3A_651 = tpu.vector_load %arg9[%get3A_649, %get3A_650] {strides = array<i32>} : memref<416x128xf32, #tpu.memory_space<vmem>>, vector<16xf32>,
        %add3A_652 = arith.addf %add3A_640, %get3A_651 : vector<16xf32>
        %mul3A_653 = arith.mulf %get3A_651, %get3A_651 : vector<16xf32>
        %add3A_654 = arith.addf %add3A_642, %mul3A_653 : vector<16xf32>
        %slice3A_655 = vector.extract_strided_slice %mul3A_522 {offsets = [11], sizes = [1], strides = [1]} : vector<16xi32> to vector<1xi32>
        %squeeze3A_656 = vector.extract %slice3A_655[0] : i32 from vector<1xi32>
        %mul3A_657 = arith.constant 26 : i32
        %mul3A_658 = arith.muli %scan3A_505, %mul3A_657 : i32
        %add3A_659 = arith.constant 11 : i32
        %add3A_660 = arith.addi %mul3A_658, %add3A_659 : i32
        %get3A_661 = arith.index_cast %add3A_660 : i32 to index
        %get3A_662 = arith.index_cast %squeeze3A_656 : i32 to index
        %get3A_663 = tpu.vector_load %arg9[%get3A_661, %get3A_662] {strides = array<i32>} : memref<416x128xf32, #tpu.memory_space<vmem>>, vector<16xf32>,
        %add3A_664 = arith.addf %add3A_652, %get3A_663 : vector<16xf32>
        %mul3A_665 = arith.mulf %get3A_663, %get3A_663 : vector<16xf32>
        %add3A_666 = arith.addf %add3A_654, %mul3A_665 : vector<16xf32>
        %slice3A_667 = vector.extract_strided_slice %mul3A_522 {offsets = [12], sizes = [1], strides = [1]} : vector<16xi32> to vector<1xi32>
        %squeeze3A_668 = vector.extract %slice3A_667[0] : i32 from vector<1xi32>
        %mul3A_669 = arith.constant 26 : i32
        %mul3A_670 = arith.muli %scan3A_505, %mul3A_669 : i32
        %add3A_671 = arith.constant 12 : i32
        %add3A_672 = arith.addi %mul3A_670, %add3A_671 : i32
        %get3A_673 = arith.index_cast %add3A_672 : i32 to index
        %get3A_674 = arith.index_cast %squeeze3A_668 : i32 to index
        %get3A_675 = tpu.vector_load %arg9[%get3A_673, %get3A_674] {strides = array<i32>} : memref<416x128xf32, #tpu.memory_space<vmem>>, vector<16xf32>,
        %add3A_676 = arith.addf %add3A_664, %get3A_675 : vector<16xf32>
        %mul3A_677 = arith.mulf %get3A_675, %get3A_675 : vector<16xf32>
        %add3A_678 = arith.addf %add3A_666, %mul3A_677 : vector<16xf32>
        %slice3A_679 = vector.extract_strided_slice %mul3A_522 {offsets = [13], sizes = [1], strides = [1]} : vector<16xi32> to vector<1xi32>
        %squeeze3A_680 = vector.extract %slice3A_679[0] : i32 from vector<1xi32>
        %mul3A_681 = arith.constant 26 : i32
        %mul3A_682 = arith.muli %scan3A_505, %mul3A_681 : i32
        %add3A_683 = arith.constant 13 : i32
        %add3A_684 = arith.addi %mul3A_682, %add3A_683 : i32
        %get3A_685 = arith.index_cast %add3A_684 : i32 to index
        %get3A_686 = arith.index_cast %squeeze3A_680 : i32 to index
        %get3A_687 = tpu.vector_load %arg9[%get3A_685, %get3A_686] {strides = array<i32>} : memref<416x128xf32, #tpu.memory_space<vmem>>, vector<16xf32>,
        %add3A_688 = arith.addf %add3A_676, %get3A_687 : vector<16xf32>
        %mul3A_689 = arith.mulf %get3A_687, %get3A_687 : vector<16xf32>
        %add3A_690 = arith.addf %add3A_678, %mul3A_689 : vector<16xf32>
        %slice3A_691 = vector.extract_strided_slice %mul3A_522 {offsets = [14], sizes = [1], strides = [1]} : vector<16xi32> to vector<1xi32>
        %squeeze3A_692 = vector.extract %slice3A_691[0] : i32 from vector<1xi32>
        %mul3A_693 = arith.constant 26 : i32
        %mul3A_694 = arith.muli %scan3A_505, %mul3A_693 : i32
        %add3A_695 = arith.constant 14 : i32
        %add3A_696 = arith.addi %mul3A_694, %add3A_695 : i32
        %get3A_697 = arith.index_cast %add3A_696 : i32 to index
        %get3A_698 = arith.index_cast %squeeze3A_692 : i32 to index
        %get3A_699 = tpu.vector_load %arg9[%get3A_697, %get3A_698] {strides = array<i32>} : memref<416x128xf32, #tpu.memory_space<vmem>>, vector<16xf32>,
        %add3A_700 = arith.addf %add3A_688, %get3A_699 : vector<16xf32>
        %mul3A_701 = arith.mulf %get3A_699, %get3A_699 : vector<16xf32>
        %add3A_702 = arith.addf %add3A_690, %mul3A_701 : vector<16xf32>
        %slice3A_703 = vector.extract_strided_slice %mul3A_522 {offsets = [15], sizes = [1], strides = [1]} : vector<16xi32> to vector<1xi32>
        %squeeze3A_704 = vector.extract %slice3A_703[0] : i32 from vector<1xi32>
        %mul3A_705 = arith.constant 26 : i32
        %mul3A_706 = arith.muli %scan3A_505, %mul3A_705 : i32
        %add3A_707 = arith.constant 15 : i32
        %add3A_708 = arith.addi %mul3A_706, %add3A_707 : i32
        %get3A_709 = arith.index_cast %add3A_708 : i32 to index
        %get3A_710 = arith.index_cast %squeeze3A_704 : i32 to index
        %get3A_711 = tpu.vector_load %arg9[%get3A_709, %get3A_710] {strides = array<i32>} : memref<416x128xf32, #tpu.memory_space<vmem>>, vector<16xf32>,
        %add3A_712 = arith.addf %add3A_700, %get3A_711 : vector<16xf32>
        %mul3A_713 = arith.mulf %get3A_711, %get3A_711 : vector<16xf32>
        %add3A_714 = arith.addf %add3A_702, %mul3A_713 : vector<16xf32>
        %slice3A_715 = vector.extract_strided_slice %mul3A_528 {offsets = [6], sizes = [1], strides = [1]} : vector<16xi32> to vector<1xi32>
        %squeeze3A_716 = vector.extract %slice3A_715[0] : i32 from vector<1xi32>
        %mul3A_717 = arith.constant 26 : i32
        %mul3A_718 = arith.muli %scan3A_505, %mul3A_717 : i32
        %add3A_719 = arith.constant 16 : i32
        %add3A_720 = arith.addi %mul3A_718, %add3A_719 : i32
        %get3A_721 = arith.index_cast %add3A_720 : i32 to index
        %get3A_722 = arith.index_cast %squeeze3A_716 : i32 to index
        %get3A_723 = tpu.vector_load %arg9[%get3A_721, %get3A_722] {strides = array<i32>} : memref<416x128xf32, #tpu.memory_space<vmem>>, vector<16xf32>,
        %add3A_724 = arith.addf %add3A_712, %get3A_723 : vector<16xf32>
        %mul3A_725 = arith.mulf %get3A_723, %get3A_723 : vector<16xf32>
        %add3A_726 = arith.addf %add3A_714, %mul3A_725 : vector<16xf32>
        %slice3A_727 = vector.extract_strided_slice %mul3A_528 {offsets = [7], sizes = [1], strides = [1]} : vector<16xi32> to vector<1xi32>
        %squeeze3A_728 = vector.extract %slice3A_727[0] : i32 from vector<1xi32>
        %mul3A_729 = arith.constant 26 : i32
        %mul3A_730 = arith.muli %scan3A_505, %mul3A_729 : i32
        %add3A_731 = arith.constant 17 : i32
        %add3A_732 = arith.addi %mul3A_730, %add3A_731 : i32
        %get3A_733 = arith.index_cast %add3A_732 : i32 to index
        %get3A_734 = arith.index_cast %squeeze3A_728 : i32 to index
        %get3A_735 = tpu.vector_load %arg9[%get3A_733, %get3A_734] {strides = array<i32>} : memref<416x128xf32, #tpu.memory_space<vmem>>, vector<16xf32>,
        %add3A_736 = arith.addf %add3A_724, %get3A_735 : vector<16xf32>
        %mul3A_737 = arith.mulf %get3A_735, %get3A_735 : vector<16xf32>
        %add3A_738 = arith.addf %add3A_726, %mul3A_737 : vector<16xf32>
        %slice3A_739 = vector.extract_strided_slice %mul3A_528 {offsets = [8], sizes = [1], strides = [1]} : vector<16xi32> to vector<1xi32>
        %squeeze3A_740 = vector.extract %slice3A_739[0] : i32 from vector<1xi32>
        %mul3A_741 = arith.constant 26 : i32
        %mul3A_742 = arith.muli %scan3A_505, %mul3A_741 : i32
        %add3A_743 = arith.constant 18 : i32
        %add3A_744 = arith.addi %mul3A_742, %add3A_743 : i32
        %get3A_745 = arith.index_cast %add3A_744 : i32 to index
        %get3A_746 = arith.index_cast %squeeze3A_740 : i32 to index
        %get3A_747 = tpu.vector_load %arg9[%get3A_745, %get3A_746] {strides = array<i32>} : memref<416x128xf32, #tpu.memory_space<vmem>>, vector<16xf32>,
        %add3A_748 = arith.addf %add3A_736, %get3A_747 : vector<16xf32>
        %mul3A_749 = arith.mulf %get3A_747, %get3A_747 : vector<16xf32>
        %add3A_750 = arith.addf %add3A_738, %mul3A_749 : vector<16xf32>
        %slice3A_751 = vector.extract_strided_slice %mul3A_528 {offsets = [9], sizes = [1], strides = [1]} : vector<16xi32> to vector<1xi32>
        %squeeze3A_752 = vector.extract %slice3A_751[0] : i32 from vector<1xi32>
        %mul3A_753 = arith.constant 26 : i32
        %mul3A_754 = arith.muli %scan3A_505, %mul3A_753 : i32
        %add3A_755 = arith.constant 19 : i32
        %add3A_756 = arith.addi %mul3A_754, %add3A_755 : i32
        %get3A_757 = arith.index_cast %add3A_756 : i32 to index
        %get3A_758 = arith.index_cast %squeeze3A_752 : i32 to index
        %get3A_759 = tpu.vector_load %arg9[%get3A_757, %get3A_758] {strides = array<i32>} : memref<416x128xf32, #tpu.memory_space<vmem>>, vector<16xf32>,
        %add3A_760 = arith.addf %add3A_748, %get3A_759 : vector<16xf32>
        %mul3A_761 = arith.mulf %get3A_759, %get3A_759 : vector<16xf32>
        %add3A_762 = arith.addf %add3A_750, %mul3A_761 : vector<16xf32>
        %slice3A_763 = vector.extract_strided_slice %mul3A_528 {offsets = [10], sizes = [1], strides = [1]} : vector<16xi32> to vector<1xi32>
        %squeeze3A_764 = vector.extract %slice3A_763[0] : i32 from vector<1xi32>
        %mul3A_765 = arith.constant 26 : i32
        %mul3A_766 = arith.muli %scan3A_505, %mul3A_765 : i32
        %add3A_767 = arith.constant 20 : i32
        %add3A_768 = arith.addi %mul3A_766, %add3A_767 : i32
        %get3A_769 = arith.index_cast %add3A_768 : i32 to index
        %get3A_770 = arith.index_cast %squeeze3A_764 : i32 to index
        %get3A_771 = tpu.vector_load %arg9[%get3A_769, %get3A_770] {strides = array<i32>} : memref<416x128xf32, #tpu.memory_space<vmem>>, vector<16xf32>,
        %add3A_772 = arith.addf %add3A_760, %get3A_771 : vector<16xf32>
        %mul3A_773 = arith.mulf %get3A_771, %get3A_771 : vector<16xf32>
        %add3A_774 = arith.addf %add3A_762, %mul3A_773 : vector<16xf32>
        %slice3A_775 = vector.extract_strided_slice %mul3A_528 {offsets = [11], sizes = [1], strides = [1]} : vector<16xi32> to vector<1xi32>
        %squeeze3A_776 = vector.extract %slice3A_775[0] : i32 from vector<1xi32>
        %mul3A_777 = arith.constant 26 : i32
        %mul3A_778 = arith.muli %scan3A_505, %mul3A_777 : i32
        %add3A_779 = arith.constant 21 : i32
        %add3A_780 = arith.addi %mul3A_778, %add3A_779 : i32
        %get3A_781 = arith.index_cast %add3A_780 : i32 to index
        %get3A_782 = arith.index_cast %squeeze3A_776 : i32 to index
        %get3A_783 = tpu.vector_load %arg9[%get3A_781, %get3A_782] {strides = array<i32>} : memref<416x128xf32, #tpu.memory_space<vmem>>, vector<16xf32>,
        %add3A_784 = arith.addf %add3A_772, %get3A_783 : vector<16xf32>
        %mul3A_785 = arith.mulf %get3A_783, %get3A_783 : vector<16xf32>
        %add3A_786 = arith.addf %add3A_774, %mul3A_785 : vector<16xf32>
        %slice3A_787 = vector.extract_strided_slice %mul3A_528 {offsets = [12], sizes = [1], strides = [1]} : vector<16xi32> to vector<1xi32>
        %squeeze3A_788 = vector.extract %slice3A_787[0] : i32 from vector<1xi32>
        %mul3A_789 = arith.constant 26 : i32
        %mul3A_790 = arith.muli %scan3A_505, %mul3A_789 : i32
        %add3A_791 = arith.constant 22 : i32
        %add3A_792 = arith.addi %mul3A_790, %add3A_791 : i32
        %get3A_793 = arith.index_cast %add3A_792 : i32 to index
        %get3A_794 = arith.index_cast %squeeze3A_788 : i32 to index
        %get3A_795 = tpu.vector_load %arg9[%get3A_793, %get3A_794] {strides = array<i32>} : memref<416x128xf32, #tpu.memory_space<vmem>>, vector<16xf32>,
        %add3A_796 = arith.addf %add3A_784, %get3A_795 : vector<16xf32>
        %mul3A_797 = arith.mulf %get3A_795, %get3A_795 : vector<16xf32>
        %add3A_798 = arith.addf %add3A_786, %mul3A_797 : vector<16xf32>
        %slice3A_799 = vector.extract_strided_slice %mul3A_528 {offsets = [13], sizes = [1], strides = [1]} : vector<16xi32> to vector<1xi32>
        %squeeze3A_800 = vector.extract %slice3A_799[0] : i32 from vector<1xi32>
        %mul3A_801 = arith.constant 26 : i32
        %mul3A_802 = arith.muli %scan3A_505, %mul3A_801 : i32
        %add3A_803 = arith.constant 23 : i32
        %add3A_804 = arith.addi %mul3A_802, %add3A_803 : i32
        %get3A_805 = arith.index_cast %add3A_804 : i32 to index
        %get3A_806 = arith.index_cast %squeeze3A_800 : i32 to index
        %get3A_807 = tpu.vector_load %arg9[%get3A_805, %get3A_806] {strides = array<i32>} : memref<416x128xf32, #tpu.memory_space<vmem>>, vector<16xf32>,
        %add3A_808 = arith.addf %add3A_796, %get3A_807 : vector<16xf32>
        %mul3A_809 = arith.mulf %get3A_807, %get3A_807 : vector<16xf32>
        %add3A_810 = arith.addf %add3A_798, %mul3A_809 : vector<16xf32>
        %slice3A_811 = vector.extract_strided_slice %mul3A_528 {offsets = [14], sizes = [1], strides = [1]} : vector<16xi32> to vector<1xi32>
        %squeeze3A_812 = vector.extract %slice3A_811[0] : i32 from vector<1xi32>
        %mul3A_813 = arith.constant 26 : i32
        %mul3A_814 = arith.muli %scan3A_505, %mul3A_813 : i32
        %add3A_815 = arith.constant 24 : i32
        %add3A_816 = arith.addi %mul3A_814, %add3A_815 : i32
        %get3A_817 = arith.index_cast %add3A_816 : i32 to index
        %get3A_818 = arith.index_cast %squeeze3A_812 : i32 to index
        %get3A_819 = tpu.vector_load %arg9[%get3A_817, %get3A_818] {strides = array<i32>} : memref<416x128xf32, #tpu.memory_space<vmem>>, vector<16xf32>,
        %add3A_820 = arith.addf %add3A_808, %get3A_819 : vector<16xf32>
        %mul3A_821 = arith.mulf %get3A_819, %get3A_819 : vector<16xf32>
        %add3A_822 = arith.addf %add3A_810, %mul3A_821 : vector<16xf32>
        %slice3A_823 = vector.extract_strided_slice %mul3A_528 {offsets = [15], sizes = [1], strides = [1]} : vector<16xi32> to vector<1xi32>
        %squeeze3A_824 = vector.extract %slice3A_823[0] : i32 from vector<1xi32>
        %mul3A_825 = arith.constant 26 : i32
        %mul3A_826 = arith.muli %scan3A_505, %mul3A_825 : i32
        %add3A_827 = arith.constant 25 : i32
        %add3A_828 = arith.addi %mul3A_826, %add3A_827 : i32
        %get3A_829 = arith.index_cast %add3A_828 : i32 to index
        %get3A_830 = arith.index_cast %squeeze3A_824 : i32 to index
        %get3A_831 = tpu.vector_load %arg9[%get3A_829, %get3A_830] {strides = array<i32>} : memref<416x128xf32, #tpu.memory_space<vmem>>, vector<16xf32>,
        %add3A_832 = arith.addf %add3A_820, %get3A_831 : vector<16xf32>
        %mul3A_833 = arith.mulf %get3A_831, %get3A_831 : vector<16xf32>
        %add3A_834 = arith.addf %add3A_822, %mul3A_833 : vector<16xf32>
        %mul3A_835 = arith.mulf %add3A_832, %add3A_832 : vector<16xf32>
        %sub3A_836 = arith.subf %mul3A_835, %add3A_834 : vector<16xf32>
        %mul3A_837 = arith.constant 16 : i32
        %mul3A_838 = arith.muli %scan3A_505, %mul3A_837 : i32
        %swap3A_839 = arith.index_cast %mul3A_838 : i32 to index
        %swap3A_840 = tpu.vector_load %arg13[%swap3A_839] {strides = array<i32>} : memref<256xf32, #tpu.memory_space<vmem>>, vector<16xf32>,
        tpu.vector_store %arg13[%swap3A_839], %sub3A_836 {strides = array<i32>} : memref<256xf32, #tpu.memory_space<vmem>>, vector<16xf32>,
        %scan3A_841 = arith.constant 0 : i32
        scf.yield %scan3A_841 : i32
      }
      %scan3A_48 = arith.constant 16 : i32
      %mul3A_49 = arith.constant 16 : i32
      %mul3A_50 = vector.broadcast %mul3A_49 : i32 to vector<16xi32>
      %mul3A_51 = arith.muli %iota3A, %mul3A_50 : vector<16xi32>
      %gather3A = tpu.vector_load_idx %arg13[%mul3A_51] : memref<256xf32, #tpu.memory_space<vmem>>[vector<16xi32>], vector<16xf32>,
      %add3A_52 = arith.constant 1 : i32
      %add3A_53 = vector.broadcast %add3A_52 : i32 to vector<16xi32>
      %add3A_54 = arith.addi %mul3A_51, %add3A_53 : vector<16xi32>
      %gather3A_55 = tpu.vector_load_idx %arg13[%add3A_54] : memref<256xf32, #tpu.memory_space<vmem>>[vector<16xi32>], vector<16xf32>,
      %add3A_56 = arith.addf %gather3A, %gather3A_55 : vector<16xf32>
      %add3A_57 = arith.constant 2 : i32
      %add3A_58 = vector.broadcast %add3A_57 : i32 to vector<16xi32>
      %add3A_59 = arith.addi %mul3A_51, %add3A_58 : vector<16xi32>
      %gather3A_60 = tpu.vector_load_idx %arg13[%add3A_59] : memref<256xf32, #tpu.memory_space<vmem>>[vector<16xi32>], vector<16xf32>,
      %add3A_61 = arith.addf %add3A_56, %gather3A_60 : vector<16xf32>
      %add3A_62 = arith.constant 3 : i32
      %add3A_63 = vector.broadcast %add3A_62 : i32 to vector<16xi32>
      %add3A_64 = arith.addi %mul3A_51, %add3A_63 : vector<16xi32>
      %gather3A_65 = tpu.vector_load_idx %arg13[%add3A_64] : memref<256xf32, #tpu.memory_space<vmem>>[vector<16xi32>], vector<16xf32>,
      %add3A_66 = arith.addf %add3A_61, %gather3A_65 : vector<16xf32>
      %add3A_67 = arith.constant 4 : i32
      %add3A_68 = vector.broadcast %add3A_67 : i32 to vector<16xi32>
      %add3A_69 = arith.addi %mul3A_51, %add3A_68 : vector<16xi32>
      %gather3A_70 = tpu.vector_load_idx %arg13[%add3A_69] : memref<256xf32, #tpu.memory_space<vmem>>[vector<16xi32>], vector<16xf32>,
      %add3A_71 = arith.addf %add3A_66, %gather3A_70 : vector<16xf32>
      %add3A_72 = arith.constant 5 : i32
      %add3A_73 = vector.broadcast %add3A_72 : i32 to vector<16xi32>
      %add3A_74 = arith.addi %mul3A_51, %add3A_73 : vector<16xi32>
      %gather3A_75 = tpu.vector_load_idx %arg13[%add3A_74] : memref<256xf32, #tpu.memory_space<vmem>>[vector<16xi32>], vector<16xf32>,
      %add3A_76 = arith.addf %add3A_71, %gather3A_75 : vector<16xf32>
      %add3A_77 = arith.constant 6 : i32
      %add3A_78 = vector.broadcast %add3A_77 : i32 to vector<16xi32>
      %add3A_79 = arith.addi %mul3A_51, %add3A_78 : vector<16xi32>
      %gather3A_80 = tpu.vector_load_idx %arg13[%add3A_79] : memref<256xf32, #tpu.memory_space<vmem>>[vector<16xi32>], vector<16xf32>,
      %add3A_81 = arith.addf %add3A_76, %gather3A_80 : vector<16xf32>
      %add3A_82 = arith.constant 7 : i32
      %add3A_83 = vector.broadcast %add3A_82 : i32 to vector<16xi32>
      %add3A_84 = arith.addi %mul3A_51, %add3A_83 : vector<16xi32>
      %gather3A_85 = tpu.vector_load_idx %arg13[%add3A_84] : memref<256xf32, #tpu.memory_space<vmem>>[vector<16xi32>], vector<16xf32>,
      %add3A_86 = arith.addf %add3A_81, %gather3A_85 : vector<16xf32>
      %add3A_87 = arith.constant 8 : i32
      %add3A_88 = vector.broadcast %add3A_87 : i32 to vector<16xi32>
      %add3A_89 = arith.addi %mul3A_51, %add3A_88 : vector<16xi32>
      %gather3A_90 = tpu.vector_load_idx %arg13[%add3A_89] : memref<256xf32, #tpu.memory_space<vmem>>[vector<16xi32>], vector<16xf32>,
      %add3A_91 = arith.addf %add3A_86, %gather3A_90 : vector<16xf32>
      %add3A_92 = arith.constant 9 : i32
      %add3A_93 = vector.broadcast %add3A_92 : i32 to vector<16xi32>
      %add3A_94 = arith.addi %mul3A_51, %add3A_93 : vector<16xi32>
      %gather3A_95 = tpu.vector_load_idx %arg13[%add3A_94] : memref<256xf32, #tpu.memory_space<vmem>>[vector<16xi32>], vector<16xf32>,
      %add3A_96 = arith.addf %add3A_91, %gather3A_95 : vector<16xf32>
      %add3A_97 = arith.constant 10 : i32
      %add3A_98 = vector.broadcast %add3A_97 : i32 to vector<16xi32>
      %add3A_99 = arith.addi %mul3A_51, %add3A_98 : vector<16xi32>
      %gather3A_100 = tpu.vector_load_idx %arg13[%add3A_99] : memref<256xf32, #tpu.memory_space<vmem>>[vector<16xi32>], vector<16xf32>,
      %add3A_101 = arith.addf %add3A_96, %gather3A_100 : vector<16xf32>
      %add3A_102 = arith.constant 11 : i32
      %add3A_103 = vector.broadcast %add3A_102 : i32 to vector<16xi32>
      %add3A_104 = arith.addi %mul3A_51, %add3A_103 : vector<16xi32>
      %gather3A_105 = tpu.vector_load_idx %arg13[%add3A_104] : memref<256xf32, #tpu.memory_space<vmem>>[vector<16xi32>], vector<16xf32>,
      %add3A_106 = arith.addf %add3A_101, %gather3A_105 : vector<16xf32>
      %add3A_107 = arith.constant 12 : i32
      %add3A_108 = vector.broadcast %add3A_107 : i32 to vector<16xi32>
      %add3A_109 = arith.addi %mul3A_51, %add3A_108 : vector<16xi32>
      %gather3A_110 = tpu.vector_load_idx %arg13[%add3A_109] : memref<256xf32, #tpu.memory_space<vmem>>[vector<16xi32>], vector<16xf32>,
      %add3A_111 = arith.addf %add3A_106, %gather3A_110 : vector<16xf32>
      %add3A_112 = arith.constant 13 : i32
      %add3A_113 = vector.broadcast %add3A_112 : i32 to vector<16xi32>
      %add3A_114 = arith.addi %mul3A_51, %add3A_113 : vector<16xi32>
      %gather3A_115 = tpu.vector_load_idx %arg13[%add3A_114] : memref<256xf32, #tpu.memory_space<vmem>>[vector<16xi32>], vector<16xf32>,
      %add3A_116 = arith.addf %add3A_111, %gather3A_115 : vector<16xf32>
      %add3A_117 = arith.constant 14 : i32
      %add3A_118 = vector.broadcast %add3A_117 : i32 to vector<16xi32>
      %add3A_119 = arith.addi %mul3A_51, %add3A_118 : vector<16xi32>
      %gather3A_120 = tpu.vector_load_idx %arg13[%add3A_119] : memref<256xf32, #tpu.memory_space<vmem>>[vector<16xi32>], vector<16xf32>,
      %add3A_121 = arith.addf %add3A_116, %gather3A_120 : vector<16xf32>
      %add3A_122 = arith.constant 15 : i32
      %add3A_123 = vector.broadcast %add3A_122 : i32 to vector<16xi32>
      %add3A_124 = arith.addi %mul3A_51, %add3A_123 : vector<16xi32>
      %gather3A_125 = tpu.vector_load_idx %arg13[%add3A_124] : memref<256xf32, #tpu.memory_space<vmem>>[vector<16xi32>], vector<16xf32>,
      %add3A_126 = arith.addf %add3A_121, %gather3A_125 : vector<16xf32>
      %mul3A_127 = arith.constant 26 : i32
      %mul3A_128 = vector.broadcast %mul3A_127 : i32 to vector<16xi32>
      %mul3A_129 = arith.muli %iota3A, %mul3A_128 : vector<16xi32>
      %gather3A_130 = tpu.vector_load_idx %arg11[%mul3A_129] : memref<416xf32, #tpu.memory_space<vmem>>[vector<16xi32>], vector<16xf32>,
      %add3A_131 = arith.constant 1 : i32
      %add3A_132 = vector.broadcast %add3A_131 : i32 to vector<16xi32>
      %add3A_133 = arith.addi %mul3A_129, %add3A_132 : vector<16xi32>
      %gather3A_134 = tpu.vector_load_idx %arg11[%add3A_133] : memref<416xf32, #tpu.memory_space<vmem>>[vector<16xi32>], vector<16xf32>,
      %add3A_135 = arith.addf %gather3A_130, %gather3A_134 : vector<16xf32>
      %add3A_136 = arith.constant 2 : i32
      %add3A_137 = vector.broadcast %add3A_136 : i32 to vector<16xi32>
      %add3A_138 = arith.addi %mul3A_129, %add3A_137 : vector<16xi32>
      %gather3A_139 = tpu.vector_load_idx %arg11[%add3A_138] : memref<416xf32, #tpu.memory_space<vmem>>[vector<16xi32>], vector<16xf32>,
      %add3A_140 = arith.addf %add3A_135, %gather3A_139 : vector<16xf32>
      %add3A_141 = arith.constant 3 : i32
      %add3A_142 = vector.broadcast %add3A_141 : i32 to vector<16xi32>
      %add3A_143 = arith.addi %mul3A_129, %add3A_142 : vector<16xi32>
      %gather3A_144 = tpu.vector_load_idx %arg11[%add3A_143] : memref<416xf32, #tpu.memory_space<vmem>>[vector<16xi32>], vector<16xf32>,
      %add3A_145 = arith.addf %add3A_140, %gather3A_144 : vector<16xf32>
      %add3A_146 = arith.constant 4 : i32
      %add3A_147 = vector.broadcast %add3A_146 : i32 to vector<16xi32>
      %add3A_148 = arith.addi %mul3A_129, %add3A_147 : vector<16xi32>
      %gather3A_149 = tpu.vector_load_idx %arg11[%add3A_148] : memref<416xf32, #tpu.memory_space<vmem>>[vector<16xi32>], vector<16xf32>,
      %add3A_150 = arith.addf %add3A_145, %gather3A_149 : vector<16xf32>
      %add3A_151 = arith.constant 5 : i32
      %add3A_152 = vector.broadcast %add3A_151 : i32 to vector<16xi32>
      %add3A_153 = arith.addi %mul3A_129, %add3A_152 : vector<16xi32>
      %gather3A_154 = tpu.vector_load_idx %arg11[%add3A_153] : memref<416xf32, #tpu.memory_space<vmem>>[vector<16xi32>], vector<16xf32>,
      %add3A_155 = arith.addf %add3A_150, %gather3A_154 : vector<16xf32>
      %add3A_156 = arith.constant 6 : i32
      %add3A_157 = vector.broadcast %add3A_156 : i32 to vector<16xi32>
      %add3A_158 = arith.addi %mul3A_129, %add3A_157 : vector<16xi32>
      %gather3A_159 = tpu.vector_load_idx %arg11[%add3A_158] : memref<416xf32, #tpu.memory_space<vmem>>[vector<16xi32>], vector<16xf32>,
      %add3A_160 = arith.addf %add3A_155, %gather3A_159 : vector<16xf32>
      %add3A_161 = arith.constant 7 : i32
      %add3A_162 = vector.broadcast %add3A_161 : i32 to vector<16xi32>
      %add3A_163 = arith.addi %mul3A_129, %add3A_162 : vector<16xi32>
      %gather3A_164 = tpu.vector_load_idx %arg11[%add3A_163] : memref<416xf32, #tpu.memory_space<vmem>>[vector<16xi32>], vector<16xf32>,
      %add3A_165 = arith.addf %add3A_160, %gather3A_164 : vector<16xf32>
      %add3A_166 = arith.constant 8 : i32
      %add3A_167 = vector.broadcast %add3A_166 : i32 to vector<16xi32>
      %add3A_168 = arith.addi %mul3A_129, %add3A_167 : vector<16xi32>
      %gather3A_169 = tpu.vector_load_idx %arg11[%add3A_168] : memref<416xf32, #tpu.memory_space<vmem>>[vector<16xi32>], vector<16xf32>,
      %add3A_170 = arith.addf %add3A_165, %gather3A_169 : vector<16xf32>
      %add3A_171 = arith.constant 9 : i32
      %add3A_172 = vector.broadcast %add3A_171 : i32 to vector<16xi32>
      %add3A_173 = arith.addi %mul3A_129, %add3A_172 : vector<16xi32>
      %gather3A_174 = tpu.vector_load_idx %arg11[%add3A_173] : memref<416xf32, #tpu.memory_space<vmem>>[vector<16xi32>], vector<16xf32>,
      %add3A_175 = arith.addf %add3A_170, %gather3A_174 : vector<16xf32>
      %add3A_176 = arith.constant 10 : i32
      %add3A_177 = vector.broadcast %add3A_176 : i32 to vector<16xi32>
      %add3A_178 = arith.addi %mul3A_129, %add3A_177 : vector<16xi32>
      %gather3A_179 = tpu.vector_load_idx %arg11[%add3A_178] : memref<416xf32, #tpu.memory_space<vmem>>[vector<16xi32>], vector<16xf32>,
      %add3A_180 = arith.addf %add3A_175, %gather3A_179 : vector<16xf32>
      %add3A_181 = arith.constant 11 : i32
      %add3A_182 = vector.broadcast %add3A_181 : i32 to vector<16xi32>
      %add3A_183 = arith.addi %mul3A_129, %add3A_182 : vector<16xi32>
      %gather3A_184 = tpu.vector_load_idx %arg11[%add3A_183] : memref<416xf32, #tpu.memory_space<vmem>>[vector<16xi32>], vector<16xf32>,
      %add3A_185 = arith.addf %add3A_180, %gather3A_184 : vector<16xf32>
      %add3A_186 = arith.constant 12 : i32
      %add3A_187 = vector.broadcast %add3A_186 : i32 to vector<16xi32>
      %add3A_188 = arith.addi %mul3A_129, %add3A_187 : vector<16xi32>
      %gather3A_189 = tpu.vector_load_idx %arg11[%add3A_188] : memref<416xf32, #tpu.memory_space<vmem>>[vector<16xi32>], vector<16xf32>,
      %add3A_190 = arith.addf %add3A_185, %gather3A_189 : vector<16xf32>
      %add3A_191 = arith.constant 13 : i32
      %add3A_192 = vector.broadcast %add3A_191 : i32 to vector<16xi32>
      %add3A_193 = arith.addi %mul3A_129, %add3A_192 : vector<16xi32>
      %gather3A_194 = tpu.vector_load_idx %arg11[%add3A_193] : memref<416xf32, #tpu.memory_space<vmem>>[vector<16xi32>], vector<16xf32>,
      %add3A_195 = arith.addf %add3A_190, %gather3A_194 : vector<16xf32>
      %add3A_196 = arith.constant 14 : i32
      %add3A_197 = vector.broadcast %add3A_196 : i32 to vector<16xi32>
      %add3A_198 = arith.addi %mul3A_129, %add3A_197 : vector<16xi32>
      %gather3A_199 = tpu.vector_load_idx %arg11[%add3A_198] : memref<416xf32, #tpu.memory_space<vmem>>[vector<16xi32>], vector<16xf32>,
      %add3A_200 = arith.addf %add3A_195, %gather3A_199 : vector<16xf32>
      %add3A_201 = arith.constant 15 : i32
      %add3A_202 = vector.broadcast %add3A_201 : i32 to vector<16xi32>
      %add3A_203 = arith.addi %mul3A_129, %add3A_202 : vector<16xi32>
      %gather3A_204 = tpu.vector_load_idx %arg11[%add3A_203] : memref<416xf32, #tpu.memory_space<vmem>>[vector<16xi32>], vector<16xf32>,
      %add3A_205 = arith.addf %add3A_200, %gather3A_204 : vector<16xf32>
      %add3A_206 = arith.constant 16 : i32
      %add3A_207 = vector.broadcast %add3A_206 : i32 to vector<16xi32>
      %add3A_208 = arith.addi %mul3A_129, %add3A_207 : vector<16xi32>
      %gather3A_209 = tpu.vector_load_idx %arg11[%add3A_208] : memref<416xf32, #tpu.memory_space<vmem>>[vector<16xi32>], vector<16xf32>,
      %add3A_210 = arith.addf %add3A_205, %gather3A_209 : vector<16xf32>
      %add3A_211 = arith.constant 17 : i32
      %add3A_212 = vector.broadcast %add3A_211 : i32 to vector<16xi32>
      %add3A_213 = arith.addi %mul3A_129, %add3A_212 : vector<16xi32>
      %gather3A_214 = tpu.vector_load_idx %arg11[%add3A_213] : memref<416xf32, #tpu.memory_space<vmem>>[vector<16xi32>], vector<16xf32>,
      %add3A_215 = arith.addf %add3A_210, %gather3A_214 : vector<16xf32>
      %add3A_216 = arith.constant 18 : i32
      %add3A_217 = vector.broadcast %add3A_216 : i32 to vector<16xi32>
      %add3A_218 = arith.addi %mul3A_129, %add3A_217 : vector<16xi32>
      %gather3A_219 = tpu.vector_load_idx %arg11[%add3A_218] : memref<416xf32, #tpu.memory_space<vmem>>[vector<16xi32>], vector<16xf32>,
      %add3A_220 = arith.addf %add3A_215, %gather3A_219 : vector<16xf32>
      %add3A_221 = arith.constant 19 : i32
      %add3A_222 = vector.broadcast %add3A_221 : i32 to vector<16xi32>
      %add3A_223 = arith.addi %mul3A_129, %add3A_222 : vector<16xi32>
      %gather3A_224 = tpu.vector_load_idx %arg11[%add3A_223] : memref<416xf32, #tpu.memory_space<vmem>>[vector<16xi32>], vector<16xf32>,
      %add3A_225 = arith.addf %add3A_220, %gather3A_224 : vector<16xf32>
      %add3A_226 = arith.constant 20 : i32
      %add3A_227 = vector.broadcast %add3A_226 : i32 to vector<16xi32>
      %add3A_228 = arith.addi %mul3A_129, %add3A_227 : vector<16xi32>
      %gather3A_229 = tpu.vector_load_idx %arg11[%add3A_228] : memref<416xf32, #tpu.memory_space<vmem>>[vector<16xi32>], vector<16xf32>,
      %add3A_230 = arith.addf %add3A_225, %gather3A_229 : vector<16xf32>
      %add3A_231 = arith.constant 21 : i32
      %add3A_232 = vector.broadcast %add3A_231 : i32 to vector<16xi32>
      %add3A_233 = arith.addi %mul3A_129, %add3A_232 : vector<16xi32>
      %gather3A_234 = tpu.vector_load_idx %arg11[%add3A_233] : memref<416xf32, #tpu.memory_space<vmem>>[vector<16xi32>], vector<16xf32>,
      %add3A_235 = arith.addf %add3A_230, %gather3A_234 : vector<16xf32>
      %add3A_236 = arith.constant 22 : i32
      %add3A_237 = vector.broadcast %add3A_236 : i32 to vector<16xi32>
      %add3A_238 = arith.addi %mul3A_129, %add3A_237 : vector<16xi32>
      %gather3A_239 = tpu.vector_load_idx %arg11[%add3A_238] : memref<416xf32, #tpu.memory_space<vmem>>[vector<16xi32>], vector<16xf32>,
      %add3A_240 = arith.addf %add3A_235, %gather3A_239 : vector<16xf32>
      %add3A_241 = arith.constant 23 : i32
      %add3A_242 = vector.broadcast %add3A_241 : i32 to vector<16xi32>
      %add3A_243 = arith.addi %mul3A_129, %add3A_242 : vector<16xi32>
      %gather3A_244 = tpu.vector_load_idx %arg11[%add3A_243] : memref<416xf32, #tpu.memory_space<vmem>>[vector<16xi32>], vector<16xf32>,
      %add3A_245 = arith.addf %add3A_240, %gather3A_244 : vector<16xf32>
      %add3A_246 = arith.constant 24 : i32
      %add3A_247 = vector.broadcast %add3A_246 : i32 to vector<16xi32>
      %add3A_248 = arith.addi %mul3A_129, %add3A_247 : vector<16xi32>
      %gather3A_249 = tpu.vector_load_idx %arg11[%add3A_248] : memref<416xf32, #tpu.memory_space<vmem>>[vector<16xi32>], vector<16xf32>,
      %add3A_250 = arith.addf %add3A_245, %gather3A_249 : vector<16xf32>
      %add3A_251 = arith.constant 25 : i32
      %add3A_252 = vector.broadcast %add3A_251 : i32 to vector<16xi32>
      %add3A_253 = arith.addi %mul3A_129, %add3A_252 : vector<16xi32>
      %gather3A_254 = tpu.vector_load_idx %arg11[%add3A_253] : memref<416xf32, #tpu.memory_space<vmem>>[vector<16xi32>], vector<16xf32>,
      %add3A_255 = arith.addf %add3A_250, %gather3A_254 : vector<16xf32>
      %mul3A_256 = arith.constant 5.000000e-01 : f32
      %mul3A_257 = vector.broadcast %mul3A_256 : f32 to vector<16xf32>
      %mul3A_258 = arith.mulf %mul3A_257, %add3A_126 : vector<16xf32>
      %add3A_259 = arith.addf %mul3A_258, %add3A_255 : vector<16xf32>
      %mul3A_260 = arith.constant 16 : i32
      %mul3A_261 = arith.muli %mul3A_30, %mul3A_260 : i32
      %swap3A = arith.index_cast %mul3A_261 : i32 to index
      %swap3A_262 = tpu.vector_load %arg14[%swap3A] {strides = array<i32>} : memref<512xf32, #tpu.memory_space<vmem>>, vector<16xf32>,
      tpu.vector_store %arg14[%swap3A], %add3A_259 {strides = array<i32>} : memref<512xf32, #tpu.memory_space<vmem>>, vector<16xf32>,
      %mul3A_263 = arith.constant 2 : i32
      %mul3A_264 = arith.muli %mul3A_263, %scan3A_27 : i32
      %add3A_265 = arith.constant 1 : i32
      %add3A_266 = arith.addi %mul3A_264, %add3A_265 : i32
      %add3A_267 = arith.constant 1 : i32
      %add3A_268 = arith.addi %add3A_266, %add3A_267 : i32
      %lt3A_269 = arith.constant 32 : i32
      %lt3A_270 = arith.cmpi slt, %add3A_268, %lt3A_269 : i32
      %convert_element_type3A_271 = arith.extui %lt3A_270 : i1 to i32
      %cond3A_272 = arith.constant 0 : i32
      %cond3A_273 = arith.cmpi ne, %convert_element_type3A_271, %cond3A_272 : i32
      scf.if %cond3A_273 {
        %add3A_505 = arith.constant 1 : i32
        %add3A_506 = arith.addi %add3A_266, %add3A_505 : i32
        %scan3A_507 = arith.constant 0 : i32
        %scan3A_508 = arith.constant 0 : i32
        %scan3A_509 = arith.constant 26 : i32
        %scan3A_510 = arith.addi %scan3A_508, %scan3A_509 : i32
        %scan3A_511 = arith.constant 1 : i32
        %scan3A_512 = scf.for %scan3A_522 = %scan3A_508 to %scan3A_510 step %scan3A_511 iter_args(%scan3A_523 = %scan3A_507) -> (i32)  : i32 {
          %mul3A_524 = arith.constant 416 : i32
          %mul3A_525 = arith.muli %add3A_506, %mul3A_524 : i32
          %mul3A_526 = arith.constant 16 : i32
          %mul3A_527 = arith.muli %scan3A_522, %mul3A_526 : i32
          %add3A_528 = arith.addi %mul3A_525, %mul3A_527 : i32
          %get3A = arith.index_cast %add3A_528 : i32 to index
          %get3A_529 = tpu.vector_load %arg6[%get3A] {strides = array<i32>} : memref<13312xi32, #tpu.memory_space<vmem>>, vector<16xi32>,
          %shift_right_logical3A = arith.constant 3 : i32
          %shift_right_logical3A_530 = vector.broadcast %shift_right_logical3A : i32 to vector<16xi32>
          %shift_right_logical3A_531 = arith.shrui %get3A_529, %shift_right_logical3A_530 : vector<16xi32>
          %mul3A_532 = arith.constant 16 : i32
          %mul3A_533 = arith.muli %scan3A_522, %mul3A_532 : i32
          %swap3A_534 = arith.index_cast %mul3A_533 : i32 to index
          %swap3A_535 = tpu.vector_load %arg7[%swap3A_534] {strides = array<i32>} : memref<416xi32, #tpu.memory_space<vmem>>, vector<16xi32>,
          tpu.vector_store %arg7[%swap3A_534], %shift_right_logical3A_531 {strides = array<i32>} : memref<416xi32, #tpu.memory_space<vmem>>, vector<16xi32>,
          %scan3A_536 = arith.constant 0 : i32
          scf.yield %scan3A_536 : i32
        }
        %scan3A_513 = arith.constant 26 : i32
        %dma_start3A_514 = arith.constant 0 : i32
        %dma_start3A_515 = arith.constant 0 : i32
        %dma_start3A_516 = tpu.memref_slice %arg3[%dma_start3A_514, %dma_start3A_515] : memref<325000x128xf32, #tpu.memory_space<hbm>> -> memref<325000x128xf32, #tpu.memory_space<hbm>>
        tpu.enqueue_indirect_dma source(%dma_start3A_516 : memref<325000x128xf32, #tpu.memory_space<hbm>>) target(%arg9 : memref<416x128xf32, #tpu.memory_space<vmem>>) offsets(%arg7 : memref<416xi32, #tpu.memory_space<vmem>>) semaphore(%arg16 : memref<!tpu.dma_semaphore, #tpu.memory_space<semaphore_mem>>)
        %mul3A_517 = arith.constant 416 : i32
        %mul3A_518 = arith.muli %add3A_506, %mul3A_517 : i32
        %dma_start3A_519 = tpu.memref_slice %arg6[%mul3A_518] : memref<13312xi32, #tpu.memory_space<vmem>> -> memref<416xi32, #tpu.memory_space<vmem>>
        %dma_start3A_520 = arith.constant 0 : i32
        %dma_start3A_521 = tpu.memref_slice %arg4[%dma_start3A_520] : memref<2600000xf32, #tpu.memory_space<hbm>> -> memref<2600000xf32, #tpu.memory_space<hbm>>
        tpu.enqueue_indirect_dma source(%dma_start3A_521 : memref<2600000xf32, #tpu.memory_space<hbm>>) target(%arg11 : memref<416xf32, #tpu.memory_space<vmem>>) offsets(%dma_start3A_519 : memref<416xi32, #tpu.memory_space<vmem>>) semaphore(%arg18 : memref<!tpu.dma_semaphore, #tpu.memory_space<semaphore_mem>>)
      } else {
      }
      %dma_wait3A_274 = arith.constant 0 : i32
      %dma_wait3A_275 = arith.constant 0 : i32
      %dma_wait3A_276 = tpu.memref_slice %arg3[%dma_wait3A_274, %dma_wait3A_275] : memref<325000x128xf32, #tpu.memory_space<hbm>> -> memref<325000x128xf32, #tpu.memory_space<hbm>>
      tpu.wait_indirect_dma semaphore(%arg17 : memref<!tpu.dma_semaphore, #tpu.memory_space<semaphore_mem>>) src(%dma_wait3A_276 : memref<325000x128xf32, #tpu.memory_space<hbm>>) dst(%arg10 : memref<416x128xf32, #tpu.memory_space<vmem>>)
      %dma_wait3A_277 = arith.constant 0 : i32
      %dma_wait3A_278 = tpu.memref_slice %arg6[%dma_wait3A_277] : memref<13312xi32, #tpu.memory_space<vmem>> -> memref<416xi32, #tpu.memory_space<vmem>>
      %dma_wait3A_279 = arith.constant 0 : i32
      %dma_wait3A_280 = tpu.memref_slice %arg4[%dma_wait3A_279] : memref<2600000xf32, #tpu.memory_space<hbm>> -> memref<2600000xf32, #tpu.memory_space<hbm>>
      tpu.wait_indirect_dma semaphore(%arg19 : memref<!tpu.dma_semaphore, #tpu.memory_space<semaphore_mem>>) src(%dma_wait3A_280 : memref<2600000xf32, #tpu.memory_space<hbm>>) dst(%arg12 : memref<416xf32, #tpu.memory_space<vmem>>)
      %scan3A_281 = arith.constant 0 : i32
      %scan3A_282 = arith.constant 0 : i32
      %scan3A_283 = arith.constant 16 : i32
      %scan3A_284 = arith.addi %scan3A_282, %scan3A_283 : i32
      %scan3A_285 = arith.constant 1 : i32
      %scan3A_286 = scf.for %scan3A_505 = %scan3A_282 to %scan3A_284 step %scan3A_285 iter_args(%scan3A_506 = %scan3A_281) -> (i32)  : i32 {
        %mul3A_507 = arith.constant 416 : i32
        %mul3A_508 = arith.muli %add3A_266, %mul3A_507 : i32
        %mul3A_509 = arith.constant 26 : i32
        %mul3A_510 = arith.muli %scan3A_505, %mul3A_509 : i32
        %add3A_511 = arith.addi %mul3A_508, %mul3A_510 : i32
        %get3A = arith.index_cast %add3A_511 : i32 to index
        %get3A_512 = tpu.vector_load %arg6[%get3A] {strides = array<i32>} : memref<13312xi32, #tpu.memory_space<vmem>>, vector<16xi32>,
        %add3A_513 = arith.constant 26 : i32
        %add3A_514 = arith.addi %add3A_511, %add3A_513 : i32
        %sub3A = arith.constant 16 : i32
        %sub3A_515 = arith.subi %add3A_514, %sub3A : i32
        %get3A_516 = arith.index_cast %sub3A_515 : i32 to index
        %get3A_517 = tpu.vector_load %arg6[%get3A_516] {strides = array<i32>} : memref<13312xi32, #tpu.memory_space<vmem>>, vector<16xi32>,
        %and3A = arith.constant 7 : i32
        %and3A_518 = vector.broadcast %and3A : i32 to vector<16xi32>
        %and3A_519 = arith.andi %get3A_512, %and3A_518 : vector<16xi32>
        %mul3A_520 = arith.constant 16 : i32
        %mul3A_521 = vector.broadcast %mul3A_520 : i32 to vector<16xi32>
        %mul3A_522 = arith.muli %and3A_519, %mul3A_521 : vector<16xi32>
        %and3A_523 = arith.constant 7 : i32
        %and3A_524 = vector.broadcast %and3A_523 : i32 to vector<16xi32>
        %and3A_525 = arith.andi %get3A_517, %and3A_524 : vector<16xi32>
        %mul3A_526 = arith.constant 16 : i32
        %mul3A_527 = vector.broadcast %mul3A_526 : i32 to vector<16xi32>
        %mul3A_528 = arith.muli %and3A_525, %mul3A_527 : vector<16xi32>
        %slice3A = vector.extract_strided_slice %mul3A_522 {offsets = [0], sizes = [1], strides = [1]} : vector<16xi32> to vector<1xi32>
        %squeeze3A = vector.extract %slice3A[0] : i32 from vector<1xi32>
        %mul3A_529 = arith.constant 26 : i32
        %mul3A_530 = arith.muli %scan3A_505, %mul3A_529 : i32
        %get3A_531 = arith.index_cast %mul3A_530 : i32 to index
        %get3A_532 = arith.index_cast %squeeze3A : i32 to index
        %get3A_533 = tpu.vector_load %arg10[%get3A_531, %get3A_532] {strides = array<i32>} : memref<416x128xf32, #tpu.memory_space<vmem>>, vector<16xf32>,
        %mul3A_534 = arith.mulf %get3A_533, %get3A_533 : vector<16xf32>
        %slice3A_535 = vector.extract_strided_slice %mul3A_522 {offsets = [1], sizes = [1], strides = [1]} : vector<16xi32> to vector<1xi32>
        %squeeze3A_536 = vector.extract %slice3A_535[0] : i32 from vector<1xi32>
        %mul3A_537 = arith.constant 26 : i32
        %mul3A_538 = arith.muli %scan3A_505, %mul3A_537 : i32
        %add3A_539 = arith.constant 1 : i32
        %add3A_540 = arith.addi %mul3A_538, %add3A_539 : i32
        %get3A_541 = arith.index_cast %add3A_540 : i32 to index
        %get3A_542 = arith.index_cast %squeeze3A_536 : i32 to index
        %get3A_543 = tpu.vector_load %arg10[%get3A_541, %get3A_542] {strides = array<i32>} : memref<416x128xf32, #tpu.memory_space<vmem>>, vector<16xf32>,
        %add3A_544 = arith.addf %get3A_533, %get3A_543 : vector<16xf32>
        %mul3A_545 = arith.mulf %get3A_543, %get3A_543 : vector<16xf32>
        %add3A_546 = arith.addf %mul3A_534, %mul3A_545 : vector<16xf32>
        %slice3A_547 = vector.extract_strided_slice %mul3A_522 {offsets = [2], sizes = [1], strides = [1]} : vector<16xi32> to vector<1xi32>
        %squeeze3A_548 = vector.extract %slice3A_547[0] : i32 from vector<1xi32>
        %mul3A_549 = arith.constant 26 : i32
        %mul3A_550 = arith.muli %scan3A_505, %mul3A_549 : i32
        %add3A_551 = arith.constant 2 : i32
        %add3A_552 = arith.addi %mul3A_550, %add3A_551 : i32
        %get3A_553 = arith.index_cast %add3A_552 : i32 to index
        %get3A_554 = arith.index_cast %squeeze3A_548 : i32 to index
        %get3A_555 = tpu.vector_load %arg10[%get3A_553, %get3A_554] {strides = array<i32>} : memref<416x128xf32, #tpu.memory_space<vmem>>, vector<16xf32>,
        %add3A_556 = arith.addf %add3A_544, %get3A_555 : vector<16xf32>
        %mul3A_557 = arith.mulf %get3A_555, %get3A_555 : vector<16xf32>
        %add3A_558 = arith.addf %add3A_546, %mul3A_557 : vector<16xf32>
        %slice3A_559 = vector.extract_strided_slice %mul3A_522 {offsets = [3], sizes = [1], strides = [1]} : vector<16xi32> to vector<1xi32>
        %squeeze3A_560 = vector.extract %slice3A_559[0] : i32 from vector<1xi32>
        %mul3A_561 = arith.constant 26 : i32
        %mul3A_562 = arith.muli %scan3A_505, %mul3A_561 : i32
        %add3A_563 = arith.constant 3 : i32
        %add3A_564 = arith.addi %mul3A_562, %add3A_563 : i32
        %get3A_565 = arith.index_cast %add3A_564 : i32 to index
        %get3A_566 = arith.index_cast %squeeze3A_560 : i32 to index
        %get3A_567 = tpu.vector_load %arg10[%get3A_565, %get3A_566] {strides = array<i32>} : memref<416x128xf32, #tpu.memory_space<vmem>>, vector<16xf32>,
        %add3A_568 = arith.addf %add3A_556, %get3A_567 : vector<16xf32>
        %mul3A_569 = arith.mulf %get3A_567, %get3A_567 : vector<16xf32>
        %add3A_570 = arith.addf %add3A_558, %mul3A_569 : vector<16xf32>
        %slice3A_571 = vector.extract_strided_slice %mul3A_522 {offsets = [4], sizes = [1], strides = [1]} : vector<16xi32> to vector<1xi32>
        %squeeze3A_572 = vector.extract %slice3A_571[0] : i32 from vector<1xi32>
        %mul3A_573 = arith.constant 26 : i32
        %mul3A_574 = arith.muli %scan3A_505, %mul3A_573 : i32
        %add3A_575 = arith.constant 4 : i32
        %add3A_576 = arith.addi %mul3A_574, %add3A_575 : i32
        %get3A_577 = arith.index_cast %add3A_576 : i32 to index
        %get3A_578 = arith.index_cast %squeeze3A_572 : i32 to index
        %get3A_579 = tpu.vector_load %arg10[%get3A_577, %get3A_578] {strides = array<i32>} : memref<416x128xf32, #tpu.memory_space<vmem>>, vector<16xf32>,
        %add3A_580 = arith.addf %add3A_568, %get3A_579 : vector<16xf32>
        %mul3A_581 = arith.mulf %get3A_579, %get3A_579 : vector<16xf32>
        %add3A_582 = arith.addf %add3A_570, %mul3A_581 : vector<16xf32>
        %slice3A_583 = vector.extract_strided_slice %mul3A_522 {offsets = [5], sizes = [1], strides = [1]} : vector<16xi32> to vector<1xi32>
        %squeeze3A_584 = vector.extract %slice3A_583[0] : i32 from vector<1xi32>
        %mul3A_585 = arith.constant 26 : i32
        %mul3A_586 = arith.muli %scan3A_505, %mul3A_585 : i32
        %add3A_587 = arith.constant 5 : i32
        %add3A_588 = arith.addi %mul3A_586, %add3A_587 : i32
        %get3A_589 = arith.index_cast %add3A_588 : i32 to index
        %get3A_590 = arith.index_cast %squeeze3A_584 : i32 to index
        %get3A_591 = tpu.vector_load %arg10[%get3A_589, %get3A_590] {strides = array<i32>} : memref<416x128xf32, #tpu.memory_space<vmem>>, vector<16xf32>,
        %add3A_592 = arith.addf %add3A_580, %get3A_591 : vector<16xf32>
        %mul3A_593 = arith.mulf %get3A_591, %get3A_591 : vector<16xf32>
        %add3A_594 = arith.addf %add3A_582, %mul3A_593 : vector<16xf32>
        %slice3A_595 = vector.extract_strided_slice %mul3A_522 {offsets = [6], sizes = [1], strides = [1]} : vector<16xi32> to vector<1xi32>
        %squeeze3A_596 = vector.extract %slice3A_595[0] : i32 from vector<1xi32>
        %mul3A_597 = arith.constant 26 : i32
        %mul3A_598 = arith.muli %scan3A_505, %mul3A_597 : i32
        %add3A_599 = arith.constant 6 : i32
        %add3A_600 = arith.addi %mul3A_598, %add3A_599 : i32
        %get3A_601 = arith.index_cast %add3A_600 : i32 to index
        %get3A_602 = arith.index_cast %squeeze3A_596 : i32 to index
        %get3A_603 = tpu.vector_load %arg10[%get3A_601, %get3A_602] {strides = array<i32>} : memref<416x128xf32, #tpu.memory_space<vmem>>, vector<16xf32>,
        %add3A_604 = arith.addf %add3A_592, %get3A_603 : vector<16xf32>
        %mul3A_605 = arith.mulf %get3A_603, %get3A_603 : vector<16xf32>
        %add3A_606 = arith.addf %add3A_594, %mul3A_605 : vector<16xf32>
        %slice3A_607 = vector.extract_strided_slice %mul3A_522 {offsets = [7], sizes = [1], strides = [1]} : vector<16xi32> to vector<1xi32>
        %squeeze3A_608 = vector.extract %slice3A_607[0] : i32 from vector<1xi32>
        %mul3A_609 = arith.constant 26 : i32
        %mul3A_610 = arith.muli %scan3A_505, %mul3A_609 : i32
        %add3A_611 = arith.constant 7 : i32
        %add3A_612 = arith.addi %mul3A_610, %add3A_611 : i32
        %get3A_613 = arith.index_cast %add3A_612 : i32 to index
        %get3A_614 = arith.index_cast %squeeze3A_608 : i32 to index
        %get3A_615 = tpu.vector_load %arg10[%get3A_613, %get3A_614] {strides = array<i32>} : memref<416x128xf32, #tpu.memory_space<vmem>>, vector<16xf32>,
        %add3A_616 = arith.addf %add3A_604, %get3A_615 : vector<16xf32>
        %mul3A_617 = arith.mulf %get3A_615, %get3A_615 : vector<16xf32>
        %add3A_618 = arith.addf %add3A_606, %mul3A_617 : vector<16xf32>
        %slice3A_619 = vector.extract_strided_slice %mul3A_522 {offsets = [8], sizes = [1], strides = [1]} : vector<16xi32> to vector<1xi32>
        %squeeze3A_620 = vector.extract %slice3A_619[0] : i32 from vector<1xi32>
        %mul3A_621 = arith.constant 26 : i32
        %mul3A_622 = arith.muli %scan3A_505, %mul3A_621 : i32
        %add3A_623 = arith.constant 8 : i32
        %add3A_624 = arith.addi %mul3A_622, %add3A_623 : i32
        %get3A_625 = arith.index_cast %add3A_624 : i32 to index
        %get3A_626 = arith.index_cast %squeeze3A_620 : i32 to index
        %get3A_627 = tpu.vector_load %arg10[%get3A_625, %get3A_626] {strides = array<i32>} : memref<416x128xf32, #tpu.memory_space<vmem>>, vector<16xf32>,
        %add3A_628 = arith.addf %add3A_616, %get3A_627 : vector<16xf32>
        %mul3A_629 = arith.mulf %get3A_627, %get3A_627 : vector<16xf32>
        %add3A_630 = arith.addf %add3A_618, %mul3A_629 : vector<16xf32>
        %slice3A_631 = vector.extract_strided_slice %mul3A_522 {offsets = [9], sizes = [1], strides = [1]} : vector<16xi32> to vector<1xi32>
        %squeeze3A_632 = vector.extract %slice3A_631[0] : i32 from vector<1xi32>
        %mul3A_633 = arith.constant 26 : i32
        %mul3A_634 = arith.muli %scan3A_505, %mul3A_633 : i32
        %add3A_635 = arith.constant 9 : i32
        %add3A_636 = arith.addi %mul3A_634, %add3A_635 : i32
        %get3A_637 = arith.index_cast %add3A_636 : i32 to index
        %get3A_638 = arith.index_cast %squeeze3A_632 : i32 to index
        %get3A_639 = tpu.vector_load %arg10[%get3A_637, %get3A_638] {strides = array<i32>} : memref<416x128xf32, #tpu.memory_space<vmem>>, vector<16xf32>,
        %add3A_640 = arith.addf %add3A_628, %get3A_639 : vector<16xf32>
        %mul3A_641 = arith.mulf %get3A_639, %get3A_639 : vector<16xf32>
        %add3A_642 = arith.addf %add3A_630, %mul3A_641 : vector<16xf32>
        %slice3A_643 = vector.extract_strided_slice %mul3A_522 {offsets = [10], sizes = [1], strides = [1]} : vector<16xi32> to vector<1xi32>
        %squeeze3A_644 = vector.extract %slice3A_643[0] : i32 from vector<1xi32>
        %mul3A_645 = arith.constant 26 : i32
        %mul3A_646 = arith.muli %scan3A_505, %mul3A_645 : i32
        %add3A_647 = arith.constant 10 : i32
        %add3A_648 = arith.addi %mul3A_646, %add3A_647 : i32
        %get3A_649 = arith.index_cast %add3A_648 : i32 to index
        %get3A_650 = arith.index_cast %squeeze3A_644 : i32 to index
        %get3A_651 = tpu.vector_load %arg10[%get3A_649, %get3A_650] {strides = array<i32>} : memref<416x128xf32, #tpu.memory_space<vmem>>, vector<16xf32>,
        %add3A_652 = arith.addf %add3A_640, %get3A_651 : vector<16xf32>
        %mul3A_653 = arith.mulf %get3A_651, %get3A_651 : vector<16xf32>
        %add3A_654 = arith.addf %add3A_642, %mul3A_653 : vector<16xf32>
        %slice3A_655 = vector.extract_strided_slice %mul3A_522 {offsets = [11], sizes = [1], strides = [1]} : vector<16xi32> to vector<1xi32>
        %squeeze3A_656 = vector.extract %slice3A_655[0] : i32 from vector<1xi32>
        %mul3A_657 = arith.constant 26 : i32
        %mul3A_658 = arith.muli %scan3A_505, %mul3A_657 : i32
        %add3A_659 = arith.constant 11 : i32
        %add3A_660 = arith.addi %mul3A_658, %add3A_659 : i32
        %get3A_661 = arith.index_cast %add3A_660 : i32 to index
        %get3A_662 = arith.index_cast %squeeze3A_656 : i32 to index
        %get3A_663 = tpu.vector_load %arg10[%get3A_661, %get3A_662] {strides = array<i32>} : memref<416x128xf32, #tpu.memory_space<vmem>>, vector<16xf32>,
        %add3A_664 = arith.addf %add3A_652, %get3A_663 : vector<16xf32>
        %mul3A_665 = arith.mulf %get3A_663, %get3A_663 : vector<16xf32>
        %add3A_666 = arith.addf %add3A_654, %mul3A_665 : vector<16xf32>
        %slice3A_667 = vector.extract_strided_slice %mul3A_522 {offsets = [12], sizes = [1], strides = [1]} : vector<16xi32> to vector<1xi32>
        %squeeze3A_668 = vector.extract %slice3A_667[0] : i32 from vector<1xi32>
        %mul3A_669 = arith.constant 26 : i32
        %mul3A_670 = arith.muli %scan3A_505, %mul3A_669 : i32
        %add3A_671 = arith.constant 12 : i32
        %add3A_672 = arith.addi %mul3A_670, %add3A_671 : i32
        %get3A_673 = arith.index_cast %add3A_672 : i32 to index
        %get3A_674 = arith.index_cast %squeeze3A_668 : i32 to index
        %get3A_675 = tpu.vector_load %arg10[%get3A_673, %get3A_674] {strides = array<i32>} : memref<416x128xf32, #tpu.memory_space<vmem>>, vector<16xf32>,
        %add3A_676 = arith.addf %add3A_664, %get3A_675 : vector<16xf32>
        %mul3A_677 = arith.mulf %get3A_675, %get3A_675 : vector<16xf32>
        %add3A_678 = arith.addf %add3A_666, %mul3A_677 : vector<16xf32>
        %slice3A_679 = vector.extract_strided_slice %mul3A_522 {offsets = [13], sizes = [1], strides = [1]} : vector<16xi32> to vector<1xi32>
        %squeeze3A_680 = vector.extract %slice3A_679[0] : i32 from vector<1xi32>
        %mul3A_681 = arith.constant 26 : i32
        %mul3A_682 = arith.muli %scan3A_505, %mul3A_681 : i32
        %add3A_683 = arith.constant 13 : i32
        %add3A_684 = arith.addi %mul3A_682, %add3A_683 : i32
        %get3A_685 = arith.index_cast %add3A_684 : i32 to index
        %get3A_686 = arith.index_cast %squeeze3A_680 : i32 to index
        %get3A_687 = tpu.vector_load %arg10[%get3A_685, %get3A_686] {strides = array<i32>} : memref<416x128xf32, #tpu.memory_space<vmem>>, vector<16xf32>,
        %add3A_688 = arith.addf %add3A_676, %get3A_687 : vector<16xf32>
        %mul3A_689 = arith.mulf %get3A_687, %get3A_687 : vector<16xf32>
        %add3A_690 = arith.addf %add3A_678, %mul3A_689 : vector<16xf32>
        %slice3A_691 = vector.extract_strided_slice %mul3A_522 {offsets = [14], sizes = [1], strides = [1]} : vector<16xi32> to vector<1xi32>
        %squeeze3A_692 = vector.extract %slice3A_691[0] : i32 from vector<1xi32>
        %mul3A_693 = arith.constant 26 : i32
        %mul3A_694 = arith.muli %scan3A_505, %mul3A_693 : i32
        %add3A_695 = arith.constant 14 : i32
        %add3A_696 = arith.addi %mul3A_694, %add3A_695 : i32
        %get3A_697 = arith.index_cast %add3A_696 : i32 to index
        %get3A_698 = arith.index_cast %squeeze3A_692 : i32 to index
        %get3A_699 = tpu.vector_load %arg10[%get3A_697, %get3A_698] {strides = array<i32>} : memref<416x128xf32, #tpu.memory_space<vmem>>, vector<16xf32>,
        %add3A_700 = arith.addf %add3A_688, %get3A_699 : vector<16xf32>
        %mul3A_701 = arith.mulf %get3A_699, %get3A_699 : vector<16xf32>
        %add3A_702 = arith.addf %add3A_690, %mul3A_701 : vector<16xf32>
        %slice3A_703 = vector.extract_strided_slice %mul3A_522 {offsets = [15], sizes = [1], strides = [1]} : vector<16xi32> to vector<1xi32>
        %squeeze3A_704 = vector.extract %slice3A_703[0] : i32 from vector<1xi32>
        %mul3A_705 = arith.constant 26 : i32
        %mul3A_706 = arith.muli %scan3A_505, %mul3A_705 : i32
        %add3A_707 = arith.constant 15 : i32
        %add3A_708 = arith.addi %mul3A_706, %add3A_707 : i32
        %get3A_709 = arith.index_cast %add3A_708 : i32 to index
        %get3A_710 = arith.index_cast %squeeze3A_704 : i32 to index
        %get3A_711 = tpu.vector_load %arg10[%get3A_709, %get3A_710] {strides = array<i32>} : memref<416x128xf32, #tpu.memory_space<vmem>>, vector<16xf32>,
        %add3A_712 = arith.addf %add3A_700, %get3A_711 : vector<16xf32>
        %mul3A_713 = arith.mulf %get3A_711, %get3A_711 : vector<16xf32>
        %add3A_714 = arith.addf %add3A_702, %mul3A_713 : vector<16xf32>
        %slice3A_715 = vector.extract_strided_slice %mul3A_528 {offsets = [6], sizes = [1], strides = [1]} : vector<16xi32> to vector<1xi32>
        %squeeze3A_716 = vector.extract %slice3A_715[0] : i32 from vector<1xi32>
        %mul3A_717 = arith.constant 26 : i32
        %mul3A_718 = arith.muli %scan3A_505, %mul3A_717 : i32
        %add3A_719 = arith.constant 16 : i32
        %add3A_720 = arith.addi %mul3A_718, %add3A_719 : i32
        %get3A_721 = arith.index_cast %add3A_720 : i32 to index
        %get3A_722 = arith.index_cast %squeeze3A_716 : i32 to index
        %get3A_723 = tpu.vector_load %arg10[%get3A_721, %get3A_722] {strides = array<i32>} : memref<416x128xf32, #tpu.memory_space<vmem>>, vector<16xf32>,
        %add3A_724 = arith.addf %add3A_712, %get3A_723 : vector<16xf32>
        %mul3A_725 = arith.mulf %get3A_723, %get3A_723 : vector<16xf32>
        %add3A_726 = arith.addf %add3A_714, %mul3A_725 : vector<16xf32>
        %slice3A_727 = vector.extract_strided_slice %mul3A_528 {offsets = [7], sizes = [1], strides = [1]} : vector<16xi32> to vector<1xi32>
        %squeeze3A_728 = vector.extract %slice3A_727[0] : i32 from vector<1xi32>
        %mul3A_729 = arith.constant 26 : i32
        %mul3A_730 = arith.muli %scan3A_505, %mul3A_729 : i32
        %add3A_731 = arith.constant 17 : i32
        %add3A_732 = arith.addi %mul3A_730, %add3A_731 : i32
        %get3A_733 = arith.index_cast %add3A_732 : i32 to index
        %get3A_734 = arith.index_cast %squeeze3A_728 : i32 to index
        %get3A_735 = tpu.vector_load %arg10[%get3A_733, %get3A_734] {strides = array<i32>} : memref<416x128xf32, #tpu.memory_space<vmem>>, vector<16xf32>,
        %add3A_736 = arith.addf %add3A_724, %get3A_735 : vector<16xf32>
        %mul3A_737 = arith.mulf %get3A_735, %get3A_735 : vector<16xf32>
        %add3A_738 = arith.addf %add3A_726, %mul3A_737 : vector<16xf32>
        %slice3A_739 = vector.extract_strided_slice %mul3A_528 {offsets = [8], sizes = [1], strides = [1]} : vector<16xi32> to vector<1xi32>
        %squeeze3A_740 = vector.extract %slice3A_739[0] : i32 from vector<1xi32>
        %mul3A_741 = arith.constant 26 : i32
        %mul3A_742 = arith.muli %scan3A_505, %mul3A_741 : i32
        %add3A_743 = arith.constant 18 : i32
        %add3A_744 = arith.addi %mul3A_742, %add3A_743 : i32
        %get3A_745 = arith.index_cast %add3A_744 : i32 to index
        %get3A_746 = arith.index_cast %squeeze3A_740 : i32 to index
        %get3A_747 = tpu.vector_load %arg10[%get3A_745, %get3A_746] {strides = array<i32>} : memref<416x128xf32, #tpu.memory_space<vmem>>, vector<16xf32>,
        %add3A_748 = arith.addf %add3A_736, %get3A_747 : vector<16xf32>
        %mul3A_749 = arith.mulf %get3A_747, %get3A_747 : vector<16xf32>
        %add3A_750 = arith.addf %add3A_738, %mul3A_749 : vector<16xf32>
        %slice3A_751 = vector.extract_strided_slice %mul3A_528 {offsets = [9], sizes = [1], strides = [1]} : vector<16xi32> to vector<1xi32>
        %squeeze3A_752 = vector.extract %slice3A_751[0] : i32 from vector<1xi32>
        %mul3A_753 = arith.constant 26 : i32
        %mul3A_754 = arith.muli %scan3A_505, %mul3A_753 : i32
        %add3A_755 = arith.constant 19 : i32
        %add3A_756 = arith.addi %mul3A_754, %add3A_755 : i32
        %get3A_757 = arith.index_cast %add3A_756 : i32 to index
        %get3A_758 = arith.index_cast %squeeze3A_752 : i32 to index
        %get3A_759 = tpu.vector_load %arg10[%get3A_757, %get3A_758] {strides = array<i32>} : memref<416x128xf32, #tpu.memory_space<vmem>>, vector<16xf32>,
        %add3A_760 = arith.addf %add3A_748, %get3A_759 : vector<16xf32>
        %mul3A_761 = arith.mulf %get3A_759, %get3A_759 : vector<16xf32>
        %add3A_762 = arith.addf %add3A_750, %mul3A_761 : vector<16xf32>
        %slice3A_763 = vector.extract_strided_slice %mul3A_528 {offsets = [10], sizes = [1], strides = [1]} : vector<16xi32> to vector<1xi32>
        %squeeze3A_764 = vector.extract %slice3A_763[0] : i32 from vector<1xi32>
        %mul3A_765 = arith.constant 26 : i32
        %mul3A_766 = arith.muli %scan3A_505, %mul3A_765 : i32
        %add3A_767 = arith.constant 20 : i32
        %add3A_768 = arith.addi %mul3A_766, %add3A_767 : i32
        %get3A_769 = arith.index_cast %add3A_768 : i32 to index
        %get3A_770 = arith.index_cast %squeeze3A_764 : i32 to index
        %get3A_771 = tpu.vector_load %arg10[%get3A_769, %get3A_770] {strides = array<i32>} : memref<416x128xf32, #tpu.memory_space<vmem>>, vector<16xf32>,
        %add3A_772 = arith.addf %add3A_760, %get3A_771 : vector<16xf32>
        %mul3A_773 = arith.mulf %get3A_771, %get3A_771 : vector<16xf32>
        %add3A_774 = arith.addf %add3A_762, %mul3A_773 : vector<16xf32>
        %slice3A_775 = vector.extract_strided_slice %mul3A_528 {offsets = [11], sizes = [1], strides = [1]} : vector<16xi32> to vector<1xi32>
        %squeeze3A_776 = vector.extract %slice3A_775[0] : i32 from vector<1xi32>
        %mul3A_777 = arith.constant 26 : i32
        %mul3A_778 = arith.muli %scan3A_505, %mul3A_777 : i32
        %add3A_779 = arith.constant 21 : i32
        %add3A_780 = arith.addi %mul3A_778, %add3A_779 : i32
        %get3A_781 = arith.index_cast %add3A_780 : i32 to index
        %get3A_782 = arith.index_cast %squeeze3A_776 : i32 to index
        %get3A_783 = tpu.vector_load %arg10[%get3A_781, %get3A_782] {strides = array<i32>} : memref<416x128xf32, #tpu.memory_space<vmem>>, vector<16xf32>,
        %add3A_784 = arith.addf %add3A_772, %get3A_783 : vector<16xf32>
        %mul3A_785 = arith.mulf %get3A_783, %get3A_783 : vector<16xf32>
        %add3A_786 = arith.addf %add3A_774, %mul3A_785 : vector<16xf32>
        %slice3A_787 = vector.extract_strided_slice %mul3A_528 {offsets = [12], sizes = [1], strides = [1]} : vector<16xi32> to vector<1xi32>
        %squeeze3A_788 = vector.extract %slice3A_787[0] : i32 from vector<1xi32>
        %mul3A_789 = arith.constant 26 : i32
        %mul3A_790 = arith.muli %scan3A_505, %mul3A_789 : i32
        %add3A_791 = arith.constant 22 : i32
        %add3A_792 = arith.addi %mul3A_790, %add3A_791 : i32
        %get3A_793 = arith.index_cast %add3A_792 : i32 to index
        %get3A_794 = arith.index_cast %squeeze3A_788 : i32 to index
        %get3A_795 = tpu.vector_load %arg10[%get3A_793, %get3A_794] {strides = array<i32>} : memref<416x128xf32, #tpu.memory_space<vmem>>, vector<16xf32>,
        %add3A_796 = arith.addf %add3A_784, %get3A_795 : vector<16xf32>
        %mul3A_797 = arith.mulf %get3A_795, %get3A_795 : vector<16xf32>
        %add3A_798 = arith.addf %add3A_786, %mul3A_797 : vector<16xf32>
        %slice3A_799 = vector.extract_strided_slice %mul3A_528 {offsets = [13], sizes = [1], strides = [1]} : vector<16xi32> to vector<1xi32>
        %squeeze3A_800 = vector.extract %slice3A_799[0] : i32 from vector<1xi32>
        %mul3A_801 = arith.constant 26 : i32
        %mul3A_802 = arith.muli %scan3A_505, %mul3A_801 : i32
        %add3A_803 = arith.constant 23 : i32
        %add3A_804 = arith.addi %mul3A_802, %add3A_803 : i32
        %get3A_805 = arith.index_cast %add3A_804 : i32 to index
        %get3A_806 = arith.index_cast %squeeze3A_800 : i32 to index
        %get3A_807 = tpu.vector_load %arg10[%get3A_805, %get3A_806] {strides = array<i32>} : memref<416x128xf32, #tpu.memory_space<vmem>>, vector<16xf32>,
        %add3A_808 = arith.addf %add3A_796, %get3A_807 : vector<16xf32>
        %mul3A_809 = arith.mulf %get3A_807, %get3A_807 : vector<16xf32>
        %add3A_810 = arith.addf %add3A_798, %mul3A_809 : vector<16xf32>
        %slice3A_811 = vector.extract_strided_slice %mul3A_528 {offsets = [14], sizes = [1], strides = [1]} : vector<16xi32> to vector<1xi32>
        %squeeze3A_812 = vector.extract %slice3A_811[0] : i32 from vector<1xi32>
        %mul3A_813 = arith.constant 26 : i32
        %mul3A_814 = arith.muli %scan3A_505, %mul3A_813 : i32
        %add3A_815 = arith.constant 24 : i32
        %add3A_816 = arith.addi %mul3A_814, %add3A_815 : i32
        %get3A_817 = arith.index_cast %add3A_816 : i32 to index
        %get3A_818 = arith.index_cast %squeeze3A_812 : i32 to index
        %get3A_819 = tpu.vector_load %arg10[%get3A_817, %get3A_818] {strides = array<i32>} : memref<416x128xf32, #tpu.memory_space<vmem>>, vector<16xf32>,
        %add3A_820 = arith.addf %add3A_808, %get3A_819 : vector<16xf32>
        %mul3A_821 = arith.mulf %get3A_819, %get3A_819 : vector<16xf32>
        %add3A_822 = arith.addf %add3A_810, %mul3A_821 : vector<16xf32>
        %slice3A_823 = vector.extract_strided_slice %mul3A_528 {offsets = [15], sizes = [1], strides = [1]} : vector<16xi32> to vector<1xi32>
        %squeeze3A_824 = vector.extract %slice3A_823[0] : i32 from vector<1xi32>
        %mul3A_825 = arith.constant 26 : i32
        %mul3A_826 = arith.muli %scan3A_505, %mul3A_825 : i32
        %add3A_827 = arith.constant 25 : i32
        %add3A_828 = arith.addi %mul3A_826, %add3A_827 : i32
        %get3A_829 = arith.index_cast %add3A_828 : i32 to index
        %get3A_830 = arith.index_cast %squeeze3A_824 : i32 to index
        %get3A_831 = tpu.vector_load %arg10[%get3A_829, %get3A_830] {strides = array<i32>} : memref<416x128xf32, #tpu.memory_space<vmem>>, vector<16xf32>,
        %add3A_832 = arith.addf %add3A_820, %get3A_831 : vector<16xf32>
        %mul3A_833 = arith.mulf %get3A_831, %get3A_831 : vector<16xf32>
        %add3A_834 = arith.addf %add3A_822, %mul3A_833 : vector<16xf32>
        %mul3A_835 = arith.mulf %add3A_832, %add3A_832 : vector<16xf32>
        %sub3A_836 = arith.subf %mul3A_835, %add3A_834 : vector<16xf32>
        %mul3A_837 = arith.constant 16 : i32
        %mul3A_838 = arith.muli %scan3A_505, %mul3A_837 : i32
        %swap3A_839 = arith.index_cast %mul3A_838 : i32 to index
        %swap3A_840 = tpu.vector_load %arg13[%swap3A_839] {strides = array<i32>} : memref<256xf32, #tpu.memory_space<vmem>>, vector<16xf32>,
        tpu.vector_store %arg13[%swap3A_839], %sub3A_836 {strides = array<i32>} : memref<256xf32, #tpu.memory_space<vmem>>, vector<16xf32>,
        %scan3A_841 = arith.constant 0 : i32
        scf.yield %scan3A_841 : i32
      }
      %scan3A_287 = arith.constant 16 : i32
      %mul3A_288 = arith.constant 16 : i32
      %mul3A_289 = vector.broadcast %mul3A_288 : i32 to vector<16xi32>
      %mul3A_290 = arith.muli %iota3A, %mul3A_289 : vector<16xi32>
      %gather3A_291 = tpu.vector_load_idx %arg13[%mul3A_290] : memref<256xf32, #tpu.memory_space<vmem>>[vector<16xi32>], vector<16xf32>,
      %add3A_292 = arith.constant 1 : i32
      %add3A_293 = vector.broadcast %add3A_292 : i32 to vector<16xi32>
      %add3A_294 = arith.addi %mul3A_290, %add3A_293 : vector<16xi32>
      %gather3A_295 = tpu.vector_load_idx %arg13[%add3A_294] : memref<256xf32, #tpu.memory_space<vmem>>[vector<16xi32>], vector<16xf32>,
      %add3A_296 = arith.addf %gather3A_291, %gather3A_295 : vector<16xf32>
      %add3A_297 = arith.constant 2 : i32
      %add3A_298 = vector.broadcast %add3A_297 : i32 to vector<16xi32>
      %add3A_299 = arith.addi %mul3A_290, %add3A_298 : vector<16xi32>
      %gather3A_300 = tpu.vector_load_idx %arg13[%add3A_299] : memref<256xf32, #tpu.memory_space<vmem>>[vector<16xi32>], vector<16xf32>,
      %add3A_301 = arith.addf %add3A_296, %gather3A_300 : vector<16xf32>
      %add3A_302 = arith.constant 3 : i32
      %add3A_303 = vector.broadcast %add3A_302 : i32 to vector<16xi32>
      %add3A_304 = arith.addi %mul3A_290, %add3A_303 : vector<16xi32>
      %gather3A_305 = tpu.vector_load_idx %arg13[%add3A_304] : memref<256xf32, #tpu.memory_space<vmem>>[vector<16xi32>], vector<16xf32>,
      %add3A_306 = arith.addf %add3A_301, %gather3A_305 : vector<16xf32>
      %add3A_307 = arith.constant 4 : i32
      %add3A_308 = vector.broadcast %add3A_307 : i32 to vector<16xi32>
      %add3A_309 = arith.addi %mul3A_290, %add3A_308 : vector<16xi32>
      %gather3A_310 = tpu.vector_load_idx %arg13[%add3A_309] : memref<256xf32, #tpu.memory_space<vmem>>[vector<16xi32>], vector<16xf32>,
      %add3A_311 = arith.addf %add3A_306, %gather3A_310 : vector<16xf32>
      %add3A_312 = arith.constant 5 : i32
      %add3A_313 = vector.broadcast %add3A_312 : i32 to vector<16xi32>
      %add3A_314 = arith.addi %mul3A_290, %add3A_313 : vector<16xi32>
      %gather3A_315 = tpu.vector_load_idx %arg13[%add3A_314] : memref<256xf32, #tpu.memory_space<vmem>>[vector<16xi32>], vector<16xf32>,
      %add3A_316 = arith.addf %add3A_311, %gather3A_315 : vector<16xf32>
      %add3A_317 = arith.constant 6 : i32
      %add3A_318 = vector.broadcast %add3A_317 : i32 to vector<16xi32>
      %add3A_319 = arith.addi %mul3A_290, %add3A_318 : vector<16xi32>
      %gather3A_320 = tpu.vector_load_idx %arg13[%add3A_319] : memref<256xf32, #tpu.memory_space<vmem>>[vector<16xi32>], vector<16xf32>,
      %add3A_321 = arith.addf %add3A_316, %gather3A_320 : vector<16xf32>
      %add3A_322 = arith.constant 7 : i32
      %add3A_323 = vector.broadcast %add3A_322 : i32 to vector<16xi32>
      %add3A_324 = arith.addi %mul3A_290, %add3A_323 : vector<16xi32>
      %gather3A_325 = tpu.vector_load_idx %arg13[%add3A_324] : memref<256xf32, #tpu.memory_space<vmem>>[vector<16xi32>], vector<16xf32>,
      %add3A_326 = arith.addf %add3A_321, %gather3A_325 : vector<16xf32>
      %add3A_327 = arith.constant 8 : i32
      %add3A_328 = vector.broadcast %add3A_327 : i32 to vector<16xi32>
      %add3A_329 = arith.addi %mul3A_290, %add3A_328 : vector<16xi32>
      %gather3A_330 = tpu.vector_load_idx %arg13[%add3A_329] : memref<256xf32, #tpu.memory_space<vmem>>[vector<16xi32>], vector<16xf32>,
      %add3A_331 = arith.addf %add3A_326, %gather3A_330 : vector<16xf32>
      %add3A_332 = arith.constant 9 : i32
      %add3A_333 = vector.broadcast %add3A_332 : i32 to vector<16xi32>
      %add3A_334 = arith.addi %mul3A_290, %add3A_333 : vector<16xi32>
      %gather3A_335 = tpu.vector_load_idx %arg13[%add3A_334] : memref<256xf32, #tpu.memory_space<vmem>>[vector<16xi32>], vector<16xf32>,
      %add3A_336 = arith.addf %add3A_331, %gather3A_335 : vector<16xf32>
      %add3A_337 = arith.constant 10 : i32
      %add3A_338 = vector.broadcast %add3A_337 : i32 to vector<16xi32>
      %add3A_339 = arith.addi %mul3A_290, %add3A_338 : vector<16xi32>
      %gather3A_340 = tpu.vector_load_idx %arg13[%add3A_339] : memref<256xf32, #tpu.memory_space<vmem>>[vector<16xi32>], vector<16xf32>,
      %add3A_341 = arith.addf %add3A_336, %gather3A_340 : vector<16xf32>
      %add3A_342 = arith.constant 11 : i32
      %add3A_343 = vector.broadcast %add3A_342 : i32 to vector<16xi32>
      %add3A_344 = arith.addi %mul3A_290, %add3A_343 : vector<16xi32>
      %gather3A_345 = tpu.vector_load_idx %arg13[%add3A_344] : memref<256xf32, #tpu.memory_space<vmem>>[vector<16xi32>], vector<16xf32>,
      %add3A_346 = arith.addf %add3A_341, %gather3A_345 : vector<16xf32>
      %add3A_347 = arith.constant 12 : i32
      %add3A_348 = vector.broadcast %add3A_347 : i32 to vector<16xi32>
      %add3A_349 = arith.addi %mul3A_290, %add3A_348 : vector<16xi32>
      %gather3A_350 = tpu.vector_load_idx %arg13[%add3A_349] : memref<256xf32, #tpu.memory_space<vmem>>[vector<16xi32>], vector<16xf32>,
      %add3A_351 = arith.addf %add3A_346, %gather3A_350 : vector<16xf32>
      %add3A_352 = arith.constant 13 : i32
      %add3A_353 = vector.broadcast %add3A_352 : i32 to vector<16xi32>
      %add3A_354 = arith.addi %mul3A_290, %add3A_353 : vector<16xi32>
      %gather3A_355 = tpu.vector_load_idx %arg13[%add3A_354] : memref<256xf32, #tpu.memory_space<vmem>>[vector<16xi32>], vector<16xf32>,
      %add3A_356 = arith.addf %add3A_351, %gather3A_355 : vector<16xf32>
      %add3A_357 = arith.constant 14 : i32
      %add3A_358 = vector.broadcast %add3A_357 : i32 to vector<16xi32>
      %add3A_359 = arith.addi %mul3A_290, %add3A_358 : vector<16xi32>
      %gather3A_360 = tpu.vector_load_idx %arg13[%add3A_359] : memref<256xf32, #tpu.memory_space<vmem>>[vector<16xi32>], vector<16xf32>,
      %add3A_361 = arith.addf %add3A_356, %gather3A_360 : vector<16xf32>
      %add3A_362 = arith.constant 15 : i32
      %add3A_363 = vector.broadcast %add3A_362 : i32 to vector<16xi32>
      %add3A_364 = arith.addi %mul3A_290, %add3A_363 : vector<16xi32>
      %gather3A_365 = tpu.vector_load_idx %arg13[%add3A_364] : memref<256xf32, #tpu.memory_space<vmem>>[vector<16xi32>], vector<16xf32>,
      %add3A_366 = arith.addf %add3A_361, %gather3A_365 : vector<16xf32>
      %mul3A_367 = arith.constant 26 : i32
      %mul3A_368 = vector.broadcast %mul3A_367 : i32 to vector<16xi32>
      %mul3A_369 = arith.muli %iota3A, %mul3A_368 : vector<16xi32>
      %gather3A_370 = tpu.vector_load_idx %arg12[%mul3A_369] : memref<416xf32, #tpu.memory_space<vmem>>[vector<16xi32>], vector<16xf32>,
      %add3A_371 = arith.constant 1 : i32
      %add3A_372 = vector.broadcast %add3A_371 : i32 to vector<16xi32>
      %add3A_373 = arith.addi %mul3A_369, %add3A_372 : vector<16xi32>
      %gather3A_374 = tpu.vector_load_idx %arg12[%add3A_373] : memref<416xf32, #tpu.memory_space<vmem>>[vector<16xi32>], vector<16xf32>,
      %add3A_375 = arith.addf %gather3A_370, %gather3A_374 : vector<16xf32>
      %add3A_376 = arith.constant 2 : i32
      %add3A_377 = vector.broadcast %add3A_376 : i32 to vector<16xi32>
      %add3A_378 = arith.addi %mul3A_369, %add3A_377 : vector<16xi32>
      %gather3A_379 = tpu.vector_load_idx %arg12[%add3A_378] : memref<416xf32, #tpu.memory_space<vmem>>[vector<16xi32>], vector<16xf32>,
      %add3A_380 = arith.addf %add3A_375, %gather3A_379 : vector<16xf32>
      %add3A_381 = arith.constant 3 : i32
      %add3A_382 = vector.broadcast %add3A_381 : i32 to vector<16xi32>
      %add3A_383 = arith.addi %mul3A_369, %add3A_382 : vector<16xi32>
      %gather3A_384 = tpu.vector_load_idx %arg12[%add3A_383] : memref<416xf32, #tpu.memory_space<vmem>>[vector<16xi32>], vector<16xf32>,
      %add3A_385 = arith.addf %add3A_380, %gather3A_384 : vector<16xf32>
      %add3A_386 = arith.constant 4 : i32
      %add3A_387 = vector.broadcast %add3A_386 : i32 to vector<16xi32>
      %add3A_388 = arith.addi %mul3A_369, %add3A_387 : vector<16xi32>
      %gather3A_389 = tpu.vector_load_idx %arg12[%add3A_388] : memref<416xf32, #tpu.memory_space<vmem>>[vector<16xi32>], vector<16xf32>,
      %add3A_390 = arith.addf %add3A_385, %gather3A_389 : vector<16xf32>
      %add3A_391 = arith.constant 5 : i32
      %add3A_392 = vector.broadcast %add3A_391 : i32 to vector<16xi32>
      %add3A_393 = arith.addi %mul3A_369, %add3A_392 : vector<16xi32>
      %gather3A_394 = tpu.vector_load_idx %arg12[%add3A_393] : memref<416xf32, #tpu.memory_space<vmem>>[vector<16xi32>], vector<16xf32>,
      %add3A_395 = arith.addf %add3A_390, %gather3A_394 : vector<16xf32>
      %add3A_396 = arith.constant 6 : i32
      %add3A_397 = vector.broadcast %add3A_396 : i32 to vector<16xi32>
      %add3A_398 = arith.addi %mul3A_369, %add3A_397 : vector<16xi32>
      %gather3A_399 = tpu.vector_load_idx %arg12[%add3A_398] : memref<416xf32, #tpu.memory_space<vmem>>[vector<16xi32>], vector<16xf32>,
      %add3A_400 = arith.addf %add3A_395, %gather3A_399 : vector<16xf32>
      %add3A_401 = arith.constant 7 : i32
      %add3A_402 = vector.broadcast %add3A_401 : i32 to vector<16xi32>
      %add3A_403 = arith.addi %mul3A_369, %add3A_402 : vector<16xi32>
      %gather3A_404 = tpu.vector_load_idx %arg12[%add3A_403] : memref<416xf32, #tpu.memory_space<vmem>>[vector<16xi32>], vector<16xf32>,
      %add3A_405 = arith.addf %add3A_400, %gather3A_404 : vector<16xf32>
      %add3A_406 = arith.constant 8 : i32
      %add3A_407 = vector.broadcast %add3A_406 : i32 to vector<16xi32>
      %add3A_408 = arith.addi %mul3A_369, %add3A_407 : vector<16xi32>
      %gather3A_409 = tpu.vector_load_idx %arg12[%add3A_408] : memref<416xf32, #tpu.memory_space<vmem>>[vector<16xi32>], vector<16xf32>,
      %add3A_410 = arith.addf %add3A_405, %gather3A_409 : vector<16xf32>
      %add3A_411 = arith.constant 9 : i32
      %add3A_412 = vector.broadcast %add3A_411 : i32 to vector<16xi32>
      %add3A_413 = arith.addi %mul3A_369, %add3A_412 : vector<16xi32>
      %gather3A_414 = tpu.vector_load_idx %arg12[%add3A_413] : memref<416xf32, #tpu.memory_space<vmem>>[vector<16xi32>], vector<16xf32>,
      %add3A_415 = arith.addf %add3A_410, %gather3A_414 : vector<16xf32>
      %add3A_416 = arith.constant 10 : i32
      %add3A_417 = vector.broadcast %add3A_416 : i32 to vector<16xi32>
      %add3A_418 = arith.addi %mul3A_369, %add3A_417 : vector<16xi32>
      %gather3A_419 = tpu.vector_load_idx %arg12[%add3A_418] : memref<416xf32, #tpu.memory_space<vmem>>[vector<16xi32>], vector<16xf32>,
      %add3A_420 = arith.addf %add3A_415, %gather3A_419 : vector<16xf32>
      %add3A_421 = arith.constant 11 : i32
      %add3A_422 = vector.broadcast %add3A_421 : i32 to vector<16xi32>
      %add3A_423 = arith.addi %mul3A_369, %add3A_422 : vector<16xi32>
      %gather3A_424 = tpu.vector_load_idx %arg12[%add3A_423] : memref<416xf32, #tpu.memory_space<vmem>>[vector<16xi32>], vector<16xf32>,
      %add3A_425 = arith.addf %add3A_420, %gather3A_424 : vector<16xf32>
      %add3A_426 = arith.constant 12 : i32
      %add3A_427 = vector.broadcast %add3A_426 : i32 to vector<16xi32>
      %add3A_428 = arith.addi %mul3A_369, %add3A_427 : vector<16xi32>
      %gather3A_429 = tpu.vector_load_idx %arg12[%add3A_428] : memref<416xf32, #tpu.memory_space<vmem>>[vector<16xi32>], vector<16xf32>,
      %add3A_430 = arith.addf %add3A_425, %gather3A_429 : vector<16xf32>
      %add3A_431 = arith.constant 13 : i32
      %add3A_432 = vector.broadcast %add3A_431 : i32 to vector<16xi32>
      %add3A_433 = arith.addi %mul3A_369, %add3A_432 : vector<16xi32>
      %gather3A_434 = tpu.vector_load_idx %arg12[%add3A_433] : memref<416xf32, #tpu.memory_space<vmem>>[vector<16xi32>], vector<16xf32>,
      %add3A_435 = arith.addf %add3A_430, %gather3A_434 : vector<16xf32>
      %add3A_436 = arith.constant 14 : i32
      %add3A_437 = vector.broadcast %add3A_436 : i32 to vector<16xi32>
      %add3A_438 = arith.addi %mul3A_369, %add3A_437 : vector<16xi32>
      %gather3A_439 = tpu.vector_load_idx %arg12[%add3A_438] : memref<416xf32, #tpu.memory_space<vmem>>[vector<16xi32>], vector<16xf32>,
      %add3A_440 = arith.addf %add3A_435, %gather3A_439 : vector<16xf32>
      %add3A_441 = arith.constant 15 : i32
      %add3A_442 = vector.broadcast %add3A_441 : i32 to vector<16xi32>
      %add3A_443 = arith.addi %mul3A_369, %add3A_442 : vector<16xi32>
      %gather3A_444 = tpu.vector_load_idx %arg12[%add3A_443] : memref<416xf32, #tpu.memory_space<vmem>>[vector<16xi32>], vector<16xf32>,
      %add3A_445 = arith.addf %add3A_440, %gather3A_444 : vector<16xf32>
      %add3A_446 = arith.constant 16 : i32
      %add3A_447 = vector.broadcast %add3A_446 : i32 to vector<16xi32>
      %add3A_448 = arith.addi %mul3A_369, %add3A_447 : vector<16xi32>
      %gather3A_449 = tpu.vector_load_idx %arg12[%add3A_448] : memref<416xf32, #tpu.memory_space<vmem>>[vector<16xi32>], vector<16xf32>,
      %add3A_450 = arith.addf %add3A_445, %gather3A_449 : vector<16xf32>
      %add3A_451 = arith.constant 17 : i32
      %add3A_452 = vector.broadcast %add3A_451 : i32 to vector<16xi32>
      %add3A_453 = arith.addi %mul3A_369, %add3A_452 : vector<16xi32>
      %gather3A_454 = tpu.vector_load_idx %arg12[%add3A_453] : memref<416xf32, #tpu.memory_space<vmem>>[vector<16xi32>], vector<16xf32>,
      %add3A_455 = arith.addf %add3A_450, %gather3A_454 : vector<16xf32>
      %add3A_456 = arith.constant 18 : i32
      %add3A_457 = vector.broadcast %add3A_456 : i32 to vector<16xi32>
      %add3A_458 = arith.addi %mul3A_369, %add3A_457 : vector<16xi32>
      %gather3A_459 = tpu.vector_load_idx %arg12[%add3A_458] : memref<416xf32, #tpu.memory_space<vmem>>[vector<16xi32>], vector<16xf32>,
      %add3A_460 = arith.addf %add3A_455, %gather3A_459 : vector<16xf32>
      %add3A_461 = arith.constant 19 : i32
      %add3A_462 = vector.broadcast %add3A_461 : i32 to vector<16xi32>
      %add3A_463 = arith.addi %mul3A_369, %add3A_462 : vector<16xi32>
      %gather3A_464 = tpu.vector_load_idx %arg12[%add3A_463] : memref<416xf32, #tpu.memory_space<vmem>>[vector<16xi32>], vector<16xf32>,
      %add3A_465 = arith.addf %add3A_460, %gather3A_464 : vector<16xf32>
      %add3A_466 = arith.constant 20 : i32
      %add3A_467 = vector.broadcast %add3A_466 : i32 to vector<16xi32>
      %add3A_468 = arith.addi %mul3A_369, %add3A_467 : vector<16xi32>
      %gather3A_469 = tpu.vector_load_idx %arg12[%add3A_468] : memref<416xf32, #tpu.memory_space<vmem>>[vector<16xi32>], vector<16xf32>,
      %add3A_470 = arith.addf %add3A_465, %gather3A_469 : vector<16xf32>
      %add3A_471 = arith.constant 21 : i32
      %add3A_472 = vector.broadcast %add3A_471 : i32 to vector<16xi32>
      %add3A_473 = arith.addi %mul3A_369, %add3A_472 : vector<16xi32>
      %gather3A_474 = tpu.vector_load_idx %arg12[%add3A_473] : memref<416xf32, #tpu.memory_space<vmem>>[vector<16xi32>], vector<16xf32>,
      %add3A_475 = arith.addf %add3A_470, %gather3A_474 : vector<16xf32>
      %add3A_476 = arith.constant 22 : i32
      %add3A_477 = vector.broadcast %add3A_476 : i32 to vector<16xi32>
      %add3A_478 = arith.addi %mul3A_369, %add3A_477 : vector<16xi32>
      %gather3A_479 = tpu.vector_load_idx %arg12[%add3A_478] : memref<416xf32, #tpu.memory_space<vmem>>[vector<16xi32>], vector<16xf32>,
      %add3A_480 = arith.addf %add3A_475, %gather3A_479 : vector<16xf32>
      %add3A_481 = arith.constant 23 : i32
      %add3A_482 = vector.broadcast %add3A_481 : i32 to vector<16xi32>
      %add3A_483 = arith.addi %mul3A_369, %add3A_482 : vector<16xi32>
      %gather3A_484 = tpu.vector_load_idx %arg12[%add3A_483] : memref<416xf32, #tpu.memory_space<vmem>>[vector<16xi32>], vector<16xf32>,
      %add3A_485 = arith.addf %add3A_480, %gather3A_484 : vector<16xf32>
      %add3A_486 = arith.constant 24 : i32
      %add3A_487 = vector.broadcast %add3A_486 : i32 to vector<16xi32>
      %add3A_488 = arith.addi %mul3A_369, %add3A_487 : vector<16xi32>
      %gather3A_489 = tpu.vector_load_idx %arg12[%add3A_488] : memref<416xf32, #tpu.memory_space<vmem>>[vector<16xi32>], vector<16xf32>,
      %add3A_490 = arith.addf %add3A_485, %gather3A_489 : vector<16xf32>
      %add3A_491 = arith.constant 25 : i32
      %add3A_492 = vector.broadcast %add3A_491 : i32 to vector<16xi32>
      %add3A_493 = arith.addi %mul3A_369, %add3A_492 : vector<16xi32>
      %gather3A_494 = tpu.vector_load_idx %arg12[%add3A_493] : memref<416xf32, #tpu.memory_space<vmem>>[vector<16xi32>], vector<16xf32>,
      %add3A_495 = arith.addf %add3A_490, %gather3A_494 : vector<16xf32>
      %mul3A_496 = arith.constant 5.000000e-01 : f32
      %mul3A_497 = vector.broadcast %mul3A_496 : f32 to vector<16xf32>
      %mul3A_498 = arith.mulf %mul3A_497, %add3A_366 : vector<16xf32>
      %add3A_499 = arith.addf %mul3A_498, %add3A_495 : vector<16xf32>
      %mul3A_500 = arith.constant 16 : i32
      %mul3A_501 = arith.muli %add3A_266, %mul3A_500 : i32
      %swap3A_502 = arith.index_cast %mul3A_501 : i32 to index
      %swap3A_503 = tpu.vector_load %arg14[%swap3A_502] {strides = array<i32>} : memref<512xf32, #tpu.memory_space<vmem>>, vector<16xf32>,
      tpu.vector_store %arg14[%swap3A_502], %add3A_499 {strides = array<i32>} : memref<512xf32, #tpu.memory_space<vmem>>, vector<16xf32>,
      %scan3A_504 = arith.constant 0 : i32
      scf.yield %scan3A_504 : i32
    }
    %scan3A_26 = arith.constant 16 : i32
    "tpu.region"() ({
      %run_scoped3A = tpu.sem_alloc : memref<!tpu.dma_semaphore, #tpu.memory_space<semaphore_mem>>
      %dma_start3A_27 = tpu.memref_slice %arg5[%mul3A_2] : memref<16384xf32, #tpu.memory_space<hbm>> -> memref<512xf32, #tpu.memory_space<hbm>>
      %dma_start3A_28 = tpu.memref_slice %arg5[%mul3A_2] : memref<16384xf32, #tpu.memory_space<hbm>> -> memref<512xf32, #tpu.memory_space<hbm>>
      tpu.enqueue_dma source(%arg14 : memref<512xf32, #tpu.memory_space<vmem>>) target(%dma_start3A_28 : memref<512xf32, #tpu.memory_space<hbm>>) target_semaphore(%run_scoped3A : memref<!tpu.dma_semaphore, #tpu.memory_space<semaphore_mem>>)
      %dma_wait3A_29 = tpu.memref_slice %arg5[%mul3A_2] : memref<16384xf32, #tpu.memory_space<hbm>> -> memref<512xf32, #tpu.memory_space<hbm>>
      %dma_wait3A_30 = tpu.memref_slice %arg5[%mul3A_2] : memref<16384xf32, #tpu.memory_space<hbm>> -> memref<512xf32, #tpu.memory_space<hbm>>
      tpu.wait_dma2 semaphore(%run_scoped3A : memref<!tpu.dma_semaphore, #tpu.memory_space<semaphore_mem>>) src(%arg14 : memref<512xf32, #tpu.memory_space<vmem>>) dst(%dma_wait3A_30 : memref<512xf32, #tpu.memory_space<hbm>>)
      tpu.yield
    }) : () -> ()
    return
  }
}

</mosaic_0001>

<sc_bundles>
// kernel: kernel.4.cloned.1.call-start
scs
__scs_entry_jumppad:
0x0: {  	(pc) =	sbr.rel $0x88, $3  }
0x1: {  	(tag) =	ssettag $0x0;
	lr =	simm.s32 $0x1  }
0x2: {  	[smem:$0x3F9D] =	sst lr;
	_ =	strace $0xD0000000  }
0x3: {  	_ = 	snop  }
0x4: {  	_ = 	snop  }
0x5: {  	_ = 	snop  }
0x6: {  	_ = 	snop  }
0x7: {  	_ = 	snop  }
__scs_overlays_trampoline_lowered:
0x8: {  	[smem:$0x3FAC] =	sst s0  }
0x9: {  	[smem:$0x3FAD] =	sst s1  }
0xa: {  	[smem:$0x3FAE] =	sst s2  }
0xb: {  	[smem:$0x3FAF] =	sst s3  }
0xc: {  	[smem:$0x3FB0] =	sst s4  }
0xd: {  	[smem:$0x3FB1] =	sst s5  }
0xe: {  	[smem:$0x3FB2] =	sst s6  }
0xf: {  	[smem:$0x3FB3] =	sst s7  }
0x10: {  	[smem:$0x3FB4] =	sst s8  }
0x11: {  	[smem:$0x3FB5] =	sst s9;
	s0 =	simm.s32 @!p0 $0x0  }
0x12: {  	s1 =	sld [smem:$0x3F9B];
	s0 =	simm.s32 @p0 $0x1  }
0x13: {  	[smem:$0x3FB6] =	sst s0;
	s0 =	simm.s32 @!p1 $0x0  }
0x14: {  	s2 =	sld [smem:$0x3F9A];
	s0 =	simm.s32 @p1 $0x1  }
0x15: {  	[smem:$0x3FB7] =	sst s0;
	s0 =	simm.s32 @!p2 $0x0  }
0x16: {  	s3 =	sld [smem:$0x3FDB];
	s0 =	simm.s32 @p2 $0x1  }
0x17: {  	s4 =	simm.s32 $0x1BF5;
	[smem:$0x3FB9] =	sst s0  }
0x18: {  	s0 =	sld [smem:$0x3F9C];
	_ =	swait.ge [sflag:s4], $0x0  }
0x19: {  	s7 =	sld [smem:$0x3F9D]  }
0x1a: {  	s8 =	sadd.s32 $0xFFFFE003, lr  }
0x1b: {  	s9 =	sadd.s32 $0xFFFFFEF7, lr;
	s5 =	simm.s32 $0xFFFFFFFF;
	p2 =	slt.u32 s8, $0xFFFFF086  }
0x1c: {  	p1 =	slt.u32 s9, $0xF7A;
	s5 =	simm.s32 @!p2 $0x0  }
0x1d: {  	s5 =	simm.s32 @p1 $0x1;
	p0 =	seq.s32 s7, s2  }
0x1e: {  	s7 =	smul.u32 @!p0 $0xF7A, s2;
	p2 =	seq.s32 @!p0 s5, $0x0  }
0x1f: {  	s9 =	smul.u32 $0xF7A, s1;
	s8 =	simm.s32 @!p0 $0x1BF5;
	p2 =	por !p2, p0  }
0x20: {  	[sflag:s8] =	ssyncset.s32 @!p0 $0xFFFFF086;
	s6 =	sadd.s32 @!p0 s3, s7;
	s7 =	simm.s32 @!p0 $0x108  }
0x21: {  	s3 =	sadd.s32 s3, s9;
	s6 =	sadd.s32 @!p0 $0x88, s6;
	s7 =	simm.s32 @p2 $0x1082  }
0x22: {  	[simem:s7], [sflag:s8] =	dma.local @!p0 [hbm:s6], $0xF7A  }
0x23: {  	s9 =	sor.u32 $0xD0000000, s2;
	s6 =	simm.s32 $0x108;
	_ =	swait.ge @!p0 [sflag:s8], $0x0  }
0x24: {  	s3 =	sadd.s32 $0x88, s3;
	s6 =	simm.s32 @!p1 $0x1082;
	[sflag:s4] =	ssyncset.s32 $0xFFFFF086  }
0x25: {  	[simem:s6], [sflag:s4] =	dma.local [hbm:s3], $0xF7A  }
0x26: {  	[smem:$0x3F9D] =	sst s1;
	(tag) =	ssettag s2;
	_ =	strace s9  }
0x27: {  	s1 =	sld [smem:$0x3FAD]  }
0x28: {  	s2 =	sld [smem:$0x3FAE]  }
0x29: {  	s4 =	sld [smem:$0x3FB0]  }
0x2a: {  	p0 =	seq.s32 s5, $0x0;
	s5 =	sld [smem:$0x3FB1]  }
0x2b: {  	s6 =	sld [smem:$0x3FB2]  }
0x2c: {  	s7 =	sld [smem:$0x3FB3]  }
0x2d: {  	s3 =	simm.s32 $0x108;
	s8 =	sld [smem:$0x3FB4]  }
0x2e: {  	s3 =	simm.s32 @!p0 $0x1082;
	s9 =	sld [smem:$0x3FB5]  }
0x2f: {  	lr =	sadd.s32 s0, s3;
	s0 =	sld [smem:$0x3FAC]  }
0x30: {  	s3 =	sld [smem:$0x3FAF]  }
0x31: {  	[smem:$0x3FB8] =	sst s10  }
0x32: {  	s10 =	sld [smem:$0x3FB6];
	_ =	sdelay $0x3  }
0x33: {  	p0 =	seq.s32 s10, $0x1;
	s10 =	sld [smem:$0x3FB8];
	_ =	sdelay $0x3  }
0x34: {  	[smem:$0x3FB8] =	sst s10  }
0x35: {  	s10 =	sld [smem:$0x3FB7];
	_ =	sdelay $0x3  }
0x36: {  	p1 =	seq.s32 s10, $0x1;
	s10 =	sld [smem:$0x3FB8];
	_ =	sdelay $0x3  }
0x37: {  	[smem:$0x3FB8] =	sst s10  }
0x38: {  	s10 =	sld [smem:$0x3FB9]  }
0x39: {  	_ = 	snop;
	(pc) =	sbr.ind lr, $3  }
0x3a: {  	_ = 	snop  }
0x3b: {  	_ = 	snop  }
0x3c: {  	p2 =	seq.s32 s10, $0x1;
	s10 =	sld [smem:$0x3FB8]  }
0x3d: {  	_ =	shalt  }
0x3e: {  	_ =	shalt  }
0x3f: {  	_ =	shalt  }
0x40: {  	_ =	shalt  }
0x41: {  	_ =	shalt  }
0x42: {  	_ =	shalt  }
0x43: {  	_ =	shalt  }
0x44: {  	_ =	shalt  }
0x45: {  	_ =	shalt  }
0x46: {  	_ =	shalt  }
0x47: {  	_ =	shalt  }
0x48: {  	_ =	shalt  }
0x49: {  	_ =	shalt  }
0x4a: {  	_ =	shalt  }
0x4b: {  	_ =	shalt  }
0x4c: {  	_ =	shalt  }
0x4d: {  	_ =	shalt  }
0x4e: {  	_ =	shalt  }
0x4f: {  	_ =	shalt  }
0x50: {  	_ =	shalt  }
0x51: {  	_ =	shalt  }
0x52: {  	_ =	shalt  }
0x53: {  	_ =	shalt  }
0x54: {  	_ =	shalt  }
0x55: {  	_ =	shalt  }
0x56: {  	_ =	shalt  }
0x57: {  	_ =	shalt  }
0x58: {  	_ =	shalt  }
0x59: {  	_ =	shalt  }
0x5a: {  	_ =	shalt  }
0x5b: {  	_ =	shalt  }
0x5c: {  	_ =	shalt  }
0x5d: {  	_ =	shalt  }
0x5e: {  	_ =	shalt  }
0x5f: {  	_ =	shalt  }
0x60: {  	_ =	shalt  }
0x61: {  	_ =	shalt  }
0x62: {  	_ =	shalt  }
0x63: {  	_ =	shalt  }
0x64: {  	_ =	shalt  }
0x65: {  	_ =	shalt  }
0x66: {  	_ =	shalt  }
0x67: {  	_ =	shalt  }
0x68: {  	_ =	shalt  }
0x69: {  	_ =	shalt  }
0x6a: {  	_ =	shalt  }
0x6b: {  	_ =	shalt  }
0x6c: {  	_ =	shalt  }
0x6d: {  	_ =	shalt  }
0x6e: {  	_ =	shalt  }
0x6f: {  	_ =	shalt  }
0x70: {  	_ =	shalt  }
0x71: {  	_ =	shalt  }
0x72: {  	_ =	shalt  }
0x73: {  	_ =	shalt  }
0x74: {  	_ =	shalt  }
0x75: {  	_ =	shalt  }
0x76: {  	_ =	shalt  }
0x77: {  	_ =	shalt  }
0x78: {  	_ =	shalt  }
0x79: {  	_ =	shalt  }
0x7a: {  	_ =	shalt  }
0x7b: {  	_ =	shalt  }
0x7c: {  	_ =	shalt  }
0x7d: {  	_ =	shalt  }
0x7e: {  	_ =	shalt  }
0x7f: {  	_ =	shalt  }
0x80: {  	_ =	shalt  }
0x81: {  	_ =	shalt  }
0x82: {  	_ =	shalt  }
0x83: {  	_ =	shalt  }
0x84: {  	_ =	shalt  }
0x85: {  	_ =	shalt  }
0x86: {  	_ =	shalt  }
0x87: {  	_ =	shalt  }
.Lfunc_end0:
.L_simem_size_0:
called_computation_lowered:
.L_overlay_start_0:
0x88: {  	s2 =	sld [smem:$0x3FD9]  }
0x89: {  	s3 =	sld [smem:$0x3FFE];
	_ =	sdelay $0x1  }
0x8a: {  	s1 =	srdreg.scid  }
0x8b: {  	s0 =	sand.u32 $0x1, s1  }
0x8c: {  	s17 =	sshll.u32 s0, $0xA;
	s2 =	sadd.s32 s3, s2  }
0x8d: {  	s2 =	sadd.s32 s2, s17  }
0x8e: {  	[smem:$0x3FC4] =	sst s2  }
0x8f: {  	_ = 	snop  }
0x90: {  	s2 =	sld [smem:$0x3FC8];
	(tm) =	ssettm $0x1  }
0x91: {  	s18 =	sld [smem:$0x3FFB];
	_ =	sdelay $0x3  }
0x92: {  	_ =	strace s18  }
0x93: {  	s3 =	sld [smem:$0x3FFC];
	_ =	sdelay $0x3  }
0x94: {  	_ =	strace s3  }
0x95: {  	s3 =	sld [smem:$0x3FFD];
	_ =	sdelay $0x3  }
0x96: {  	_ =	strace s3  }
0x97: {  	_ =	strace $0x8FFFFFFF  }
0x98: {  	s19 =	sld [smem:$0x3FDB];
	_ =	sdelay $0x1  }
0x99: {  	s4 =	simm.s32 $_scs_section_size  }
0x9a: {  	s5 =	simm.s32 $_size__tile_overlayer_lowered;
	s6 =	simm.s32 $_tile_overlayer_lowered  }
0x9b: {  	s22 =	simm.s32 $0x1BFF;
	s21 =	sshll.u32 s6, $0x1;
	s3 =	sadd.s32 s4, s19  }
0x9c: {  	s7 =	simm.s32 $0x0;
	s20 =	sshll.u32 s5, $0x1;
	s5 =	sadd.s32 s21, s3  }
0x9d: {  	[timem:s7], [sflag:s22] =	dma.local [hbm:s5], s20  }
0x9e: {  	_ =	swait.ge [sflag:s22], s20  }
0x9f: {  	s4 =	ssub.s32 $0x0, s20;
	[sflag:s22] =	ssyncset.done $0x0  }
0xa0: {  	[sflag:s22] =	ssyncadd.s32 s4;
	_ =	sdelay $0x1  }
0xa1: {  	s23 =	simm.s32 $0x1B8B  }
0xa2: {  	_ =	swait.ge [sflag:s23], $0x1  }
0xa3: {  	[sflag:s23] =	ssyncset.done $0x0  }
0xa4: {  	s25 =	simm.s32 $0x1B8E;
	s24 =	sld [smem:$0x3FFE];
	[sflag:s23] =	ssyncadd.s32 $0xFFFFFFFF  }
0xa5: {  	s26 =	simm.s32 $execute0_lowered;
	[smem:$0x3FD2] =	sst s25  }
0xa6: {  	s5 =	sshll.u32 s26, $0x1;
	_ =	strace $0x80000046;
	[dreg:$0x1] =	wrdreg $0xFFFFFFFF  }
0xa7: {  	s28 =	simm.s32 $_size_execute0_lowered;
	s3 =	sadd.s32 s3, s5;
	[dreg:$0x0] =	wrdreg $0x0  }
0xa8: {  	s5 =	sshll.u32 s28, $0x1;
	[dreg:$0x2] =	wrdreg s3  }
0xa9: {  	[dreg:$0x3] =	wrdreg s5  }
0xaa: {  	[dreg:$0x4] =	wrdreg $0xC0  }
0xab: {  	_ =	task [dreg:s7], $0x5FFFF  }
0xac: {  	[dreg:$0x1] =	wrdreg $0xFFFFFFFF  }
0xad: {  	[dreg:$0x0] =	wrdreg $0x60  }
0xae: {  	[dreg:$0x2] =	wrdreg s2  }
0xaf: {  	[dreg:$0x3] =	wrdreg s24  }
0xb0: {  	[dreg:$0x4] =	wrdreg $0x9  }
0xb1: {  	_ =	task.clear_ibuf [dreg:s7], $0x5FFFF;
	_ =	strace $0x90000046  }
0xb2: {  	s29 =	simm.s32 $0x9;
	_ =	strace $0x80000048  }
0xb3: {  	_ =	swait.ge [sflag:s29], $0x1  }
0xb4: {  	[sflag:s29] =	ssyncadd.s32 $0xFFFFFFFF  }
0xb5: {  	_ =	strace $0x90000048  }
0xb6: {  	_ =	sfence  }
0xb7: {  	s30 =	sld [smem:$0x0];
	_ =	sdelay $0x2  }
0xb8: {  	s31 =	sshll.u32 s1, $0xD;
	s1 =	sshrl.u32 s1, $0x2  }
0xb9: {  	s3 =	sand.u32 $0x4000, s31;
	s1 =	sadd.s32 s1, s30  }
0xba: {  	s0 =	sor.u32 s3, s0;
	s1 =	sshll.u32 s1, $0x11  }
0xbb: {  	s0 =	sor.u32 s1, s0  }
0xbc: {  	s0 =	sadd.s32 $0x8F2B, s0  }
0xbd: {  	[sflag:s0] =	ssyncadd.remote.s32 $0x1  }
0xbe: {  	_ =	sfence.sel $0xFFFF  }
0xbf: {  	[dreg:$0x0] =	wrdreg $0xFFFFFFFF;
	(pc) =	sbr.abs _section_cstart, $3  }
0xc0: {  	[dreg:$0x1] =	wrdreg $0xFFFFFFFF  }
0xc1: {  	_ =	task.clear_ibuf [dreg:s7], $0x2FFFF;
	_ =	strace $0x9FFFFFFF  }
0xc2: {  	(tm) =	ssettm $0x7FFFFFFF  }
0xc3: {  	_ =	shalt  }
tec
execute0_lowered:
.L_overlay_start_1:
0x0: {  	(tag) =	ssettag $0x1  }
0x1: {  	s0 =	rddreg [dreg:$0x0]  }
0x2: {  	s1 =	rddreg [dreg:$0x1];
	s3 =	srdreg.scid  }
0x3: {  	s2 =	simm.s32 $0x0;
	s11 =	stileid.u32;
	s14 =	simm.s32 $0x2000  }
0x4: {  	s15 =	simm.s32 $0x13D6400;
	s17 =	simm.s32 $0x1;
	s18 =	simm.s32 $0x8000  }
0x5: {  	s19 =	simm.s32 $0x2;
	s20 =	simm.s32 $0xC000;
	s21 =	simm.s32 $0x3  }
0x6: {  	s22 =	simm.s32 $0x4;
	s28 =	simm.s32 $0x0;
	s6 =	sand.u32 $0x1, s3  }
0x7: {  	[smem:$0x7FF] =	sst s2;
	s4 =	sshll.u32 s11, $0x1;
	s9 =	sadd.s32 $0x27AC00, s0  }
0x8: {  	s10 =	sadd.s32 $0x1200, s1;
	s1 =	sadd.s32 $0x4F6A00, s1;
	s29 =	sshll.u32 s11, $0xC  }
0x9: {  	s30 =	sshll.u32 s11, $0xB;
	_ =	strace $0x80000047;
	[dreg:$0x3] =	wrdreg s9  }
0xa: {  	v0 =	vlaneseq.u32;
	s3 =	ssub.s32 $0x2, s6;
	s7 =	sor.u32 s6, s4;
	[dreg:$0x4] =	wrdreg s1  }
0xb: {  	v1 =	vand.u32 $0x7, v0;
	s1 =	sadd.s32 s29, s10;
	s31 =	sshll.u32 s6, $0xB;
	s6 =	sshll.u32 s6, $0xA  }
0xc: {  	v2 =	vshrl.u32 v0, $0x3;
	v0 =	vmul.u32 $0x10, v1;
	s5 =	sshrl.u32 s3, $0x1;
	s25 =	ssub.s32 $0xA0A, s7;
	s4 =	sshll.u32 s7, $0xA  }
0xd: {  	v1 =	vmul.u32 $0x80, v2;
	s26 =	sshll.u32 s7, $0xB;
	s1 =	sadd.s32 s31, s1;
	p0 =	sne.s32 s7, $0x1F  }
.Ltmp0:
0xe: {  	s8 =	ssub.s32 s3, s5;
	s3 =	sshrl.u32 s25, $0x5;
	v2 =	vor.u32 $0x1, v0;
	v3 =	vor.u32 $0x2, v0;
	v4 =	vor.u32 $0x3, v0;
	(pc) =	sbr.rel .LBB2_1-.Ltmp0, $4  }
0xf: {  	s4 =	sadd.s32 s0, s4;
	s5 =	sadd.s32 s10, s26;
	s0 =	sadd.s32 s30, s0;
	v5 =	vor.u32 $0x4, v0;
	v6 =	vor.u32 $0x5, v0;
	v7 =	vor.u32 $0x6, v0  }
0x10: {  	s12 =	sadd.s32 $0x20000, s1;
	v8 =	vor.u32 $0x7, v0;
	v9 =	vor.u32 $0x8, v0;
	v10 =	vor.u32 $0x9, v0;
	s25 =	simm.s32 $0x5;
	s26 =	simm.s32 $0x10800  }
0x11: {  	v11 =	vor.u32 $0xA, v0;
	v12 =	vor.u32 $0xB, v0;
	v13 =	vor.u32 $0xC, v0;
	s8 =	smax.u32 s8, $0x1;
	s9 =	sadd.s32 $0x8000, s4;
	s0 =	sadd.s32 s6, s0  }
0x12: {  	v14 =	vor.u32 $0xD, v0;
	v15 =	vor.u32 $0xE, v0;
	v16 =	vor.u32 $0xF, v0;
	s10 =	sadd.s32 $0x10000, s4;
	s11 =	sadd.s32 $0x10000, s5;
	s13 =	sadd.s32 $0x18000, s0  }
.LBB2_6:
0x13: {  	_ =	sdelay $0x2  }
0x14: {  	v17 =	vshll.u32 v17, $0x7  }
0x15: {  	[tilespmem:v19+s26+$0x0] =	vst.idx.msk $0xffff, v18;
	s0 =	sadd.s32 $0x10, s29;
	v17 =	vor.u32 v1, v17  }
0x16: {  	v18 =	vld [tilespmem:s0+$0xFFFFFC00];
	v19 =	vor.u32 v0, v17;
	_ =	sdelay $0x4  }
0x17: {  	[tilespmem:v19+s26+$0x0] =	vst.idx.msk $0xffff, v18  }
0x18: {  	v19 =	vor.u32 v2, v17;
	v18 =	vld [tilespmem:s0+$0xFFFFFC80];
	_ =	sdelay $0x4  }
0x19: {  	[tilespmem:v19+s26+$0x0] =	vst.idx.msk $0xffff, v18  }
0x1a: {  	v19 =	vor.u32 v3, v17;
	v18 =	vld [tilespmem:s0+$0xFFFFFD00];
	_ =	sdelay $0x4  }
0x1b: {  	[tilespmem:v19+s26+$0x0] =	vst.idx.msk $0xffff, v18  }
0x1c: {  	v19 =	vor.u32 v4, v17;
	v18 =	vld [tilespmem:s0+$0xFFFFFD80];
	_ =	sdelay $0x4  }
0x1d: {  	[tilespmem:v19+s26+$0x0] =	vst.idx.msk $0xffff, v18  }
0x1e: {  	v19 =	vor.u32 v5, v17;
	v18 =	vld [tilespmem:s0+$0xFFFFFE00];
	_ =	sdelay $0x4  }
0x1f: {  	[tilespmem:v19+s26+$0x0] =	vst.idx.msk $0xffff, v18  }
0x20: {  	v19 =	vor.u32 v6, v17;
	v18 =	vld [tilespmem:s0+$0xFFFFFE80];
	_ =	sdelay $0x4  }
0x21: {  	[tilespmem:v19+s26+$0x0] =	vst.idx.msk $0xffff, v18  }
0x22: {  	v19 =	vor.u32 v7, v17;
	v18 =	vld [tilespmem:s0+$0xFFFFFF00];
	_ =	sdelay $0x4  }
0x23: {  	[tilespmem:v19+s26+$0x0] =	vst.idx.msk $0xffff, v18  }
0x24: {  	v19 =	vor.u32 v8, v17;
	v18 =	vld [tilespmem:s0+$0xFFFFFF80];
	_ =	sdelay $0x4  }
0x25: {  	[tilespmem:v19+s26+$0x0] =	vst.idx.msk $0xffff, v18  }
0x26: {  	v19 =	vor.u32 v9, v17;
	v18 =	vld [tilespmem:s0+$0x0];
	_ =	sdelay $0x4  }
0x27: {  	[tilespmem:v19+s26+$0x0] =	vst.idx.msk $0xffff, v18  }
0x28: {  	v19 =	vor.u32 v10, v17;
	v18 =	vld [tilespmem:s0+$0x80];
	_ =	sdelay $0x4  }
0x29: {  	[tilespmem:v19+s26+$0x0] =	vst.idx.msk $0xffff, v18  }
0x2a: {  	v19 =	vor.u32 v11, v17;
	v18 =	vld [tilespmem:s0+$0x100];
	_ =	sdelay $0x4  }
0x2b: {  	[tilespmem:v19+s26+$0x0] =	vst.idx.msk $0xffff, v18  }
0x2c: {  	v19 =	vor.u32 v12, v17;
	v18 =	vld [tilespmem:s0+$0x180];
	_ =	sdelay $0x4  }
0x2d: {  	[tilespmem:v19+s26+$0x0] =	vst.idx.msk $0xffff, v18  }
0x2e: {  	v19 =	vor.u32 v13, v17;
	v18 =	vld [tilespmem:s0+$0x200];
	_ =	sdelay $0x4  }
0x2f: {  	[tilespmem:v19+s26+$0x0] =	vst.idx.msk $0xffff, v18  }
0x30: {  	v19 =	vor.u32 v14, v17;
	v18 =	vld [tilespmem:s0+$0x280];
	_ =	sdelay $0x4  }
0x31: {  	[tilespmem:v19+s26+$0x0] =	vst.idx.msk $0xffff, v18  }
0x32: {  	v19 =	vor.u32 v15, v17;
	v18 =	vld [tilespmem:s0+$0x300];
	_ =	sdelay $0x4  }
0x33: {  	[tilespmem:v19+s26+$0x0] =	vst.idx.msk $0xffff, v18  }
0x34: {  	v17 =	vor.u32 v16, v17;
	v18 =	vld [tilespmem:s0+$0x380];
	_ =	sdelay $0x4  }
0x35: {  	s31 =	rddreg [dreg:$0x4];
	[tilespmem:v17+s26+$0x0] =	vst.idx.msk $0xffff, v18  }
0x36: {  	[hbm4b:s31+s2] =	stream.linear.scatter [tilespmem:s26], [sflag:$0x5], $0x400, $0x38;
	[tilespmem:$0x10C00] =	vst v63  }
0x37: {  	_ =	swait.ge [sflag:s25], $0x400  }
0x38: {  	[sflag:s25] =	ssyncset.done $0x0  }
0x39: {  	[sflag:s25] =	ssyncadd.s32 $0xFFFFFC00  }
.LBB2_7:
0x3a: {  	s28 =	sadd.s32 $0x1, s28  }
0x3b: {  	p1 =	sne.s32 s28, s8  }
.Ltmp1:
0x3c: {  	_ = 	snop;
	(pc) =	sbr.rel @!p1 .LBB2_8-.Ltmp1, $1  }
0x3d: {  	_ =	sdelay $0x3  }
.LBB2_1:
0x3e: {  	[tilespmem:s2], [sflag:$0x1] =	stream.strided.gather [hbm4b:s4+s14], $0x4000, s15, s14, $0x38;
	[tilespmem:$0x10C00] =	vst v63  }
0x3f: {  	s0 =	simm.s32 $0x4000  }
0x40: {  	[tilespmem:s0], [sflag:$0x2] =	stream.strided.gather [hbm4b:s9+s14], $0x4000, s15, s14, $0x38;
	[tilespmem:$0x10C00] =	vst v63  }
0x41: {  	_ =	swait.ge [sflag:s17], $0x4000  }
0x42: {  	[sflag:s17] =	ssyncset.done $0x0  }
0x43: {  	[sflag:s17] =	ssyncadd.s32 $0xFFFFC000  }
0x44: {  	[hbm4b:s5+s2] =	stream.linear.scatter [tilespmem:s18], [sflag:$0x3], $0x4000, $0x38;
	[tilespmem:$0x10C00] =	vst v63  }
0x45: {  	_ = 	snop  }
0x46: {  	[tilespmem:s2], [sflag:$0x1] =	stream.strided.gather [hbm4b:s10+s14], $0x4000, s15, s14, $0x38;
	[tilespmem:$0x10C00] =	vst v63  }
0x47: {  	_ =	swait.ge [sflag:s19], $0x4000  }
0x48: {  	[sflag:s19] =	ssyncset.done $0x0  }
0x49: {  	p1 =	sle.u32 s3, $0x3;
	[sflag:s19] =	ssyncadd.s32 $0xFFFFC000  }
0x4a: {  	[hbm4b:s11+s2] =	stream.linear.scatter [tilespmem:s20], [sflag:$0x4], $0x4000, $0x38;
	[tilespmem:$0x10C00] =	vst v63  }
0x4b: {  	s1 =	simm.s32 @!p1 $0x13D6400;
	s6 =	simm.s32 @!p1 $0x4000;
	s0 =	simm.s32 @!p1 $0x2000  }
0x4c: {  	[tilespmem:s6], [sflag:$0x2] =	stream.strided.gather @!p1 [hbm4b:s13+s0], $0x4000, s1, s0, $0x38;
	[tilespmem:$0x10C00] =	vst v63  }
0x4d: {  	_ =	swait.ge [sflag:s17], $0x4000  }
0x4e: {  	[sflag:s17] =	ssyncset.done $0x0  }
0x4f: {  	p2 =	sle.u32 @!p1 s3, $0x4;
	[sflag:s17] =	ssyncadd.s32 $0xFFFFC000  }
0x50: {  	p2 =	por p2, p1;
	_ =	swait.ge [sflag:s21], $0x4000  }
0x51: {  	s7 =	simm.s32 @!p2 $0x2000;
	[sflag:s21] =	ssyncset.done $0x0  }
0x52: {  	s23 =	simm.s32 @!p2 $0x13D6400;
	p1 =	por p1, p1;
	[sflag:s21] =	ssyncadd.s32 $0xFFFFC000  }
0x53: {  	[hbm4b:s12+s2] =	stream.linear.scatter [tilespmem:s18], [sflag:$0x3], $0x4000, $0x38;
	[tilespmem:$0x10C00] =	vst v63  }
0x54: {  	s0 =	simm.s32 @!p2 $0x0;
	s6 =	sadd.s32 @!p2 $0x8000, s13;
	s1 =	simm.s32 @!p1 $0x2  }
0x55: {  	[tilespmem:s0], [sflag:$0x1] =	stream.strided.gather @!p2 [hbm4b:s6+s7], $0x4000, s23, s7, $0x38;
	[tilespmem:$0x10C00] =	vst v63  }
0x56: {  	s31 =	simm.s32 $0x6;
	_ =	swait.ge @!p1 [sflag:s1], $0x4000  }
0x57: {  	s30 =	sadd.s32 $0x10000, s13;
	s29 =	sadd.s32 $0x20000, s12;
	[sflag:s1] =	ssyncset.done @!p1 $0x0  }
0x58: {  	s24 =	simm.s32 @!p1 $0xC000;
	[sflag:s1] =	ssyncadd.s32 @!p1 $0xFFFFC000;
	s1 =	simm.s32 @!p1 $0x4  }
0x59: {  	s0 =	simm.s32 $0x8;
	s23 =	simm.s32 @!p1 $0x0;
	_ =	swait.ge @!p1 [sflag:s1], $0x4000  }
0x5a: {  	s7 =	simm.s32 $0x5;
	s6 =	sadd.s32 @!p1 $0x10000, s12;
	[sflag:s1] =	ssyncset.done @!p1 $0x0  }
.LBB2_2:
0x5b: {  	p3 =	sge.u32 s7, s3;
	[sflag:s1] =	ssyncadd.s32 @!p1 $0xFFFFC000  }
0x5c: {  	s1 =	smov.u32 s0;
	s0 =	sadd.s32 $0x2, s0;
	s16 =	smov.u32 s29  }
0x5d: {  	[hbm4b:s6+s23] =	stream.linear.scatter @!p1 [tilespmem:s24], [sflag:$0x4], $0x4000, $0x38;
	[tilespmem:$0x10C00] =	vst v63  }
0x5e: {  	s6 =	simm.s32 @!p3 $0x2000;
	s7 =	simm.s32 @!p3 $0x13D6400;
	s23 =	simm.s32 @!p3 $0x4000  }
0x5f: {  	[tilespmem:s23], [sflag:$0x2] =	stream.strided.gather @!p3 [hbm4b:s30+s6], $0x4000, s7, s6, $0x38;
	[tilespmem:$0x10C00] =	vst v63  }
0x60: {  	p2 =	sne.s32 s0, $0x52;
	p1 =	sge.u32 @!p3 s31, s3;
	_ =	swait.ge [sflag:s17], $0x4000  }
0x61: {  	s31 =	smov.u32 s1;
	p4 =	por p1, p3;
	[sflag:s17] =	ssyncset.done $0x0  }
0x62: {  	p1 =	por p3, p3;
	[sflag:s17] =	ssyncadd.s32 $0xFFFFC000  }
0x63: {  	_ =	swait.ge [sflag:s21], $0x4000  }
0x64: {  	[sflag:s21] =	ssyncset.done $0x0  }
0x65: {  	s1 =	simm.s32 @!p4 $0x0;
	s6 =	simm.s32 @!p1 $0x2;
	[sflag:s21] =	ssyncadd.s32 $0xFFFFC000  }
0x66: {  	[hbm4b:s29+s2] =	stream.linear.scatter [tilespmem:s18], [sflag:$0x3], $0x4000, $0x38;
	[tilespmem:$0x10C00] =	vst v63  }
0x67: {  	s7 =	sadd.s32 @!p4 $0x8000, s30;
	s23 =	simm.s32 @!p4 $0x2000;
	s24 =	simm.s32 @!p4 $0x13D6400  }
0x68: {  	[tilespmem:s1], [sflag:$0x1] =	stream.strided.gather @!p4 [hbm4b:s7+s23], $0x4000, s24, s23, $0x38;
	[tilespmem:$0x10C00] =	vst v63  }
.Ltmp2:
0x69: {  	_ =	swait.ge @!p1 [sflag:s6], $0x4000;
	(pc) =	sbr.rel @p2 .LBB2_2-.Ltmp2, $4  }
0x6a: {  	s30 =	sadd.s32 $0x10000, s30;
	[sflag:s6] =	ssyncset.done @!p1 $0x0  }
0x6b: {  	s29 =	sadd.s32 $0x20000, s29;
	s1 =	simm.s32 @!p1 $0x4;
	[sflag:s6] =	ssyncadd.s32 @!p1 $0xFFFFC000  }
0x6c: {  	s23 =	simm.s32 @!p1 $0x0;
	s24 =	simm.s32 @!p1 $0xC000;
	_ =	swait.ge @!p1 [sflag:s1], $0x4000  }
0x6d: {  	s7 =	sadd.s32 $0xFFFFFFFF, s31;
	s6 =	sadd.s32 @!p1 $0x10000, s16;
	[sflag:s1] =	ssyncset.done @!p1 $0x0  }
0x6e: {  	p2 =	sge.u32 s7, s3;
	[sflag:s1] =	ssyncadd.s32 @!p1 $0xFFFFC000  }
0x6f: {  	[hbm4b:s6+s23] =	stream.linear.scatter @!p1 [tilespmem:s24], [sflag:$0x4], $0x4000, $0x38;
	[tilespmem:$0x10C00] =	vst v63  }
0x70: {  	s0 =	simm.s32 @!p2 $0x2000;
	s1 =	simm.s32 @!p2 $0x13D6400;
	s6 =	simm.s32 @!p2 $0x4000  }
0x71: {  	[tilespmem:s6], [sflag:$0x2] =	stream.strided.gather @!p2 [hbm4b:s30+s0], $0x4000, s1, s0, $0x38;
	[tilespmem:$0x10C00] =	vst v63  }
0x72: {  	_ =	swait.ge [sflag:s17], $0x4000  }
0x73: {  	[sflag:s17] =	ssyncset.done $0x0  }
0x74: {  	[sflag:s17] =	ssyncadd.s32 $0xFFFFC000  }
0x75: {  	p1 =	sge.u32 @!p2 s31, s3;
	_ =	swait.ge [sflag:s21], $0x4000  }
0x76: {  	p3 =	por p1, p2;
	p1 =	por p2, p2;
	[sflag:s21] =	ssyncset.done $0x0  }
0x77: {  	s0 =	simm.s32 @!p3 $0x0;
	s1 =	simm.s32 @!p1 $0x2;
	[sflag:s21] =	ssyncadd.s32 $0xFFFFC000  }
0x78: {  	[hbm4b:s29+s2] =	stream.linear.scatter [tilespmem:s18], [sflag:$0x3], $0x4000, $0x38;
	[tilespmem:$0x10C00] =	vst v63  }
0x79: {  	s6 =	sadd.s32 @!p3 $0x8000, s30;
	s7 =	simm.s32 @!p3 $0x2000;
	s16 =	simm.s32 @!p3 $0x13D6400  }
0x7a: {  	[tilespmem:s0], [sflag:$0x1] =	stream.strided.gather @!p3 [hbm4b:s6+s7], $0x4000, s16, s7, $0x38;
	[tilespmem:$0x10C00] =	vst v63  }
0x7b: {  	_ =	swait.ge @!p1 [sflag:s1], $0x4000  }
0x7c: {  	[sflag:s1] =	ssyncset.done @!p1 $0x0  }
0x7d: {  	s0 =	simm.s32 @!p1 $0x4;
	[sflag:s1] =	ssyncadd.s32 @!p1 $0xFFFFC000  }
0x7e: {  	_ =	swait.ge @!p1 [sflag:s0], $0x4000  }
0x7f: {  	s6 =	simm.s32 @!p1 $0xC000;
	[sflag:s0] =	ssyncset.done @!p1 $0x0  }
0x80: {  	s7 =	sadd.s32 @!p1 $0x10000, s29;
	s1 =	simm.s32 @!p1 $0x0;
	[sflag:s0] =	ssyncadd.s32 @!p1 $0xFFFFC000  }
0x81: {  	[hbm4b:s7+s1] =	stream.linear.scatter @!p1 [tilespmem:s6], [sflag:$0x4], $0x4000, $0x38;
	[tilespmem:$0x10C00] =	vst v63  }
0x82: {  	_ =	swait.ge [sflag:s21], $0x4000  }
.Ltmp3:
0x83: {  	[sflag:s21] =	ssyncset.done $0x0;
	(pc) =	sbr.rel @p0 .LBB2_7-.Ltmp3, $4  }
0x84: {  	[sflag:s21] =	ssyncadd.s32 $0xFFFFC000  }
0x85: {  	_ =	swait.ge [sflag:s22], $0x4000  }
0x86: {  	[sflag:s22] =	ssyncset.done $0x0  }
0x87: {  	[sflag:s22] =	ssyncadd.s32 $0xFFFFC000  }
0x88: {  	s0 =	rddreg [dreg:$0x3]  }
0x89: {  	s1 =	simm.s32 $0x400;
	s6 =	simm.s32 $0x10000;
	s24 =	simm.s32 $0x0  }
0x8a: {  	[tilespmem:s6], [sflag:$0x5] =	stream.strided.gather [hbm4b:s0+s1], $0x800, s15, s1, $0x38;
	[tilespmem:$0x10C00] =	vst v63  }
0x8b: {  	v17 =	vmov s24;
	_ =	swait.ge [sflag:s25], $0x800  }
0x8c: {  	v17 =	vshll.u32 v17, $0x7;
	[sflag:s25] =	ssyncset.done $0x0  }
0x8d: {  	s29 =	simm.s32 $0x10400;
	v17 =	vor.u32 v1, v17;
	[sflag:s25] =	ssyncadd.s32 $0xFFFFF800  }
0x8e: {  	v19 =	vor.u32 v0, v17;
	v18 =	vld [tilespmem:s29+$0xFFFFFC00];
	_ =	sdelay $0x4  }
0x8f: {  	[tilespmem:v19+s26+$0x0] =	vst.idx.msk $0xffff, v18  }
0x90: {  	v19 =	vor.u32 v2, v17;
	v18 =	vld [tilespmem:s29+$0xFFFFFC80];
	_ =	sdelay $0x4  }
0x91: {  	[tilespmem:v19+s26+$0x0] =	vst.idx.msk $0xffff, v18  }
0x92: {  	v19 =	vor.u32 v3, v17;
	v18 =	vld [tilespmem:s29+$0xFFFFFD00];
	_ =	sdelay $0x4  }
0x93: {  	[tilespmem:v19+s26+$0x0] =	vst.idx.msk $0xffff, v18  }
0x94: {  	v19 =	vor.u32 v4, v17;
	v18 =	vld [tilespmem:s29+$0xFFFFFD80];
	_ =	sdelay $0x4  }
0x95: {  	[tilespmem:v19+s26+$0x0] =	vst.idx.msk $0xffff, v18  }
0x96: {  	v19 =	vor.u32 v5, v17;
	v18 =	vld [tilespmem:s29+$0xFFFFFE00];
	_ =	sdelay $0x4  }
0x97: {  	[tilespmem:v19+s26+$0x0] =	vst.idx.msk $0xffff, v18  }
0x98: {  	v19 =	vor.u32 v6, v17;
	v18 =	vld [tilespmem:s29+$0xFFFFFE80];
	_ =	sdelay $0x4  }
0x99: {  	[tilespmem:v19+s26+$0x0] =	vst.idx.msk $0xffff, v18  }
0x9a: {  	v19 =	vor.u32 v7, v17;
	v18 =	vld [tilespmem:s29+$0xFFFFFF00];
	_ =	sdelay $0x4  }
0x9b: {  	[tilespmem:v19+s26+$0x0] =	vst.idx.msk $0xffff, v18  }
0x9c: {  	v19 =	vor.u32 v8, v17;
	v18 =	vld [tilespmem:s29+$0xFFFFFF80];
	_ =	sdelay $0x4  }
0x9d: {  	[tilespmem:v19+s26+$0x0] =	vst.idx.msk $0xffff, v18  }
0x9e: {  	v19 =	vor.u32 v9, v17;
	v18 =	vld [tilespmem:s29+$0x0];
	_ =	sdelay $0x4  }
0x9f: {  	[tilespmem:v19+s26+$0x0] =	vst.idx.msk $0xffff, v18  }
0xa0: {  	v19 =	vor.u32 v10, v17;
	v18 =	vld [tilespmem:s29+$0x80];
	_ =	sdelay $0x4  }
0xa1: {  	[tilespmem:v19+s26+$0x0] =	vst.idx.msk $0xffff, v18  }
0xa2: {  	v19 =	vor.u32 v11, v17;
	v18 =	vld [tilespmem:s29+$0x100];
	_ =	sdelay $0x4  }
0xa3: {  	[tilespmem:v19+s26+$0x0] =	vst.idx.msk $0xffff, v18  }
0xa4: {  	v19 =	vor.u32 v12, v17;
	v18 =	vld [tilespmem:s29+$0x180];
	_ =	sdelay $0x4  }
0xa5: {  	[tilespmem:v19+s26+$0x0] =	vst.idx.msk $0xffff, v18  }
0xa6: {  	v19 =	vor.u32 v13, v17;
	v18 =	vld [tilespmem:s29+$0x200];
	_ =	sdelay $0x4  }
0xa7: {  	[tilespmem:v19+s26+$0x0] =	vst.idx.msk $0xffff, v18  }
0xa8: {  	v19 =	vor.u32 v14, v17;
	v18 =	vld [tilespmem:s29+$0x280];
	_ =	sdelay $0x4  }
0xa9: {  	[tilespmem:v19+s26+$0x0] =	vst.idx.msk $0xffff, v18  }
0xaa: {  	v19 =	vor.u32 v15, v17;
	v18 =	vld [tilespmem:s29+$0x300];
	_ =	sdelay $0x4  }
0xab: {  	[tilespmem:v19+s26+$0x0] =	vst.idx.msk $0xffff, v18  }
0xac: {  	v19 =	vor.u32 v16, v17;
	v18 =	vld [tilespmem:s29+$0x380];
	_ =	sdelay $0x1  }
0xad: {  	s31 =	simm.s32 $0x2  }
0xae: {  	s30 =	simm.s32 $0x4;
	v17 =	vmov s31  }
.LBB2_5:
0xaf: {  	p1 =	sne.s32 s30, $0x6;
	v17 =	vshll.u32 v17, $0x7  }
0xb0: {  	s29 =	sadd.s32 $0x10, s29;
	v17 =	vor.u32 v1, v17;
	[tilespmem:v19+s26+$0x0] =	vst.idx.msk $0xffff, v18  }
0xb1: {  	v18 =	vld [tilespmem:s29+$0xFFFFFC00];
	v19 =	vor.u32 v0, v17;
	_ =	sdelay $0x4  }
0xb2: {  	[tilespmem:v19+s26+$0x0] =	vst.idx.msk $0xffff, v18  }
0xb3: {  	v19 =	vor.u32 v2, v17;
	v18 =	vld [tilespmem:s29+$0xFFFFFC80];
	_ =	sdelay $0x4  }
0xb4: {  	[tilespmem:v19+s26+$0x0] =	vst.idx.msk $0xffff, v18  }
0xb5: {  	v19 =	vor.u32 v3, v17;
	v18 =	vld [tilespmem:s29+$0xFFFFFD00];
	_ =	sdelay $0x4  }
0xb6: {  	[tilespmem:v19+s26+$0x0] =	vst.idx.msk $0xffff, v18  }
0xb7: {  	v19 =	vor.u32 v4, v17;
	v18 =	vld [tilespmem:s29+$0xFFFFFD80];
	_ =	sdelay $0x4  }
0xb8: {  	[tilespmem:v19+s26+$0x0] =	vst.idx.msk $0xffff, v18  }
0xb9: {  	v19 =	vor.u32 v5, v17;
	v18 =	vld [tilespmem:s29+$0xFFFFFE00];
	_ =	sdelay $0x4  }
0xba: {  	[tilespmem:v19+s26+$0x0] =	vst.idx.msk $0xffff, v18  }
0xbb: {  	v19 =	vor.u32 v6, v17;
	v18 =	vld [tilespmem:s29+$0xFFFFFE80];
	_ =	sdelay $0x4  }
0xbc: {  	[tilespmem:v19+s26+$0x0] =	vst.idx.msk $0xffff, v18  }
0xbd: {  	v19 =	vor.u32 v7, v17;
	v18 =	vld [tilespmem:s29+$0xFFFFFF00];
	_ =	sdelay $0x4  }
0xbe: {  	[tilespmem:v19+s26+$0x0] =	vst.idx.msk $0xffff, v18  }
0xbf: {  	v19 =	vor.u32 v8, v17;
	v18 =	vld [tilespmem:s29+$0xFFFFFF80];
	_ =	sdelay $0x4  }
0xc0: {  	[tilespmem:v19+s26+$0x0] =	vst.idx.msk $0xffff, v18  }
0xc1: {  	v19 =	vor.u32 v9, v17;
	v18 =	vld [tilespmem:s29+$0x0];
	_ =	sdelay $0x4  }
0xc2: {  	[tilespmem:v19+s26+$0x0] =	vst.idx.msk $0xffff, v18  }
0xc3: {  	v19 =	vor.u32 v10, v17;
	v18 =	vld [tilespmem:s29+$0x80];
	_ =	sdelay $0x4  }
0xc4: {  	[tilespmem:v19+s26+$0x0] =	vst.idx.msk $0xffff, v18  }
0xc5: {  	v19 =	vor.u32 v11, v17;
	v18 =	vld [tilespmem:s29+$0x100];
	_ =	sdelay $0x4  }
0xc6: {  	[tilespmem:v19+s26+$0x0] =	vst.idx.msk $0xffff, v18  }
0xc7: {  	v19 =	vor.u32 v12, v17;
	v18 =	vld [tilespmem:s29+$0x180];
	_ =	sdelay $0x4  }
0xc8: {  	[tilespmem:v19+s26+$0x0] =	vst.idx.msk $0xffff, v18  }
0xc9: {  	v19 =	vor.u32 v13, v17;
	v18 =	vld [tilespmem:s29+$0x200];
	_ =	sdelay $0x4  }
0xca: {  	[tilespmem:v19+s26+$0x0] =	vst.idx.msk $0xffff, v18  }
0xcb: {  	v19 =	vor.u32 v14, v17;
	v18 =	vld [tilespmem:s29+$0x280];
	_ =	sdelay $0x4  }
0xcc: {  	[tilespmem:v19+s26+$0x0] =	vst.idx.msk $0xffff, v18  }
0xcd: {  	v19 =	vor.u32 v15, v17;
	v18 =	vld [tilespmem:s29+$0x300];
	_ =	sdelay $0x4  }
.Ltmp4:
0xce: {  	[tilespmem:v19+s26+$0x0] =	vst.idx.msk $0xffff, v18;
	(pc) =	sbr.rel @p1 .LBB2_5-.Ltmp4, $2  }
0xcf: {  	v19 =	vor.u32 v16, v17;
	v18 =	vld [tilespmem:s29+$0x380];
	_ =	sdelay $0x2  }
0xd0: {  	v17 =	vmov s30;
	s30 =	sadd.s32 $0x2, s30  }
.Ltmp5:
0xd1: {  	_ = 	snop;
	(pc) =	sbr.rel .LBB2_6-.Ltmp5, $1  }
0xd2: {  	_ =	sdelay $0x3  }
.LBB2_8:
0xd3: {  	_ =	sfence.sel $0x180000  }
0xd4: {  	[bflag:$0x0] =	sbarrier.arrive $0xFFFF  }
0xd5: {  	_ =	strace $0x90000047  }
0xd6: {  	s0 =	stileid.u32;
	[bflag:$0x2] =	sbarrier.arrive $0xFFFF  }
0xd7: {  	p0 =	sne.s32 s0, $0x0;
	s0 =	rddreg [dreg:$0x2]  }
0xd8: {  	s0 =	sadd.s32 @!p0 $0x100000, s0  }
0xd9: {  	[sflag:s0] =	ssyncadd.tile.s32 @!p0 $0x1;
	_ =	shalt  }
.Lfunc_end2:
_tile_overlayer_lowered:
.L_overlay_start_2:
0xda: {  	(tag) =	ssettag $0x2  }
0xdb: {  	s0 =	rddreg [dreg:$0x0];
	s2 =	stileid.u32  }
0xdc: {  	s1 =	rddreg [dreg:$0x1];
	p0 =	sne.s32 s2, $0x0  }
0xdd: {  	s3 =	rddreg [dreg:$0x2];
	[bflag:$0x3] =	sbarrier.arrive $0xFFFF;
	s2 =	simm.s32 @!p0 $0x1C06  }
0xde: {  	[timem:s3], [sflag:s2] =	dma.local @!p0 [hbm:s0], s1  }
0xdf: {  	s0 =	simm.s32 @!p0 $0x6  }
0xe0: {  	_ =	swait.ge @!p0 [sflag:s0], s1  }
0xe1: {  	s1 =	ssub.s32 @!p0 $0x0, s1;
	[sflag:s0] =	ssyncset.done @!p0 $0x0  }
0xe2: {  	[sflag:s0] =	ssyncadd.s32 @!p0 s1  }
0xe3: {  	[bflag:$0x3] =	sbarrier.arrive $0xFFFF  }
0xe4: {  	_ =	shalt  }

// kernel: kernel.7.cloned.1.call-start
scs
__scs_entry_jumppad:
0x0: {  	(pc) =	sbr.rel $0x88, $3  }
0x1: {  	(tag) =	ssettag $0x0;
	lr =	simm.s32 $0x1  }
0x2: {  	[smem:$0x3F9D] =	sst lr;
	_ =	strace $0xD0000000  }
0x3: {  	_ = 	snop  }
0x4: {  	_ = 	snop  }
0x5: {  	_ = 	snop  }
0x6: {  	_ = 	snop  }
0x7: {  	_ = 	snop  }
__scs_overlays_trampoline_lowered:
0x8: {  	[smem:$0x3FAC] =	sst s0  }
0x9: {  	[smem:$0x3FAD] =	sst s1  }
0xa: {  	[smem:$0x3FAE] =	sst s2  }
0xb: {  	[smem:$0x3FAF] =	sst s3  }
0xc: {  	[smem:$0x3FB0] =	sst s4  }
0xd: {  	[smem:$0x3FB1] =	sst s5  }
0xe: {  	[smem:$0x3FB2] =	sst s6  }
0xf: {  	[smem:$0x3FB3] =	sst s7  }
0x10: {  	[smem:$0x3FB4] =	sst s8  }
0x11: {  	[smem:$0x3FB5] =	sst s9;
	s0 =	simm.s32 @!p0 $0x0  }
0x12: {  	s1 =	sld [smem:$0x3F9B];
	s0 =	simm.s32 @p0 $0x1  }
0x13: {  	[smem:$0x3FB6] =	sst s0;
	s0 =	simm.s32 @!p1 $0x0  }
0x14: {  	s2 =	sld [smem:$0x3F9A];
	s0 =	simm.s32 @p1 $0x1  }
0x15: {  	[smem:$0x3FB7] =	sst s0;
	s0 =	simm.s32 @!p2 $0x0  }
0x16: {  	s3 =	sld [smem:$0x3FDB];
	s0 =	simm.s32 @p2 $0x1  }
0x17: {  	s4 =	simm.s32 $0x1BF5;
	[smem:$0x3FB9] =	sst s0  }
0x18: {  	s0 =	sld [smem:$0x3F9C];
	_ =	swait.ge [sflag:s4], $0x0  }
0x19: {  	s7 =	sld [smem:$0x3F9D]  }
0x1a: {  	s8 =	sadd.s32 $0xFFFFE003, lr  }
0x1b: {  	s9 =	sadd.s32 $0xFFFFFEF7, lr;
	s5 =	simm.s32 $0xFFFFFFFF;
	p2 =	slt.u32 s8, $0xFFFFF086  }
0x1c: {  	p1 =	slt.u32 s9, $0xF7A;
	s5 =	simm.s32 @!p2 $0x0  }
0x1d: {  	s5 =	simm.s32 @p1 $0x1;
	p0 =	seq.s32 s7, s2  }
0x1e: {  	s7 =	smul.u32 @!p0 $0xF7A, s2;
	p2 =	seq.s32 @!p0 s5, $0x0  }
0x1f: {  	s9 =	smul.u32 $0xF7A, s1;
	s8 =	simm.s32 @!p0 $0x1BF5;
	p2 =	por !p2, p0  }
0x20: {  	[sflag:s8] =	ssyncset.s32 @!p0 $0xFFFFF086;
	s6 =	sadd.s32 @!p0 s3, s7;
	s7 =	simm.s32 @!p0 $0x108  }
0x21: {  	s3 =	sadd.s32 s3, s9;
	s6 =	sadd.s32 @!p0 $0x88, s6;
	s7 =	simm.s32 @p2 $0x1082  }
0x22: {  	[simem:s7], [sflag:s8] =	dma.local @!p0 [hbm:s6], $0xF7A  }
0x23: {  	s9 =	sor.u32 $0xD0000000, s2;
	s6 =	simm.s32 $0x108;
	_ =	swait.ge @!p0 [sflag:s8], $0x0  }
0x24: {  	s3 =	sadd.s32 $0x88, s3;
	s6 =	simm.s32 @!p1 $0x1082;
	[sflag:s4] =	ssyncset.s32 $0xFFFFF086  }
0x25: {  	[simem:s6], [sflag:s4] =	dma.local [hbm:s3], $0xF7A  }
0x26: {  	[smem:$0x3F9D] =	sst s1;
	(tag) =	ssettag s2;
	_ =	strace s9  }
0x27: {  	s1 =	sld [smem:$0x3FAD]  }
0x28: {  	s2 =	sld [smem:$0x3FAE]  }
0x29: {  	s4 =	sld [smem:$0x3FB0]  }
0x2a: {  	p0 =	seq.s32 s5, $0x0;
	s5 =	sld [smem:$0x3FB1]  }
0x2b: {  	s6 =	sld [smem:$0x3FB2]  }
0x2c: {  	s7 =	sld [smem:$0x3FB3]  }
0x2d: {  	s3 =	simm.s32 $0x108;
	s8 =	sld [smem:$0x3FB4]  }
0x2e: {  	s3 =	simm.s32 @!p0 $0x1082;
	s9 =	sld [smem:$0x3FB5]  }
0x2f: {  	lr =	sadd.s32 s0, s3;
	s0 =	sld [smem:$0x3FAC]  }
0x30: {  	s3 =	sld [smem:$0x3FAF]  }
0x31: {  	[smem:$0x3FB8] =	sst s10  }
0x32: {  	s10 =	sld [smem:$0x3FB6];
	_ =	sdelay $0x3  }
0x33: {  	p0 =	seq.s32 s10, $0x1;
	s10 =	sld [smem:$0x3FB8];
	_ =	sdelay $0x3  }
0x34: {  	[smem:$0x3FB8] =	sst s10  }
0x35: {  	s10 =	sld [smem:$0x3FB7];
	_ =	sdelay $0x3  }
0x36: {  	p1 =	seq.s32 s10, $0x1;
	s10 =	sld [smem:$0x3FB8];
	_ =	sdelay $0x3  }
0x37: {  	[smem:$0x3FB8] =	sst s10  }
0x38: {  	s10 =	sld [smem:$0x3FB9]  }
0x39: {  	_ = 	snop;
	(pc) =	sbr.ind lr, $3  }
0x3a: {  	_ = 	snop  }
0x3b: {  	_ = 	snop  }
0x3c: {  	p2 =	seq.s32 s10, $0x1;
	s10 =	sld [smem:$0x3FB8]  }
0x3d: {  	_ =	shalt  }
0x3e: {  	_ =	shalt  }
0x3f: {  	_ =	shalt  }
0x40: {  	_ =	shalt  }
0x41: {  	_ =	shalt  }
0x42: {  	_ =	shalt  }
0x43: {  	_ =	shalt  }
0x44: {  	_ =	shalt  }
0x45: {  	_ =	shalt  }
0x46: {  	_ =	shalt  }
0x47: {  	_ =	shalt  }
0x48: {  	_ =	shalt  }
0x49: {  	_ =	shalt  }
0x4a: {  	_ =	shalt  }
0x4b: {  	_ =	shalt  }
0x4c: {  	_ =	shalt  }
0x4d: {  	_ =	shalt  }
0x4e: {  	_ =	shalt  }
0x4f: {  	_ =	shalt  }
0x50: {  	_ =	shalt  }
0x51: {  	_ =	shalt  }
0x52: {  	_ =	shalt  }
0x53: {  	_ =	shalt  }
0x54: {  	_ =	shalt  }
0x55: {  	_ =	shalt  }
0x56: {  	_ =	shalt  }
0x57: {  	_ =	shalt  }
0x58: {  	_ =	shalt  }
0x59: {  	_ =	shalt  }
0x5a: {  	_ =	shalt  }
0x5b: {  	_ =	shalt  }
0x5c: {  	_ =	shalt  }
0x5d: {  	_ =	shalt  }
0x5e: {  	_ =	shalt  }
0x5f: {  	_ =	shalt  }
0x60: {  	_ =	shalt  }
0x61: {  	_ =	shalt  }
0x62: {  	_ =	shalt  }
0x63: {  	_ =	shalt  }
0x64: {  	_ =	shalt  }
0x65: {  	_ =	shalt  }
0x66: {  	_ =	shalt  }
0x67: {  	_ =	shalt  }
0x68: {  	_ =	shalt  }
0x69: {  	_ =	shalt  }
0x6a: {  	_ =	shalt  }
0x6b: {  	_ =	shalt  }
0x6c: {  	_ =	shalt  }
0x6d: {  	_ =	shalt  }
0x6e: {  	_ =	shalt  }
0x6f: {  	_ =	shalt  }
0x70: {  	_ =	shalt  }
0x71: {  	_ =	shalt  }
0x72: {  	_ =	shalt  }
0x73: {  	_ =	shalt  }
0x74: {  	_ =	shalt  }
0x75: {  	_ =	shalt  }
0x76: {  	_ =	shalt  }
0x77: {  	_ =	shalt  }
0x78: {  	_ =	shalt  }
0x79: {  	_ =	shalt  }
0x7a: {  	_ =	shalt  }
0x7b: {  	_ =	shalt  }
0x7c: {  	_ =	shalt  }
0x7d: {  	_ =	shalt  }
0x7e: {  	_ =	shalt  }
0x7f: {  	_ =	shalt  }
0x80: {  	_ =	shalt  }
0x81: {  	_ =	shalt  }
0x82: {  	_ =	shalt  }
0x83: {  	_ =	shalt  }
0x84: {  	_ =	shalt  }
0x85: {  	_ =	shalt  }
0x86: {  	_ =	shalt  }
0x87: {  	_ =	shalt  }
.Lfunc_end0:
.L_simem_size_0:
called_computation.1_lowered:
.L_overlay_start_0:
0x88: {  	s2 =	sld [smem:$0x3FD9]  }
0x89: {  	s3 =	sld [smem:$0x3FFE];
	_ =	sdelay $0x1  }
0x8a: {  	s1 =	srdreg.scid  }
0x8b: {  	s0 =	sand.u32 $0x1, s1  }
0x8c: {  	s17 =	sshll.u32 s0, $0xA;
	s2 =	sadd.s32 s3, s2  }
0x8d: {  	s2 =	sadd.s32 s2, s17  }
0x8e: {  	[smem:$0x3FC4] =	sst s2  }
0x8f: {  	_ = 	snop  }
0x90: {  	s2 =	sld [smem:$0x3FD0];
	(tm) =	ssettm $0x1  }
0x91: {  	s18 =	sld [smem:$0x3FFB];
	_ =	sdelay $0x3  }
0x92: {  	_ =	strace s18  }
0x93: {  	s3 =	sld [smem:$0x3FFC];
	_ =	sdelay $0x3  }
0x94: {  	_ =	strace s3  }
0x95: {  	s3 =	sld [smem:$0x3FFD];
	_ =	sdelay $0x3  }
0x96: {  	_ =	strace s3  }
0x97: {  	_ =	strace $0x8FFFFFFF  }
0x98: {  	s19 =	sld [smem:$0x3FDB];
	_ =	sdelay $0x1  }
0x99: {  	s4 =	simm.s32 $_scs_section_size  }
0x9a: {  	s5 =	simm.s32 $_size__tile_overlayer_lowered;
	s6 =	simm.s32 $_tile_overlayer_lowered  }
0x9b: {  	s22 =	simm.s32 $0x1BFF;
	s21 =	sshll.u32 s6, $0x1;
	s3 =	sadd.s32 s4, s19  }
0x9c: {  	s7 =	simm.s32 $0x0;
	s20 =	sshll.u32 s5, $0x1;
	s5 =	sadd.s32 s21, s3  }
0x9d: {  	[timem:s7], [sflag:s22] =	dma.local [hbm:s5], s20  }
0x9e: {  	_ =	swait.ge [sflag:s22], s20  }
0x9f: {  	s4 =	ssub.s32 $0x0, s20;
	[sflag:s22] =	ssyncset.done $0x0  }
0xa0: {  	[sflag:s22] =	ssyncadd.s32 s4;
	_ =	sdelay $0x1  }
0xa1: {  	s23 =	simm.s32 $0x1B8B  }
0xa2: {  	_ =	swait.ge [sflag:s23], $0x1  }
0xa3: {  	[sflag:s23] =	ssyncset.done $0x0  }
0xa4: {  	s25 =	simm.s32 $0x1B8E;
	s24 =	sld [smem:$0x3FFE];
	[sflag:s23] =	ssyncadd.s32 $0xFFFFFFFF  }
0xa5: {  	s26 =	simm.s32 $execute0_lowered;
	[smem:$0x3FD2] =	sst s25  }
0xa6: {  	s5 =	sshll.u32 s26, $0x1;
	_ =	strace $0x80000049;
	[dreg:$0x1] =	wrdreg $0xFFFFFFFF  }
0xa7: {  	s28 =	simm.s32 $_size_execute0_lowered;
	s3 =	sadd.s32 s3, s5;
	[dreg:$0x0] =	wrdreg $0x0  }
0xa8: {  	s5 =	sshll.u32 s28, $0x1;
	[dreg:$0x2] =	wrdreg s3  }
0xa9: {  	[dreg:$0x3] =	wrdreg s5  }
0xaa: {  	[dreg:$0x4] =	wrdreg $0xC0  }
0xab: {  	_ =	task [dreg:s7], $0x5FFFF  }
0xac: {  	[dreg:$0x1] =	wrdreg $0xFFFFFFFF  }
0xad: {  	[dreg:$0x0] =	wrdreg $0x60  }
0xae: {  	[dreg:$0x2] =	wrdreg s24  }
0xaf: {  	[dreg:$0x3] =	wrdreg s2  }
0xb0: {  	[dreg:$0x4] =	wrdreg $0x9  }
0xb1: {  	_ =	task.clear_ibuf [dreg:s7], $0x5FFFF;
	_ =	strace $0x90000049  }
0xb2: {  	s29 =	simm.s32 $0x9;
	_ =	strace $0x8000004B  }
0xb3: {  	_ =	swait.ge [sflag:s29], $0x1  }
0xb4: {  	[sflag:s29] =	ssyncadd.s32 $0xFFFFFFFF  }
0xb5: {  	_ =	strace $0x9000004B  }
0xb6: {  	_ =	sfence  }
0xb7: {  	s30 =	sld [smem:$0x0];
	_ =	sdelay $0x2  }
0xb8: {  	s31 =	sshll.u32 s1, $0xD;
	s1 =	sshrl.u32 s1, $0x2  }
0xb9: {  	s3 =	sand.u32 $0x4000, s31;
	s1 =	sadd.s32 s1, s30  }
0xba: {  	s0 =	sor.u32 s3, s0;
	s1 =	sshll.u32 s1, $0x11  }
0xbb: {  	s0 =	sor.u32 s1, s0  }
0xbc: {  	s0 =	sadd.s32 $0x8F2B, s0  }
0xbd: {  	[sflag:s0] =	ssyncadd.remote.s32 $0x1  }
0xbe: {  	_ =	sfence.sel $0xFFFF  }
0xbf: {  	[dreg:$0x0] =	wrdreg $0xFFFFFFFF;
	(pc) =	sbr.abs _section_cstart, $3  }
0xc0: {  	[dreg:$0x1] =	wrdreg $0xFFFFFFFF  }
0xc1: {  	_ =	task.clear_ibuf [dreg:s7], $0x2FFFF;
	_ =	strace $0x9FFFFFFF  }
0xc2: {  	(tm) =	ssettm $0x7FFFFFFF  }
0xc3: {  	_ =	shalt  }
tec
execute0_lowered:
.L_overlay_start_1:
0x0: {  	(tag) =	ssettag $0x1  }
0x1: {  	v12 =	vlaneseq.u32  }
0x2: {  	s0 =	srdreg.scid;
	s1 =	rddreg [dreg:$0x0];
	v0 =	vmul.u32 $0x10, v12  }
0x3: {  	s2 =	stileid.u32;
	s6 =	rddreg [dreg:$0x1]  }
0x4: {  	s21 =	simm.s32 $0x0;
	s8 =	simm.s32 $0x1;
	s9 =	simm.s32 $0x3400;
	v12 =	vmul.u32 $0x1A, v12;
	v1 =	vor.u32 $0x1, v0;
	v2 =	vor.u32 $0x2, v0  }
0x5: {  	s10 =	simm.s32 $0x3800;
	s11 =	simm.s32 $0x1D800;
	s12 =	simm.s32 $0x1A0;
	v3 =	vor.u32 $0x3, v0;
	v4 =	vor.u32 $0x4, v0;
	v5 =	vor.u32 $0x5, v0  }
0x6: {  	s13 =	simm.s32 $0x3600;
	s14 =	simm.s32 $0x10800;
	s15 =	simm.s32 $0x1DA00;
	v6 =	vor.u32 $0x6, v0;
	v7 =	vor.u32 $0x7, v0;
	v8 =	vor.u32 $0x8, v0  }
0x7: {  	s16 =	simm.s32 $0x2;
	s17 =	simm.s32 $0x4;
	s18 =	simm.s32 $0x1DC00;
	v9 =	vor.u32 $0x9, v0;
	v10 =	vor.u32 $0xA, v0;
	v11 =	vor.u32 $0xB, v0  }
0x8: {  	s19 =	simm.s32 $0x3;
	s0 =	sand.u32 $0x1, s0;
	s2 =	sshll.u32 s2, $0x1;
	v13 =	vor.u32 $0xC, v0;
	v14 =	vor.u32 $0xD, v0;
	v15 =	vor.u32 $0xE, v0  }
0x9: {  	s20 =	simm.s32 $0x5;
	s22 =	simm.s32 $0x6;
	s2 =	sor.u32 s0, s2;
	v16 =	vor.u32 $0xF, v0;
	v17 =	vor.u32 $0x1, v12;
	v18 =	vadd.s32 $0x2, v12  }
0xa: {  	s23 =	simm.s32 $0x0;
	[smem:$0x7FF] =	sst s21;
	s3 =	smul.u32 $0x680, s2;
	v19 =	vadd.s32 $0x3, v12;
	v20 =	vadd.s32 $0x4, v12;
	v21 =	vadd.s32 $0x5, v12  }
0xb: {  	s4 =	sadd.s32 $0x503C00, s1;
	_ =	strace $0x8000004A;
	s0 =	ssub.s32 $0x2, s0;
	v22 =	vadd.s32 $0x6, v12;
	v23 =	vadd.s32 $0x7, v12;
	v24 =	vadd.s32 $0x8, v12  }
0xc: {  	s29 =	sshrl.u32 s0, $0x1;
	s31 =	sshll.u32 s2, $0x6;
	v25 =	vadd.s32 $0x9, v12;
	v26 =	vadd.s32 $0xA, v12;
	v27 =	vadd.s32 $0xB, v12;
	s5 =	sadd.s32 s3, s1  }
0xd: {  	v28 =	vadd.s32 $0xC, v12;
	v29 =	vadd.s32 $0xD, v12;
	v30 =	vadd.s32 $0xE, v12;
	s0 =	ssub.s32 s0, s29;
	s6 =	sadd.s32 s6, s31;
	s30 =	sadd.s32 $0x4F6C00, s5  }
0xe: {  	v31 =	vadd.s32 $0xF, v12;
	v32 =	vadd.s32 $0x10, v12;
	v33 =	vadd.s32 $0x11, v12;
	s3 =	sadd.s32 $0x1200, s1;
	s7 =	smax.u32 s0, $0x1;
	[dreg:$0x3] =	wrdreg s30  }
.LBB2_1:
0xf: {  	s0 =	rddreg [dreg:$0x3]  }
0x10: {  	[tilespmem:s21], [sflag:$0x1] =	stream.linear.gather [hbm4b:s0+s21], $0x3400, $0x38;
	[tilespmem:$0x1DF00] =	vst v63  }
0x11: {  	_ =	swait.ge [sflag:s8], $0x3400  }
0x12: {  	[sflag:s8] =	ssyncset.done $0x0  }
0x13: {  	s0 =	simm.s32 $0x0;
	[sflag:s8] =	ssyncadd.s32 $0xFFFFCC00  }
0x14: {  	s1 =	simm.s32 $0x40;
	v34 =	vld [tilespmem:s0+$0x0]  }
.LBB2_2:
0x15: {  	p0 =	sne.s32 s1, $0x640  }
.Ltmp0:
0x16: {  	_ = 	snop;
	(pc) =	sbr.rel @p0 .LBB2_2-.Ltmp0, $3  }
0x17: {  	_ =	sdelay $0x1  }
0x18: {  	s2 =	sshra.s32 s1, $0x2;
	s1 =	sadd.s32 $0x40, s1;
	v35 =	vshrl.u32 v34, $0x3  }
0x19: {  	v34 =	vld [tilespmem:s2+$0x0];
	[tilespmem:s0+$0x3400] =	vst v35;
	s0 =	smov.u32 s2  }
0x1a: {  	_ =	sdelay $0x3  }
0x1b: {  	v34 =	vshrl.u32 v34, $0x3  }
0x1c: {  	s24 =	simm.s32 $0x1A0;
	[tilespmem:s0+$0x3400] =	vst v34  }
0x1d: {  	[tilespmem:s10], [sflag:$0x2] =	stream.indirect.gather [hbm4b:s3+s24], $0x80, s9, s24, $0xb8;
	[tilespmem:$0x1DF00] =	vst v63  }
0x1e: {  	s25 =	simm.s32 $0x0;
	s26 =	simm.s32 $0x340;
	s28 =	simm.s32 $0x0  }
0x1f: {  	[tilespmem:s11], [sflag:$0x4] =	stream.indirect.gather [hbm4b:s4+s24], $0x1, s25, s24, $0xb8;
	[tilespmem:$0x1DF00] =	vst v63  }
.LBB2_4:
0x20: {  	v34 =	vmov s24  }
0x21: {  	s29 =	sshllo.u32 s28, $0x1  }
0x22: {  	s0 =	smul.u32 $0x680, s29;
	_ =	sdelay $0x1  }
0x23: {  	s1 =	simm.s32 $0x0;
	s2 =	simm.s32 $0x40;
	s0 =	sshra.s32 s0, $0x2  }
.LBB2_5:
0x24: {  	p0 =	sne.s32 s2, $0x640;
	v35 =	vld.idx.msk [tilespmem:v34+s1+$0x0 ss:$0x1], $0xffff;
	_ =	sdelay $0x2  }
.Ltmp1:
0x25: {  	(pc) =	sbr.rel @p0 .LBB2_5-.Ltmp1, $3  }
0x26: {  	_ =	sdelay $0x1  }
0x27: {  	v35 =	vshrl.u32 v35, $0x3  }
0x28: {  	[tilespmem:s1+$0x3600] =	vst v35;
	s1 =	sshra.s32 s2, $0x2;
	s2 =	sadd.s32 $0x40, s2  }
0x29: {  	_ =	sdelay $0x3  }
0x2a: {  	v34 =	vld.idx.msk [tilespmem:v34+s1+$0x0 ss:$0x1], $0xffff;
	_ =	sdelay $0x4  }
0x2b: {  	v34 =	vshrl.u32 v34, $0x3  }
0x2c: {  	[tilespmem:s1+$0x3600] =	vst v34  }
0x2d: {  	[tilespmem:s14], [sflag:$0x3] =	stream.indirect.gather [hbm4b:s3+s12], $0x80, s13, s12, $0xb8;
	[tilespmem:$0x1DF00] =	vst v63  }
0x2e: {  	_ = 	snop  }
0x2f: {  	[tilespmem:s15], [sflag:$0x5] =	stream.indirect.gather [hbm4b:s4+s12], $0x1, s0, s12, $0xb8;
	[tilespmem:$0x1DF00] =	vst v63  }
0x30: {  	_ =	swait.ge [sflag:s16], $0xD000  }
0x31: {  	[sflag:s16] =	ssyncset.done $0x0  }
0x32: {  	[sflag:s16] =	ssyncadd.s32 $0xFFFF3000  }
0x33: {  	_ =	swait.ge [sflag:s17], $0x1A0  }
0x34: {  	[sflag:s17] =	ssyncset.done $0x0  }
0x35: {  	[sflag:s17] =	ssyncadd.s32 $0xFFFFFE60  }
0x36: {  	v59 =	vld [tilespmem:s25+$0x0];
	_ =	sdelay $0x4  }
0x37: {  	v34 =	vshll.u32 v59, $0x4  }
0x38: {  	s0 =	simm.s32 $0x0;
	v34 =	vand.u32 $0x70, v34  }
0x39: {  	v34 =	vadd.s32 s0, v34  }
0x3a: {  	(v2sf) =	vpush v34, $0x0  }
0x3b: {  	(v2sf) =	vpush v34, $0x1;
	_ =	sdelay $0x1  }
0x3c: {  	(v2sf) =	vpush v34, $0x2;
	_ =	sdelay $0x1  }
0x3d: {  	(v2sf) =	vpush v34, $0x3;
	_ =	sdelay $0x1  }
0x3e: {  	(v2sf) =	vpush v34, $0x4;
	_ =	sdelay $0x1  }
0x3f: {  	(v2sf) =	vpush v34, $0x5;
	_ =	sdelay $0x1  }
0x40: {  	(v2sf) =	vpush v34, $0x6;
	_ =	sdelay $0x1  }
0x41: {  	(v2sf) =	vpush v34, $0x7;
	_ =	sdelay $0x1  }
0x42: {  	s5 =	spop (v2sf);
	(v2sf) =	vpush v34, $0x8  }
0x43: {  	v35 =	vld [tilespmem:s5+$0x3800];
	s21 =	spop (v2sf)  }
0x44: {  	(v2sf) =	vpush v34, $0x9;
	v36 =	vld [tilespmem:s21+$0x3880]  }
0x45: {  	s2 =	spop (v2sf)  }
0x46: {  	(v2sf) =	vpush v34, $0xA;
	v37 =	vld [tilespmem:s2+$0x3900]  }
0x47: {  	v38 =	vld [tilespmem:s25+$0xA];
	s5 =	spop (v2sf)  }
0x48: {  	(v2sf) =	vpush v34, $0xB;
	v39 =	vld [tilespmem:s5+$0x3980]  }
0x49: {  	s21 =	spop (v2sf);
	v40 =	vmul.f32 v35, v35;
	v35 =	vadd.f32 v36, v35;
	v36 =	vmul.f32 v36, v36  }
0x4a: {  	(v2sf) =	vpush v34, $0xC;
	v41 =	vld [tilespmem:s21+$0x3A00]  }
0x4b: {  	s2 =	spop (v2sf);
	v36 =	vadd.f32 v36, v40;
	v35 =	vadd.f32 v37, v35;
	v37 =	vmul.f32 v37, v37  }
0x4c: {  	v38 =	vshll.u32 v38, $0x4;
	(v2sf) =	vpush v34, $0xD;
	v60 =	vld [tilespmem:s2+$0x3A80]  }
0x4d: {  	s5 =	spop (v2sf);
	v61 =	vmul.f32 v39, v39;
	v36 =	vadd.f32 v37, v36;
	v35 =	vadd.f32 v39, v35  }
0x4e: {  	v38 =	vand.u32 $0x70, v38;
	(v2sf) =	vpush v34, $0xE;
	v62 =	vld [tilespmem:s5+$0x3B00]  }
0x4f: {  	s21 =	spop (v2sf);
	v63 =	vmul.f32 v41, v41;
	v36 =	vadd.f32 v61, v36;
	v35 =	vadd.f32 v41, v35  }
0x50: {  	v38 =	vadd.s32 s0, v38;
	(v2sf) =	vpush v34, $0xF;
	v44 =	vld [tilespmem:s21+$0x3B80]  }
0x51: {  	v46 =	vmul.f32 v60, v60;
	v45 =	vadd.f32 v63, v36;
	v35 =	vadd.f32 v60, v35;
	s2 =	spop (v2sf)  }
0x52: {  	(v2sf) =	vpush v38, $0x6;
	v47 =	vld [tilespmem:s2+$0x3C00]  }
0x53: {  	v48 =	vmul.f32 v62, v62;
	s5 =	spop (v2sf);
	v34 =	vadd.f32 v46, v45;
	v35 =	vadd.f32 v62, v35  }
0x54: {  	(v2sf) =	vpush v38, $0x7;
	v49 =	vld [tilespmem:s5+$0x3C80]  }
0x55: {  	v50 =	vmul.f32 v44, v44;
	s21 =	spop (v2sf);
	v34 =	vadd.f32 v48, v34;
	v35 =	vadd.f32 v44, v35  }
0x56: {  	(v2sf) =	vpush v38, $0x8;
	v51 =	vld [tilespmem:s21+$0x3D00]  }
0x57: {  	s1 =	spop (v2sf);
	v34 =	vadd.f32 v50, v34;
	v35 =	vadd.f32 v47, v35;
	v52 =	vmul.f32 v47, v47  }
0x58: {  	(v2sf) =	vpush v38, $0x9;
	v53 =	vld [tilespmem:s1+$0x3D80]  }
0x59: {  	s2 =	spop (v2sf);
	v54 =	vmul.f32 v49, v49;
	v34 =	vadd.f32 v52, v34;
	v35 =	vadd.f32 v49, v35  }
0x5a: {  	(v2sf) =	vpush v38, $0xA;
	v55 =	vld [tilespmem:s2+$0x3E00]  }
0x5b: {  	s5 =	spop (v2sf);
	v56 =	vmul.f32 v51, v51;
	v34 =	vadd.f32 v54, v34;
	v35 =	vadd.f32 v51, v35  }
0x5c: {  	(v2sf) =	vpush v38, $0xB;
	v57 =	vld [tilespmem:s5+$0x3E80]  }
0x5d: {  	s21 =	spop (v2sf);
	v58 =	vmul.f32 v53, v53;
	v34 =	vadd.f32 v56, v34;
	v35 =	vadd.f32 v53, v35  }
0x5e: {  	(v2sf) =	vpush v38, $0xC;
	v59 =	vld [tilespmem:s21+$0x3F00]  }
0x5f: {  	s1 =	spop (v2sf);
	v60 =	vmul.f32 v55, v55;
	v34 =	vadd.f32 v58, v34;
	v35 =	vadd.f32 v55, v35  }
0x60: {  	(v2sf) =	vpush v38, $0xD;
	v61 =	vld [tilespmem:s1+$0x3F80]  }
0x61: {  	v62 =	vmul.f32 v57, v57;
	s2 =	spop (v2sf);
	v34 =	vadd.f32 v60, v34;
	v35 =	vadd.f32 v57, v35  }
0x62: {  	(v2sf) =	vpush v38, $0xE;
	v63 =	vld [tilespmem:s2+$0x4000]  }
0x63: {  	v43 =	vmul.f32 v59, v59;
	s5 =	spop (v2sf);
	v34 =	vadd.f32 v62, v34;
	v35 =	vadd.f32 v59, v35  }
0x64: {  	(v2sf) =	vpush v38, $0xF;
	v44 =	vld [tilespmem:s5+$0x4080]  }
0x65: {  	v45 =	vmul.f32 v61, v61;
	s21 =	spop (v2sf);
	v34 =	vadd.f32 v43, v34;
	v35 =	vadd.f32 v61, v35  }
0x66: {  	v46 =	vld [tilespmem:s21+$0x4100]  }
0x67: {  	s1 =	spop (v2sf);
	v47 =	vmul.f32 v63, v63;
	v34 =	vadd.f32 v45, v34;
	v35 =	vadd.f32 v63, v35  }
0x68: {  	v48 =	vld [tilespmem:s1+$0x4180]  }
0x69: {  	s2 =	spop (v2sf);
	v49 =	vmul.f32 v44, v44;
	v34 =	vadd.f32 v47, v34;
	v35 =	vadd.f32 v44, v35  }
0x6a: {  	v50 =	vld [tilespmem:s2+$0x4200]  }
0x6b: {  	s5 =	spop (v2sf);
	v51 =	vmul.f32 v46, v46;
	v34 =	vadd.f32 v49, v34;
	v35 =	vadd.f32 v46, v35  }
0x6c: {  	v52 =	vld [tilespmem:s5+$0x4280]  }
0x6d: {  	s21 =	spop (v2sf);
	v53 =	vmul.f32 v48, v48;
	v34 =	vadd.f32 v51, v34;
	v35 =	vadd.f32 v48, v35  }
0x6e: {  	v54 =	vld [tilespmem:s21+$0x4300]  }
0x6f: {  	s1 =	spop (v2sf);
	v55 =	vmul.f32 v50, v50;
	v34 =	vadd.f32 v53, v34;
	v35 =	vadd.f32 v50, v35  }
0x70: {  	v56 =	vld [tilespmem:s1+$0x4380]  }
0x71: {  	v57 =	vmul.f32 v52, v52;
	s2 =	spop (v2sf);
	v34 =	vadd.f32 v55, v34;
	v35 =	vadd.f32 v52, v35  }
0x72: {  	v58 =	vld [tilespmem:s2+$0x4400]  }
0x73: {  	v59 =	vmul.f32 v54, v54;
	s5 =	spop (v2sf);
	v34 =	vadd.f32 v57, v34;
	v35 =	vadd.f32 v54, v35  }
0x74: {  	v60 =	vld [tilespmem:s5+$0x4480]  }
0x75: {  	v61 =	vmul.f32 v56, v56;
	v34 =	vadd.f32 v59, v34;
	v35 =	vadd.f32 v56, v35;
	_ =	sdelay $0x1  }
0x76: {  	v62 =	vmul.f32 v58, v58;
	v34 =	vadd.f32 v61, v34;
	v35 =	vadd.f32 v58, v35;
	_ =	sdelay $0x1  }
0x77: {  	v63 =	vmul.f32 v60, v60;
	v34 =	vadd.f32 v62, v34;
	v35 =	vadd.f32 v60, v35;
	_ =	sdelay $0x1  }
0x78: {  	v34 =	vadd.f32 v63, v34;
	v35 =	vmul.f32 v35, v35;
	_ =	sdelay $0x1  }
0x79: {  	v34 =	vsub.f32 v35, v34  }
0x7a: {  	s31 =	simm.s32 $0x1DC00  }
0x7b: {  	s21 =	smul.u32 $0xD00, s28;
	s1 =	sadd.s32 $0x1A, s25;
	[tilespmem:s31+$0x0] =	vst v34  }
0x7c: {  	v34 =	vld [tilespmem:s1+$0x0]  }
0x7d: {  	s0 =	simm.s32 $0x3400;
	s30 =	sshra.s32 s21, $0x2;
	s21 =	simm.s32 $0x6800  }
.LBB2_7:
0x7e: {  	p0 =	sne.s32 s21, $0x30C00;
	_ =	sdelay $0x2  }
0x7f: {  	v34 =	vshll.u32 v34, $0x4  }
0x80: {  	s2 =	sshra.s32 s0, $0x2;
	s0 =	smov.u32 s21;
	v34 =	vand.u32 $0x70, v34  }
0x81: {  	v34 =	vadd.s32 s2, v34  }
0x82: {  	(v2sf) =	vpush v34, $0x0  }
0x83: {  	(v2sf) =	vpush v34, $0x1;
	_ =	sdelay $0x1  }
0x84: {  	(v2sf) =	vpush v34, $0x2;
	_ =	sdelay $0x1  }
0x85: {  	(v2sf) =	vpush v34, $0x3;
	_ =	sdelay $0x1  }
0x86: {  	(v2sf) =	vpush v34, $0x4;
	_ =	sdelay $0x1  }
0x87: {  	(v2sf) =	vpush v34, $0x5;
	_ =	sdelay $0x1  }
0x88: {  	(v2sf) =	vpush v34, $0x6;
	_ =	sdelay $0x1  }
0x89: {  	(v2sf) =	vpush v34, $0x7;
	_ =	sdelay $0x1  }
0x8a: {  	s5 =	spop (v2sf);
	(v2sf) =	vpush v34, $0x8  }
0x8b: {  	v35 =	vld [tilespmem:s5+$0x3800];
	s5 =	spop (v2sf)  }
0x8c: {  	v36 =	vld [tilespmem:s5+$0x3880];
	(v2sf) =	vpush v34, $0x9  }
0x8d: {  	s5 =	spop (v2sf)  }
0x8e: {  	v37 =	vld [tilespmem:s5+$0x3900];
	(v2sf) =	vpush v34, $0xA  }
0x8f: {  	v38 =	vld [tilespmem:s1+$0xA];
	s5 =	spop (v2sf)  }
0x90: {  	v39 =	vld [tilespmem:s5+$0x3980];
	(v2sf) =	vpush v34, $0xB  }
0x91: {  	v40 =	vmul.f32 v35, v35;
	v35 =	vadd.f32 v36, v35;
	v36 =	vmul.f32 v36, v36;
	s5 =	spop (v2sf)  }
0x92: {  	v41 =	vld [tilespmem:s5+$0x3A00];
	(v2sf) =	vpush v34, $0xC  }
0x93: {  	v36 =	vadd.f32 v36, v40;
	v35 =	vadd.f32 v37, v35;
	v37 =	vmul.f32 v37, v37;
	s5 =	spop (v2sf)  }
0x94: {  	v38 =	vshll.u32 v38, $0x4;
	v40 =	vld [tilespmem:s5+$0x3A80];
	(v2sf) =	vpush v34, $0xD  }
0x95: {  	v36 =	vadd.f32 v37, v36;
	v35 =	vadd.f32 v39, v35;
	v37 =	vmul.f32 v39, v39;
	s5 =	spop (v2sf)  }
0x96: {  	v38 =	vand.u32 $0x70, v38;
	v39 =	vld [tilespmem:s5+$0x3B00];
	(v2sf) =	vpush v34, $0xE  }
0x97: {  	v36 =	vadd.f32 v37, v36;
	v35 =	vadd.f32 v41, v35;
	v37 =	vmul.f32 v41, v41;
	s5 =	spop (v2sf)  }
0x98: {  	v38 =	vadd.s32 s2, v38;
	v41 =	vld [tilespmem:s5+$0x3B80];
	(v2sf) =	vpush v34, $0xF  }
0x99: {  	v34 =	vadd.f32 v37, v36;
	v35 =	vadd.f32 v40, v35;
	v36 =	vmul.f32 v40, v40;
	s2 =	spop (v2sf)  }
0x9a: {  	v37 =	vld [tilespmem:s2+$0x3C00];
	(v2sf) =	vpush v38, $0x6  }
0x9b: {  	v34 =	vadd.f32 v36, v34;
	v35 =	vadd.f32 v39, v35;
	v36 =	vmul.f32 v39, v39;
	s2 =	spop (v2sf)  }
0x9c: {  	v39 =	vld [tilespmem:s2+$0x3C80];
	(v2sf) =	vpush v38, $0x7  }
0x9d: {  	v34 =	vadd.f32 v36, v34;
	v35 =	vadd.f32 v41, v35;
	v36 =	vmul.f32 v41, v41;
	s2 =	spop (v2sf)  }
0x9e: {  	v40 =	vld [tilespmem:s2+$0x3D00];
	(v2sf) =	vpush v38, $0x8  }
0x9f: {  	v34 =	vadd.f32 v36, v34;
	v35 =	vadd.f32 v37, v35;
	v36 =	vmul.f32 v37, v37;
	s2 =	spop (v2sf)  }
0xa0: {  	v37 =	vld [tilespmem:s2+$0x3D80];
	(v2sf) =	vpush v38, $0x9  }
0xa1: {  	v34 =	vadd.f32 v36, v34;
	v35 =	vadd.f32 v39, v35;
	v36 =	vmul.f32 v39, v39;
	s2 =	spop (v2sf)  }
0xa2: {  	v39 =	vld [tilespmem:s2+$0x3E00];
	(v2sf) =	vpush v38, $0xA  }
0xa3: {  	v34 =	vadd.f32 v36, v34;
	v35 =	vadd.f32 v40, v35;
	v36 =	vmul.f32 v40, v40;
	s2 =	spop (v2sf)  }
0xa4: {  	v40 =	vld [tilespmem:s2+$0x3E80];
	(v2sf) =	vpush v38, $0xB  }
0xa5: {  	v34 =	vadd.f32 v36, v34;
	v35 =	vadd.f32 v37, v35;
	v36 =	vmul.f32 v37, v37;
	s2 =	spop (v2sf)  }
0xa6: {  	v37 =	vld [tilespmem:s2+$0x3F00];
	(v2sf) =	vpush v38, $0xC  }
0xa7: {  	v34 =	vadd.f32 v36, v34;
	v35 =	vadd.f32 v39, v35;
	v36 =	vmul.f32 v39, v39;
	s2 =	spop (v2sf)  }
0xa8: {  	v39 =	vld [tilespmem:s2+$0x3F80];
	(v2sf) =	vpush v38, $0xD  }
0xa9: {  	v34 =	vadd.f32 v36, v34;
	v35 =	vadd.f32 v40, v35;
	v36 =	vmul.f32 v40, v40;
	s2 =	spop (v2sf)  }
0xaa: {  	v40 =	vld [tilespmem:s2+$0x4000];
	(v2sf) =	vpush v38, $0xE  }
0xab: {  	v34 =	vadd.f32 v36, v34;
	v35 =	vadd.f32 v37, v35;
	v36 =	vmul.f32 v37, v37;
	s2 =	spop (v2sf)  }
0xac: {  	v37 =	vld [tilespmem:s2+$0x4080];
	(v2sf) =	vpush v38, $0xF  }
0xad: {  	v34 =	vadd.f32 v36, v34;
	v35 =	vadd.f32 v39, v35;
	v36 =	vmul.f32 v39, v39;
	s2 =	spop (v2sf)  }
0xae: {  	v38 =	vld [tilespmem:s2+$0x4100]  }
0xaf: {  	v34 =	vadd.f32 v36, v34;
	v35 =	vadd.f32 v40, v35;
	v36 =	vmul.f32 v40, v40;
	s2 =	spop (v2sf)  }
0xb0: {  	v39 =	vld [tilespmem:s2+$0x4180]  }
0xb1: {  	v34 =	vadd.f32 v36, v34;
	v35 =	vadd.f32 v37, v35;
	v36 =	vmul.f32 v37, v37;
	s2 =	spop (v2sf)  }
0xb2: {  	v37 =	vld [tilespmem:s2+$0x4200]  }
0xb3: {  	v34 =	vadd.f32 v36, v34;
	v35 =	vadd.f32 v38, v35;
	v36 =	vmul.f32 v38, v38;
	s2 =	spop (v2sf)  }
0xb4: {  	v38 =	vld [tilespmem:s2+$0x4280]  }
0xb5: {  	v34 =	vadd.f32 v36, v34;
	v35 =	vadd.f32 v39, v35;
	v36 =	vmul.f32 v39, v39;
	s2 =	spop (v2sf)  }
0xb6: {  	v39 =	vld [tilespmem:s2+$0x4300]  }
0xb7: {  	v34 =	vadd.f32 v36, v34;
	v35 =	vadd.f32 v37, v35;
	v36 =	vmul.f32 v37, v37;
	s2 =	spop (v2sf)  }
0xb8: {  	v37 =	vld [tilespmem:s2+$0x4380]  }
0xb9: {  	v34 =	vadd.f32 v36, v34;
	v35 =	vadd.f32 v38, v35;
	v36 =	vmul.f32 v38, v38;
	s2 =	spop (v2sf)  }
0xba: {  	v38 =	vld [tilespmem:s2+$0x4400]  }
0xbb: {  	v34 =	vadd.f32 v36, v34;
	v35 =	vadd.f32 v39, v35;
	v36 =	vmul.f32 v39, v39;
	s2 =	spop (v2sf)  }
0xbc: {  	v39 =	vld [tilespmem:s2+$0x4480]  }
0xbd: {  	v34 =	vadd.f32 v36, v34;
	v35 =	vadd.f32 v37, v35;
	v36 =	vmul.f32 v37, v37;
	_ =	sdelay $0x1  }
0xbe: {  	v34 =	vadd.f32 v36, v34;
	v35 =	vadd.f32 v38, v35;
	v36 =	vmul.f32 v38, v38;
	_ =	sdelay $0x1  }
0xbf: {  	v34 =	vadd.f32 v36, v34;
	v35 =	vadd.f32 v39, v35;
	v36 =	vmul.f32 v39, v39;
	_ =	sdelay $0x1  }
0xc0: {  	v34 =	vadd.f32 v36, v34;
	v35 =	vmul.f32 v35, v35;
	_ =	sdelay $0x1  }
.Ltmp2:
0xc1: {  	v34 =	vsub.f32 v35, v34;
	(pc) =	sbr.rel @p0 .LBB2_7-.Ltmp2, $4  }
0xc2: {  	s31 =	sadd.s32 $0x10, s31  }
0xc3: {  	s1 =	sadd.s32 $0x1A, s1;
	[tilespmem:s31+$0x0] =	vst v34  }
0xc4: {  	v34 =	vld [tilespmem:s1+$0x0]  }
0xc5: {  	s21 =	sadd.s32 $0x3400, s21  }
0xc6: {  	_ =	sdelay $0x2  }
0xc7: {  	v34 =	vshll.u32 v34, $0x4  }
0xc8: {  	s0 =	sshra.s32 s0, $0x2;
	v34 =	vand.u32 $0x70, v34  }
0xc9: {  	v34 =	vadd.s32 s0, v34  }
0xca: {  	(v2sf) =	vpush v34, $0x0  }
0xcb: {  	(v2sf) =	vpush v34, $0x1;
	_ =	sdelay $0x1  }
0xcc: {  	(v2sf) =	vpush v34, $0x2;
	_ =	sdelay $0x1  }
0xcd: {  	(v2sf) =	vpush v34, $0x3;
	_ =	sdelay $0x1  }
0xce: {  	(v2sf) =	vpush v34, $0x4;
	_ =	sdelay $0x1  }
0xcf: {  	(v2sf) =	vpush v34, $0x5;
	_ =	sdelay $0x1  }
0xd0: {  	(v2sf) =	vpush v34, $0x6;
	_ =	sdelay $0x1  }
0xd1: {  	(v2sf) =	vpush v34, $0x7;
	_ =	sdelay $0x1  }
0xd2: {  	s2 =	spop (v2sf);
	(v2sf) =	vpush v34, $0x8  }
0xd3: {  	v35 =	vld [tilespmem:s2+$0x3800];
	s5 =	spop (v2sf)  }
0xd4: {  	(v2sf) =	vpush v34, $0x9;
	v36 =	vld [tilespmem:s5+$0x3880]  }
0xd5: {  	s21 =	spop (v2sf)  }
0xd6: {  	(v2sf) =	vpush v34, $0xA;
	v37 =	vld [tilespmem:s21+$0x3900]  }
0xd7: {  	v38 =	vld [tilespmem:s1+$0xA];
	s5 =	spop (v2sf)  }
0xd8: {  	(v2sf) =	vpush v34, $0xB;
	v39 =	vld [tilespmem:s5+$0x3980]  }
0xd9: {  	s21 =	spop (v2sf);
	v40 =	vmul.f32 v35, v35;
	v35 =	vadd.f32 v36, v35;
	v36 =	vmul.f32 v36, v36  }
0xda: {  	(v2sf) =	vpush v34, $0xC;
	v41 =	vld [tilespmem:s21+$0x3A00]  }
0xdb: {  	s2 =	spop (v2sf);
	v36 =	vadd.f32 v36, v40;
	v35 =	vadd.f32 v37, v35;
	v37 =	vmul.f32 v37, v37  }
0xdc: {  	v38 =	vshll.u32 v38, $0x4;
	(v2sf) =	vpush v34, $0xD;
	v46 =	vld [tilespmem:s2+$0x3A80]  }
0xdd: {  	s5 =	spop (v2sf);
	v47 =	vmul.f32 v39, v39;
	v36 =	vadd.f32 v37, v36;
	v35 =	vadd.f32 v39, v35  }
0xde: {  	v38 =	vand.u32 $0x70, v38;
	(v2sf) =	vpush v34, $0xE;
	v48 =	vld [tilespmem:s5+$0x3B00]  }
0xdf: {  	s21 =	spop (v2sf);
	v49 =	vmul.f32 v41, v41;
	v36 =	vadd.f32 v47, v36;
	v35 =	vadd.f32 v41, v35  }
0xe0: {  	v38 =	vadd.s32 s0, v38;
	(v2sf) =	vpush v34, $0xF;
	v50 =	vld [tilespmem:s21+$0x3B80]  }
0xe1: {  	v52 =	vmul.f32 v46, v46;
	v51 =	vadd.f32 v49, v36;
	v35 =	vadd.f32 v46, v35;
	s2 =	spop (v2sf)  }
0xe2: {  	(v2sf) =	vpush v38, $0x6;
	v53 =	vld [tilespmem:s2+$0x3C00]  }
0xe3: {  	v54 =	vmul.f32 v48, v48;
	s5 =	spop (v2sf);
	v34 =	vadd.f32 v52, v51;
	v35 =	vadd.f32 v48, v35  }
0xe4: {  	(v2sf) =	vpush v38, $0x7;
	v55 =	vld [tilespmem:s5+$0x3C80]  }
0xe5: {  	v56 =	vmul.f32 v50, v50;
	s21 =	spop (v2sf);
	v34 =	vadd.f32 v54, v34;
	v35 =	vadd.f32 v50, v35  }
0xe6: {  	(v2sf) =	vpush v38, $0x8;
	v57 =	vld [tilespmem:s21+$0x3D00]  }
0xe7: {  	s1 =	spop (v2sf);
	v34 =	vadd.f32 v56, v34;
	v35 =	vadd.f32 v53, v35;
	v58 =	vmul.f32 v53, v53  }
0xe8: {  	(v2sf) =	vpush v38, $0x9;
	v59 =	vld [tilespmem:s1+$0x3D80]  }
0xe9: {  	s2 =	spop (v2sf);
	v60 =	vmul.f32 v55, v55;
	v34 =	vadd.f32 v58, v34;
	v35 =	vadd.f32 v55, v35  }
0xea: {  	(v2sf) =	vpush v38, $0xA;
	v61 =	vld [tilespmem:s2+$0x3E00]  }
0xeb: {  	s5 =	spop (v2sf);
	v62 =	vmul.f32 v57, v57;
	v34 =	vadd.f32 v60, v34;
	v35 =	vadd.f32 v57, v35  }
0xec: {  	(v2sf) =	vpush v38, $0xB;
	v63 =	vld [tilespmem:s5+$0x3E80]  }
0xed: {  	s21 =	spop (v2sf);
	v44 =	vmul.f32 v59, v59;
	v34 =	vadd.f32 v62, v34;
	v35 =	vadd.f32 v59, v35  }
0xee: {  	(v2sf) =	vpush v38, $0xC;
	v45 =	vld [tilespmem:s21+$0x3F00]  }
0xef: {  	s1 =	spop (v2sf);
	v46 =	vmul.f32 v61, v61;
	v34 =	vadd.f32 v44, v34;
	v35 =	vadd.f32 v61, v35  }
0xf0: {  	(v2sf) =	vpush v38, $0xD;
	v47 =	vld [tilespmem:s1+$0x3F80]  }
0xf1: {  	v48 =	vmul.f32 v63, v63;
	s2 =	spop (v2sf);
	v34 =	vadd.f32 v46, v34;
	v35 =	vadd.f32 v63, v35  }
0xf2: {  	(v2sf) =	vpush v38, $0xE;
	v49 =	vld [tilespmem:s2+$0x4000]  }
0xf3: {  	v50 =	vmul.f32 v45, v45;
	s5 =	spop (v2sf);
	v34 =	vadd.f32 v48, v34;
	v35 =	vadd.f32 v45, v35  }
0xf4: {  	(v2sf) =	vpush v38, $0xF;
	v51 =	vld [tilespmem:s5+$0x4080]  }
0xf5: {  	v52 =	vmul.f32 v47, v47;
	s21 =	spop (v2sf);
	v34 =	vadd.f32 v50, v34;
	v35 =	vadd.f32 v47, v35  }
0xf6: {  	v53 =	vld [tilespmem:s21+$0x4100]  }
0xf7: {  	s1 =	spop (v2sf);
	v54 =	vmul.f32 v49, v49;
	v34 =	vadd.f32 v52, v34;
	v35 =	vadd.f32 v49, v35  }
0xf8: {  	v55 =	vld [tilespmem:s1+$0x4180]  }
0xf9: {  	s2 =	spop (v2sf);
	v56 =	vmul.f32 v51, v51;
	v34 =	vadd.f32 v54, v34;
	v35 =	vadd.f32 v51, v35  }
0xfa: {  	v57 =	vld [tilespmem:s2+$0x4200]  }
0xfb: {  	s5 =	spop (v2sf);
	v58 =	vmul.f32 v53, v53;
	v34 =	vadd.f32 v56, v34;
	v35 =	vadd.f32 v53, v35  }
0xfc: {  	v59 =	vld [tilespmem:s5+$0x4280]  }
0xfd: {  	s21 =	spop (v2sf);
	v60 =	vmul.f32 v55, v55;
	v34 =	vadd.f32 v58, v34;
	v35 =	vadd.f32 v55, v35  }
0xfe: {  	v61 =	vld [tilespmem:s21+$0x4300]  }
0xff: {  	s1 =	spop (v2sf);
	v62 =	vmul.f32 v57, v57;
	v34 =	vadd.f32 v60, v34;
	v35 =	vadd.f32 v57, v35  }
0x100: {  	v63 =	vld [tilespmem:s1+$0x4380]  }
0x101: {  	v41 =	vmul.f32 v59, v59;
	s2 =	spop (v2sf);
	v34 =	vadd.f32 v62, v34;
	v35 =	vadd.f32 v59, v35  }
0x102: {  	v42 =	vld [tilespmem:s2+$0x4400]  }
0x103: {  	v43 =	vmul.f32 v61, v61;
	s5 =	spop (v2sf);
	v34 =	vadd.f32 v41, v34;
	v35 =	vadd.f32 v61, v35  }
0x104: {  	v44 =	vld [tilespmem:s5+$0x4480]  }
0x105: {  	v45 =	vmul.f32 v63, v63;
	v34 =	vadd.f32 v43, v34;
	v35 =	vadd.f32 v63, v35;
	_ =	sdelay $0x1  }
0x106: {  	v46 =	vmul.f32 v42, v42;
	v34 =	vadd.f32 v45, v34;
	v35 =	vadd.f32 v42, v35;
	_ =	sdelay $0x1  }
0x107: {  	v47 =	vmul.f32 v44, v44;
	v34 =	vadd.f32 v46, v34;
	v35 =	vadd.f32 v44, v35;
	_ =	sdelay $0x1  }
0x108: {  	v34 =	vadd.f32 v47, v34;
	v35 =	vmul.f32 v35, v35;
	_ =	sdelay $0x1  }
0x109: {  	v34 =	vsub.f32 v35, v34  }
0x10a: {  	s21 =	sadd.s32 $0x10, s31  }
0x10b: {  	[tilespmem:s21+$0x0] =	vst v34  }
0x10c: {  	v34 =	vld.idx.msk [tilespmem:v12+s11+$0x0], $0xffff  }
0x10d: {  	v48 =	vld.idx.msk [tilespmem:v17+s11+$0x0], $0xffff;
	_ =	sdelay $0x1  }
0x10e: {  	v49 =	vld.idx.msk [tilespmem:v18+s11+$0x0], $0xffff;
	_ =	sdelay $0x1  }
0x10f: {  	v50 =	vld.idx.msk [tilespmem:v19+s11+$0x0], $0xffff  }
0x110: {  	v34 =	vadd.f32 v48, v34  }
0x111: {  	v51 =	vld.idx.msk [tilespmem:v20+s11+$0x0], $0xffff  }
0x112: {  	v34 =	vadd.f32 v49, v34  }
0x113: {  	v52 =	vld.idx.msk [tilespmem:v21+s11+$0x0], $0xffff  }
0x114: {  	v34 =	vadd.f32 v50, v34  }
0x115: {  	v53 =	vld.idx.msk [tilespmem:v22+s11+$0x0], $0xffff  }
0x116: {  	v34 =	vadd.f32 v51, v34  }
0x117: {  	v54 =	vld.idx.msk [tilespmem:v23+s11+$0x0], $0xffff  }
0x118: {  	v34 =	vadd.f32 v52, v34  }
0x119: {  	v55 =	vld.idx.msk [tilespmem:v24+s11+$0x0], $0xffff  }
0x11a: {  	v56 =	vld.idx.msk [tilespmem:v0+s18+$0x0], $0xffff;
	v34 =	vadd.f32 v53, v34  }
0x11b: {  	v57 =	vld.idx.msk [tilespmem:v25+s11+$0x0], $0xffff  }
0x11c: {  	v58 =	vld.idx.msk [tilespmem:v1+s18+$0x0], $0xffff;
	v34 =	vadd.f32 v54, v34  }
0x11d: {  	v59 =	vld.idx.msk [tilespmem:v26+s11+$0x0], $0xffff  }
0x11e: {  	v60 =	vld.idx.msk [tilespmem:v2+s18+$0x0], $0xffff;
	v34 =	vadd.f32 v55, v34  }
0x11f: {  	v61 =	vld.idx.msk [tilespmem:v27+s11+$0x0], $0xffff  }
0x120: {  	v62 =	vld.idx.msk [tilespmem:v3+s18+$0x0], $0xffff;
	v34 =	vadd.f32 v57, v34  }
0x121: {  	v63 =	vld.idx.msk [tilespmem:v28+s11+$0x0], $0xffff  }
0x122: {  	v44 =	vld.idx.msk [tilespmem:v4+s18+$0x0], $0xffff;
	v38 =	vadd.f32 v58, v56;
	v34 =	vadd.f32 v59, v34  }
0x123: {  	v45 =	vld.idx.msk [tilespmem:v29+s11+$0x0], $0xffff  }
0x124: {  	v46 =	vld.idx.msk [tilespmem:v5+s18+$0x0], $0xffff;
	v38 =	vadd.f32 v60, v38;
	v34 =	vadd.f32 v61, v34  }
0x125: {  	v47 =	vld.idx.msk [tilespmem:v30+s11+$0x0], $0xffff  }
0x126: {  	v48 =	vld.idx.msk [tilespmem:v6+s18+$0x0], $0xffff;
	v38 =	vadd.f32 v62, v38;
	v34 =	vadd.f32 v63, v34  }
0x127: {  	v49 =	vld.idx.msk [tilespmem:v31+s11+$0x0], $0xffff  }
0x128: {  	v42 =	vld.idx.msk [tilespmem:v32+s11+$0x0], $0xffff;
	v38 =	vadd.f32 v44, v38;
	v35 =	vadd.f32 v45, v34;
	v34 =	vadd.s32 $0x12, v12  }
0x129: {  	v50 =	vld.idx.msk [tilespmem:v7+s18+$0x0], $0xffff  }
0x12a: {  	v43 =	vld.idx.msk [tilespmem:v33+s11+$0x0], $0xffff;
	v38 =	vadd.f32 v46, v38;
	v36 =	vadd.f32 v47, v35;
	v35 =	vadd.s32 $0x13, v12  }
0x12b: {  	v51 =	vld.idx.msk [tilespmem:v8+s18+$0x0], $0xffff  }
0x12c: {  	v52 =	vld.idx.msk [tilespmem:v9+s18+$0x0], $0xffff;
	v38 =	vadd.f32 v48, v38;
	v37 =	vadd.f32 v49, v36;
	v36 =	vadd.s32 $0x14, v12  }
0x12d: {  	v44 =	vld.idx.msk [tilespmem:v34+s11+$0x0], $0xffff  }
0x12e: {  	v38 =	vadd.f32 v50, v38;
	v45 =	vld.idx.msk [tilespmem:v10+s18+$0x0], $0xffff;
	v53 =	vadd.f32 v42, v37;
	v37 =	vadd.s32 $0x15, v12  }
0x12f: {  	v54 =	vld.idx.msk [tilespmem:v35+s11+$0x0], $0xffff  }
0x130: {  	v46 =	vld.idx.msk [tilespmem:v11+s18+$0x0], $0xffff;
	v40 =	vadd.f32 v51, v38;
	v38 =	vadd.s32 $0x16, v12;
	v39 =	vadd.f32 v43, v53  }
0x131: {  	v55 =	vld.idx.msk [tilespmem:v36+s11+$0x0], $0xffff  }
0x132: {  	v40 =	vadd.f32 v52, v40;
	v47 =	vld.idx.msk [tilespmem:v13+s18+$0x0], $0xffff;
	v56 =	vadd.f32 v44, v39;
	v39 =	vadd.s32 $0x17, v12  }
0x133: {  	v57 =	vld.idx.msk [tilespmem:v37+s11+$0x0], $0xffff  }
0x134: {  	v48 =	vld.idx.msk [tilespmem:v14+s18+$0x0], $0xffff;
	v45 =	vadd.f32 v45, v40;
	v40 =	vadd.s32 $0x18, v12;
	v41 =	vadd.f32 v54, v56  }
0x135: {  	v58 =	vld.idx.msk [tilespmem:v38+s11+$0x0], $0xffff  }
0x136: {  	v59 =	vld.idx.msk [tilespmem:v15+s18+$0x0], $0xffff;
	v45 =	vadd.f32 v46, v45;
	v43 =	vadd.f32 v55, v41;
	v41 =	vadd.s32 $0x19, v12  }
0x137: {  	v49 =	vld.idx.msk [tilespmem:v39+s11+$0x0], $0xffff  }
0x138: {  	v60 =	vld.idx.msk [tilespmem:v16+s18+$0x0], $0xffff;
	v45 =	vadd.f32 v47, v45;
	v43 =	vadd.f32 v57, v43  }
0x139: {  	v61 =	vld.idx.msk [tilespmem:v40+s11+$0x0], $0xffff  }
0x13a: {  	v45 =	vadd.f32 v48, v45;
	v42 =	vadd.f32 v58, v43  }
0x13b: {  	v62 =	vld.idx.msk [tilespmem:v41+s11+$0x0], $0xffff  }
0x13c: {  	v45 =	vadd.f32 v59, v45;
	v42 =	vadd.f32 v49, v42;
	_ =	sdelay $0x1  }
0x13d: {  	v45 =	vadd.f32 v60, v45;
	v42 =	vadd.f32 v61, v42  }
0x13e: {  	p0 =	seq.s32 s28, $0xF  }
.Ltmp3:
0x13f: {  	v63 =	vmul.f32 $5.000000000e-01, v45;
	v42 =	vadd.f32 v62, v42;
	(pc) =	sbr.rel @p0 .LBB2_12-.Ltmp3, $4  }
0x140: {  	_ = 	snop  }
0x141: {  	s31 =	sshll.u32 s28, $0x5;
	v42 =	vadd.f32 v42, v63  }
0x142: {  	s0 =	sand.u32 $0x3FFFFFE0, s31  }
0x143: {  	[tilespmem:s0+$0x1DD00] =	vst v42  }
0x144: {  	v42 =	vmov s26;
	_ =	sdelay $0x3  }
0x145: {  	s0 =	sadd.s32 $0x340, s30;
	s1 =	simm.s32 $0x0;
	s2 =	simm.s32 $0x40  }
.LBB2_10:
0x146: {  	p0 =	sne.s32 s2, $0x640;
	v43 =	vld.idx.msk [tilespmem:v42+s1+$0x0 ss:$0x1], $0xffff;
	_ =	sdelay $0x2  }
.Ltmp4:
0x147: {  	(pc) =	sbr.rel @p0 .LBB2_10-.Ltmp4, $3  }
0x148: {  	_ =	sdelay $0x1  }
0x149: {  	v43 =	vshrl.u32 v43, $0x3  }
0x14a: {  	[tilespmem:s1+$0x3400] =	vst v43;
	s1 =	sshra.s32 s2, $0x2;
	s2 =	sadd.s32 $0x40, s2  }
0x14b: {  	_ =	sdelay $0x3  }
0x14c: {  	v42 =	vld.idx.msk [tilespmem:v42+s1+$0x0 ss:$0x1], $0xffff;
	_ =	sdelay $0x4  }
0x14d: {  	v42 =	vshrl.u32 v42, $0x3  }
0x14e: {  	[tilespmem:s1+$0x3400] =	vst v42  }
0x14f: {  	[tilespmem:s10], [sflag:$0x2] =	stream.indirect.gather [hbm4b:s3+s12], $0x80, s9, s12, $0xb8;
	[tilespmem:$0x1DF00] =	vst v63  }
0x150: {  	_ = 	snop  }
0x151: {  	[tilespmem:s11], [sflag:$0x4] =	stream.indirect.gather [hbm4b:s4+s12], $0x1, s0, s12, $0xb8;
	[tilespmem:$0x1DF00] =	vst v63  }
.LBB2_12:
0x152: {  	_ =	swait.ge [sflag:s19], $0xD000  }
0x153: {  	[sflag:s19] =	ssyncset.done $0x0  }
0x154: {  	[sflag:s19] =	ssyncadd.s32 $0xFFFF3000  }
0x155: {  	_ =	swait.ge [sflag:s20], $0x1A0  }
0x156: {  	[sflag:s20] =	ssyncset.done $0x0  }
0x157: {  	[sflag:s20] =	ssyncadd.s32 $0xFFFFFE60  }
0x158: {  	v42 =	vld [tilespmem:s24+$0x0];
	_ =	sdelay $0x4  }
0x159: {  	v42 =	vshll.u32 v42, $0x4  }
0x15a: {  	s0 =	simm.s32 $0x0;
	v42 =	vand.u32 $0x70, v42  }
0x15b: {  	v42 =	vadd.s32 s0, v42  }
0x15c: {  	(v2sf) =	vpush v42, $0x0  }
0x15d: {  	(v2sf) =	vpush v42, $0x1;
	_ =	sdelay $0x1  }
0x15e: {  	(v2sf) =	vpush v42, $0x2;
	_ =	sdelay $0x1  }
0x15f: {  	(v2sf) =	vpush v42, $0x3;
	_ =	sdelay $0x1  }
0x160: {  	(v2sf) =	vpush v42, $0x4;
	_ =	sdelay $0x1  }
0x161: {  	(v2sf) =	vpush v42, $0x5;
	_ =	sdelay $0x1  }
0x162: {  	(v2sf) =	vpush v42, $0x6;
	_ =	sdelay $0x1  }
0x163: {  	(v2sf) =	vpush v42, $0x7;
	_ =	sdelay $0x1  }
0x164: {  	s1 =	spop (v2sf);
	(v2sf) =	vpush v42, $0x8  }
0x165: {  	v43 =	vld [tilespmem:s1+$0x10800];
	s21 =	spop (v2sf)  }
0x166: {  	(v2sf) =	vpush v42, $0x9;
	v44 =	vld [tilespmem:s21+$0x10880]  }
0x167: {  	s31 =	spop (v2sf)  }
0x168: {  	(v2sf) =	vpush v42, $0xA;
	v45 =	vld [tilespmem:s31+$0x10900]  }
0x169: {  	v46 =	vld [tilespmem:s24+$0xA];
	s2 =	spop (v2sf)  }
0x16a: {  	(v2sf) =	vpush v42, $0xB;
	v47 =	vld [tilespmem:s2+$0x10980]  }
0x16b: {  	s5 =	spop (v2sf);
	v48 =	vmul.f32 v43, v43;
	v43 =	vadd.f32 v44, v43;
	v44 =	vmul.f32 v44, v44  }
0x16c: {  	(v2sf) =	vpush v42, $0xC;
	v49 =	vld [tilespmem:s5+$0x10A00]  }
0x16d: {  	s21 =	spop (v2sf);
	v44 =	vadd.f32 v44, v48;
	v43 =	vadd.f32 v45, v43;
	v45 =	vmul.f32 v45, v45  }
0x16e: {  	v46 =	vshll.u32 v46, $0x4;
	(v2sf) =	vpush v42, $0xD;
	v59 =	vld [tilespmem:s21+$0x10A80]  }
0x16f: {  	s31 =	spop (v2sf);
	v60 =	vmul.f32 v47, v47;
	v44 =	vadd.f32 v45, v44;
	v43 =	vadd.f32 v47, v43  }
0x170: {  	v46 =	vand.u32 $0x70, v46;
	(v2sf) =	vpush v42, $0xE;
	v61 =	vld [tilespmem:s31+$0x10B00]  }
0x171: {  	s2 =	spop (v2sf);
	v62 =	vmul.f32 v49, v49;
	v44 =	vadd.f32 v60, v44;
	v43 =	vadd.f32 v49, v43  }
0x172: {  	v46 =	vadd.s32 s0, v46;
	(v2sf) =	vpush v42, $0xF;
	v63 =	vld [tilespmem:s2+$0x10B80]  }
0x173: {  	v53 =	vmul.f32 v59, v59;
	v52 =	vadd.f32 v62, v44;
	v43 =	vadd.f32 v59, v43;
	s5 =	spop (v2sf)  }
0x174: {  	(v2sf) =	vpush v46, $0x6;
	v54 =	vld [tilespmem:s5+$0x10C00]  }
0x175: {  	v55 =	vmul.f32 v61, v61;
	s21 =	spop (v2sf);
	v42 =	vadd.f32 v53, v52;
	v43 =	vadd.f32 v61, v43  }
0x176: {  	(v2sf) =	vpush v46, $0x7;
	v56 =	vld [tilespmem:s21+$0x10C80]  }
0x177: {  	v57 =	vmul.f32 v63, v63;
	s31 =	spop (v2sf);
	v42 =	vadd.f32 v55, v42;
	v43 =	vadd.f32 v63, v43  }
0x178: {  	(v2sf) =	vpush v46, $0x8;
	v58 =	vld [tilespmem:s31+$0x10D00]  }
0x179: {  	s1 =	spop (v2sf);
	v42 =	vadd.f32 v57, v42;
	v43 =	vadd.f32 v54, v43;
	v59 =	vmul.f32 v54, v54  }
0x17a: {  	(v2sf) =	vpush v46, $0x9;
	v60 =	vld [tilespmem:s1+$0x10D80]  }
0x17b: {  	s2 =	spop (v2sf);
	v61 =	vmul.f32 v56, v56;
	v42 =	vadd.f32 v59, v42;
	v43 =	vadd.f32 v56, v43  }
0x17c: {  	(v2sf) =	vpush v46, $0xA;
	v62 =	vld [tilespmem:s2+$0x10E00]  }
0x17d: {  	s5 =	spop (v2sf);
	v63 =	vmul.f32 v58, v58;
	v42 =	vadd.f32 v61, v42;
	v43 =	vadd.f32 v58, v43  }
0x17e: {  	(v2sf) =	vpush v46, $0xB;
	v52 =	vld [tilespmem:s5+$0x10E80]  }
0x17f: {  	s21 =	spop (v2sf);
	v53 =	vmul.f32 v60, v60;
	v42 =	vadd.f32 v63, v42;
	v43 =	vadd.f32 v60, v43  }
0x180: {  	(v2sf) =	vpush v46, $0xC;
	v54 =	vld [tilespmem:s21+$0x10F00]  }
0x181: {  	s31 =	spop (v2sf);
	v55 =	vmul.f32 v62, v62;
	v42 =	vadd.f32 v53, v42;
	v43 =	vadd.f32 v62, v43  }
0x182: {  	(v2sf) =	vpush v46, $0xD;
	v56 =	vld [tilespmem:s31+$0x10F80]  }
0x183: {  	v57 =	vmul.f32 v52, v52;
	s1 =	spop (v2sf);
	v42 =	vadd.f32 v55, v42;
	v43 =	vadd.f32 v52, v43  }
0x184: {  	(v2sf) =	vpush v46, $0xE;
	v58 =	vld [tilespmem:s1+$0x11000]  }
0x185: {  	v59 =	vmul.f32 v54, v54;
	s2 =	spop (v2sf);
	v42 =	vadd.f32 v57, v42;
	v43 =	vadd.f32 v54, v43  }
0x186: {  	(v2sf) =	vpush v46, $0xF;
	v60 =	vld [tilespmem:s2+$0x11080]  }
0x187: {  	v61 =	vmul.f32 v56, v56;
	s5 =	spop (v2sf);
	v42 =	vadd.f32 v59, v42;
	v43 =	vadd.f32 v56, v43  }
0x188: {  	v62 =	vld [tilespmem:s5+$0x11100]  }
0x189: {  	s21 =	spop (v2sf);
	v63 =	vmul.f32 v58, v58;
	v42 =	vadd.f32 v61, v42;
	v43 =	vadd.f32 v58, v43  }
0x18a: {  	v48 =	vld [tilespmem:s21+$0x11180]  }
0x18b: {  	s31 =	spop (v2sf);
	v49 =	vmul.f32 v60, v60;
	v42 =	vadd.f32 v63, v42;
	v43 =	vadd.f32 v60, v43  }
0x18c: {  	v50 =	vld [tilespmem:s31+$0x11200]  }
0x18d: {  	s1 =	spop (v2sf);
	v51 =	vmul.f32 v62, v62;
	v42 =	vadd.f32 v49, v42;
	v43 =	vadd.f32 v62, v43  }
0x18e: {  	v52 =	vld [tilespmem:s1+$0x11280]  }
0x18f: {  	s2 =	spop (v2sf);
	v53 =	vmul.f32 v48, v48;
	v42 =	vadd.f32 v51, v42;
	v43 =	vadd.f32 v48, v43  }
0x190: {  	v54 =	vld [tilespmem:s2+$0x11300]  }
0x191: {  	s5 =	spop (v2sf);
	v55 =	vmul.f32 v50, v50;
	v42 =	vadd.f32 v53, v42;
	v43 =	vadd.f32 v50, v43  }
0x192: {  	v56 =	vld [tilespmem:s5+$0x11380]  }
0x193: {  	v57 =	vmul.f32 v52, v52;
	s21 =	spop (v2sf);
	v42 =	vadd.f32 v55, v42;
	v43 =	vadd.f32 v52, v43  }
0x194: {  	v58 =	vld [tilespmem:s21+$0x11400]  }
0x195: {  	v59 =	vmul.f32 v54, v54;
	s31 =	spop (v2sf);
	v42 =	vadd.f32 v57, v42;
	v43 =	vadd.f32 v54, v43  }
0x196: {  	v60 =	vld [tilespmem:s31+$0x11480]  }
0x197: {  	v61 =	vmul.f32 v56, v56;
	v42 =	vadd.f32 v59, v42;
	v43 =	vadd.f32 v56, v43;
	_ =	sdelay $0x1  }
0x198: {  	v62 =	vmul.f32 v58, v58;
	v42 =	vadd.f32 v61, v42;
	v43 =	vadd.f32 v58, v43;
	_ =	sdelay $0x1  }
0x199: {  	v63 =	vmul.f32 v60, v60;
	v42 =	vadd.f32 v62, v42;
	v43 =	vadd.f32 v60, v43;
	_ =	sdelay $0x1  }
0x19a: {  	v42 =	vadd.f32 v63, v42;
	v43 =	vmul.f32 v43, v43;
	_ =	sdelay $0x1  }
0x19b: {  	v42 =	vsub.f32 v43, v42  }
0x19c: {  	s30 =	simm.s32 $0x1DC00  }
0x19d: {  	s1 =	sadd.s32 $0x1A, s24;
	[tilespmem:s30+$0x0] =	vst v42  }
0x19e: {  	v42 =	vld [tilespmem:s1+$0x0]  }
0x19f: {  	s0 =	simm.s32 $0x3400;
	s21 =	simm.s32 $0x6800  }
.LBB2_13:
0x1a0: {  	p0 =	sne.s32 s21, $0x30C00;
	_ =	sdelay $0x2  }
0x1a1: {  	v42 =	vshll.u32 v42, $0x4  }
0x1a2: {  	s2 =	sshra.s32 s0, $0x2;
	s0 =	smov.u32 s21;
	v42 =	vand.u32 $0x70, v42  }
0x1a3: {  	v42 =	vadd.s32 s2, v42  }
0x1a4: {  	(v2sf) =	vpush v42, $0x0  }
0x1a5: {  	(v2sf) =	vpush v42, $0x1;
	_ =	sdelay $0x1  }
0x1a6: {  	(v2sf) =	vpush v42, $0x2;
	_ =	sdelay $0x1  }
0x1a7: {  	(v2sf) =	vpush v42, $0x3;
	_ =	sdelay $0x1  }
0x1a8: {  	(v2sf) =	vpush v42, $0x4;
	_ =	sdelay $0x1  }
0x1a9: {  	(v2sf) =	vpush v42, $0x5;
	_ =	sdelay $0x1  }
0x1aa: {  	(v2sf) =	vpush v42, $0x6;
	_ =	sdelay $0x1  }
0x1ab: {  	(v2sf) =	vpush v42, $0x7;
	_ =	sdelay $0x1  }
0x1ac: {  	s5 =	spop (v2sf);
	(v2sf) =	vpush v42, $0x8  }
0x1ad: {  	v43 =	vld [tilespmem:s5+$0x10800];
	s5 =	spop (v2sf)  }
0x1ae: {  	v44 =	vld [tilespmem:s5+$0x10880];
	(v2sf) =	vpush v42, $0x9  }
0x1af: {  	s5 =	spop (v2sf)  }
0x1b0: {  	v45 =	vld [tilespmem:s5+$0x10900];
	(v2sf) =	vpush v42, $0xA  }
0x1b1: {  	v46 =	vld [tilespmem:s1+$0xA];
	s5 =	spop (v2sf)  }
0x1b2: {  	v47 =	vld [tilespmem:s5+$0x10980];
	(v2sf) =	vpush v42, $0xB  }
0x1b3: {  	v48 =	vmul.f32 v43, v43;
	v43 =	vadd.f32 v44, v43;
	v44 =	vmul.f32 v44, v44;
	s5 =	spop (v2sf)  }
0x1b4: {  	v49 =	vld [tilespmem:s5+$0x10A00];
	(v2sf) =	vpush v42, $0xC  }
0x1b5: {  	v44 =	vadd.f32 v44, v48;
	v43 =	vadd.f32 v45, v43;
	v45 =	vmul.f32 v45, v45;
	s5 =	spop (v2sf)  }
0x1b6: {  	v46 =	vshll.u32 v46, $0x4;
	v48 =	vld [tilespmem:s5+$0x10A80];
	(v2sf) =	vpush v42, $0xD  }
0x1b7: {  	v44 =	vadd.f32 v45, v44;
	v43 =	vadd.f32 v47, v43;
	v45 =	vmul.f32 v47, v47;
	s5 =	spop (v2sf)  }
0x1b8: {  	v46 =	vand.u32 $0x70, v46;
	v47 =	vld [tilespmem:s5+$0x10B00];
	(v2sf) =	vpush v42, $0xE  }
0x1b9: {  	v44 =	vadd.f32 v45, v44;
	v43 =	vadd.f32 v49, v43;
	v45 =	vmul.f32 v49, v49;
	s5 =	spop (v2sf)  }
0x1ba: {  	v46 =	vadd.s32 s2, v46;
	v49 =	vld [tilespmem:s5+$0x10B80];
	(v2sf) =	vpush v42, $0xF  }
0x1bb: {  	v42 =	vadd.f32 v45, v44;
	v43 =	vadd.f32 v48, v43;
	v44 =	vmul.f32 v48, v48;
	s2 =	spop (v2sf)  }
0x1bc: {  	v45 =	vld [tilespmem:s2+$0x10C00];
	(v2sf) =	vpush v46, $0x6  }
0x1bd: {  	v42 =	vadd.f32 v44, v42;
	v43 =	vadd.f32 v47, v43;
	v44 =	vmul.f32 v47, v47;
	s2 =	spop (v2sf)  }
0x1be: {  	v47 =	vld [tilespmem:s2+$0x10C80];
	(v2sf) =	vpush v46, $0x7  }
0x1bf: {  	v42 =	vadd.f32 v44, v42;
	v43 =	vadd.f32 v49, v43;
	v44 =	vmul.f32 v49, v49;
	s2 =	spop (v2sf)  }
0x1c0: {  	v48 =	vld [tilespmem:s2+$0x10D00];
	(v2sf) =	vpush v46, $0x8  }
0x1c1: {  	v42 =	vadd.f32 v44, v42;
	v43 =	vadd.f32 v45, v43;
	v44 =	vmul.f32 v45, v45;
	s2 =	spop (v2sf)  }
0x1c2: {  	v45 =	vld [tilespmem:s2+$0x10D80];
	(v2sf) =	vpush v46, $0x9  }
0x1c3: {  	v42 =	vadd.f32 v44, v42;
	v43 =	vadd.f32 v47, v43;
	v44 =	vmul.f32 v47, v47;
	s2 =	spop (v2sf)  }
0x1c4: {  	v47 =	vld [tilespmem:s2+$0x10E00];
	(v2sf) =	vpush v46, $0xA  }
0x1c5: {  	v42 =	vadd.f32 v44, v42;
	v43 =	vadd.f32 v48, v43;
	v44 =	vmul.f32 v48, v48;
	s2 =	spop (v2sf)  }
0x1c6: {  	v48 =	vld [tilespmem:s2+$0x10E80];
	(v2sf) =	vpush v46, $0xB  }
0x1c7: {  	v42 =	vadd.f32 v44, v42;
	v43 =	vadd.f32 v45, v43;
	v44 =	vmul.f32 v45, v45;
	s2 =	spop (v2sf)  }
0x1c8: {  	v45 =	vld [tilespmem:s2+$0x10F00];
	(v2sf) =	vpush v46, $0xC  }
0x1c9: {  	v42 =	vadd.f32 v44, v42;
	v43 =	vadd.f32 v47, v43;
	v44 =	vmul.f32 v47, v47;
	s2 =	spop (v2sf)  }
0x1ca: {  	v47 =	vld [tilespmem:s2+$0x10F80];
	(v2sf) =	vpush v46, $0xD  }
0x1cb: {  	v42 =	vadd.f32 v44, v42;
	v43 =	vadd.f32 v48, v43;
	v44 =	vmul.f32 v48, v48;
	s2 =	spop (v2sf)  }
0x1cc: {  	v48 =	vld [tilespmem:s2+$0x11000];
	(v2sf) =	vpush v46, $0xE  }
0x1cd: {  	v42 =	vadd.f32 v44, v42;
	v43 =	vadd.f32 v45, v43;
	v44 =	vmul.f32 v45, v45;
	s2 =	spop (v2sf)  }
0x1ce: {  	v45 =	vld [tilespmem:s2+$0x11080];
	(v2sf) =	vpush v46, $0xF  }
0x1cf: {  	v42 =	vadd.f32 v44, v42;
	v43 =	vadd.f32 v47, v43;
	v44 =	vmul.f32 v47, v47;
	s2 =	spop (v2sf)  }
0x1d0: {  	v46 =	vld [tilespmem:s2+$0x11100]  }
0x1d1: {  	v42 =	vadd.f32 v44, v42;
	v43 =	vadd.f32 v48, v43;
	v44 =	vmul.f32 v48, v48;
	s2 =	spop (v2sf)  }
0x1d2: {  	v47 =	vld [tilespmem:s2+$0x11180]  }
0x1d3: {  	v42 =	vadd.f32 v44, v42;
	v43 =	vadd.f32 v45, v43;
	v44 =	vmul.f32 v45, v45;
	s2 =	spop (v2sf)  }
0x1d4: {  	v45 =	vld [tilespmem:s2+$0x11200]  }
0x1d5: {  	v42 =	vadd.f32 v44, v42;
	v43 =	vadd.f32 v46, v43;
	v44 =	vmul.f32 v46, v46;
	s2 =	spop (v2sf)  }
0x1d6: {  	v46 =	vld [tilespmem:s2+$0x11280]  }
0x1d7: {  	v42 =	vadd.f32 v44, v42;
	v43 =	vadd.f32 v47, v43;
	v44 =	vmul.f32 v47, v47;
	s2 =	spop (v2sf)  }
0x1d8: {  	v47 =	vld [tilespmem:s2+$0x11300]  }
0x1d9: {  	v42 =	vadd.f32 v44, v42;
	v43 =	vadd.f32 v45, v43;
	v44 =	vmul.f32 v45, v45;
	s2 =	spop (v2sf)  }
0x1da: {  	v45 =	vld [tilespmem:s2+$0x11380]  }
0x1db: {  	v42 =	vadd.f32 v44, v42;
	v43 =	vadd.f32 v46, v43;
	v44 =	vmul.f32 v46, v46;
	s2 =	spop (v2sf)  }
0x1dc: {  	v46 =	vld [tilespmem:s2+$0x11400]  }
0x1dd: {  	v42 =	vadd.f32 v44, v42;
	v43 =	vadd.f32 v47, v43;
	v44 =	vmul.f32 v47, v47;
	s2 =	spop (v2sf)  }
0x1de: {  	v47 =	vld [tilespmem:s2+$0x11480]  }
0x1df: {  	v42 =	vadd.f32 v44, v42;
	v43 =	vadd.f32 v45, v43;
	v44 =	vmul.f32 v45, v45;
	_ =	sdelay $0x1  }
0x1e0: {  	v42 =	vadd.f32 v44, v42;
	v43 =	vadd.f32 v46, v43;
	v44 =	vmul.f32 v46, v46;
	_ =	sdelay $0x1  }
0x1e1: {  	v42 =	vadd.f32 v44, v42;
	v43 =	vadd.f32 v47, v43;
	v44 =	vmul.f32 v47, v47;
	_ =	sdelay $0x1  }
0x1e2: {  	v42 =	vadd.f32 v44, v42;
	v43 =	vmul.f32 v43, v43;
	_ =	sdelay $0x1  }
.Ltmp5:
0x1e3: {  	v42 =	vsub.f32 v43, v42;
	(pc) =	sbr.rel @p0 .LBB2_13-.Ltmp5, $4  }
0x1e4: {  	s30 =	sadd.s32 $0x10, s30  }
0x1e5: {  	s1 =	sadd.s32 $0x1A, s1;
	[tilespmem:s30+$0x0] =	vst v42  }
0x1e6: {  	v42 =	vld [tilespmem:s1+$0x0]  }
0x1e7: {  	s21 =	sadd.s32 $0x3400, s21  }
0x1e8: {  	_ =	sdelay $0x2  }
0x1e9: {  	v42 =	vshll.u32 v42, $0x4  }
0x1ea: {  	s0 =	sshra.s32 s0, $0x2;
	v42 =	vand.u32 $0x70, v42  }
0x1eb: {  	v42 =	vadd.s32 s0, v42  }
0x1ec: {  	(v2sf) =	vpush v42, $0x0  }
0x1ed: {  	(v2sf) =	vpush v42, $0x1;
	_ =	sdelay $0x1  }
0x1ee: {  	(v2sf) =	vpush v42, $0x2;
	_ =	sdelay $0x1  }
0x1ef: {  	(v2sf) =	vpush v42, $0x3;
	_ =	sdelay $0x1  }
0x1f0: {  	(v2sf) =	vpush v42, $0x4;
	_ =	sdelay $0x1  }
0x1f1: {  	(v2sf) =	vpush v42, $0x5;
	_ =	sdelay $0x1  }
0x1f2: {  	(v2sf) =	vpush v42, $0x6;
	_ =	sdelay $0x1  }
0x1f3: {  	(v2sf) =	vpush v42, $0x7;
	_ =	sdelay $0x1  }
0x1f4: {  	s2 =	spop (v2sf);
	(v2sf) =	vpush v42, $0x8  }
0x1f5: {  	v43 =	vld [tilespmem:s2+$0x10800];
	s5 =	spop (v2sf)  }
0x1f6: {  	(v2sf) =	vpush v42, $0x9;
	v44 =	vld [tilespmem:s5+$0x10880]  }
0x1f7: {  	s21 =	spop (v2sf)  }
0x1f8: {  	(v2sf) =	vpush v42, $0xA;
	v45 =	vld [tilespmem:s21+$0x10900]  }
0x1f9: {  	v46 =	vld [tilespmem:s1+$0xA];
	s31 =	spop (v2sf)  }
0x1fa: {  	(v2sf) =	vpush v42, $0xB;
	v47 =	vld [tilespmem:s31+$0x10980]  }
0x1fb: {  	s2 =	spop (v2sf);
	v48 =	vmul.f32 v43, v43;
	v43 =	vadd.f32 v44, v43;
	v44 =	vmul.f32 v44, v44  }
0x1fc: {  	(v2sf) =	vpush v42, $0xC;
	v49 =	vld [tilespmem:s2+$0x10A00]  }
0x1fd: {  	s5 =	spop (v2sf);
	v44 =	vadd.f32 v44, v48;
	v43 =	vadd.f32 v45, v43;
	v45 =	vmul.f32 v45, v45  }
0x1fe: {  	v46 =	vshll.u32 v46, $0x4;
	(v2sf) =	vpush v42, $0xD;
	v59 =	vld [tilespmem:s5+$0x10A80]  }
0x1ff: {  	s21 =	spop (v2sf);
	v60 =	vmul.f32 v47, v47;
	v44 =	vadd.f32 v45, v44;
	v43 =	vadd.f32 v47, v43  }
0x200: {  	v46 =	vand.u32 $0x70, v46;
	(v2sf) =	vpush v42, $0xE;
	v61 =	vld [tilespmem:s21+$0x10B00]  }
0x201: {  	s31 =	spop (v2sf);
	v62 =	vmul.f32 v49, v49;
	v44 =	vadd.f32 v60, v44;
	v43 =	vadd.f32 v49, v43  }
0x202: {  	v46 =	vadd.s32 s0, v46;
	(v2sf) =	vpush v42, $0xF;
	v63 =	vld [tilespmem:s31+$0x10B80]  }
0x203: {  	v52 =	vmul.f32 v59, v59;
	v51 =	vadd.f32 v62, v44;
	v43 =	vadd.f32 v59, v43;
	s2 =	spop (v2sf)  }
0x204: {  	(v2sf) =	vpush v46, $0x6;
	v53 =	vld [tilespmem:s2+$0x10C00]  }
0x205: {  	v54 =	vmul.f32 v61, v61;
	s5 =	spop (v2sf);
	v42 =	vadd.f32 v52, v51;
	v43 =	vadd.f32 v61, v43  }
0x206: {  	(v2sf) =	vpush v46, $0x7;
	v55 =	vld [tilespmem:s5+$0x10C80]  }
0x207: {  	v56 =	vmul.f32 v63, v63;
	s21 =	spop (v2sf);
	v42 =	vadd.f32 v54, v42;
	v43 =	vadd.f32 v63, v43  }
0x208: {  	(v2sf) =	vpush v46, $0x8;
	v57 =	vld [tilespmem:s21+$0x10D00]  }
0x209: {  	s31 =	spop (v2sf);
	v42 =	vadd.f32 v56, v42;
	v43 =	vadd.f32 v53, v43;
	v58 =	vmul.f32 v53, v53  }
0x20a: {  	(v2sf) =	vpush v46, $0x9;
	v59 =	vld [tilespmem:s31+$0x10D80]  }
0x20b: {  	s1 =	spop (v2sf);
	v60 =	vmul.f32 v55, v55;
	v42 =	vadd.f32 v58, v42;
	v43 =	vadd.f32 v55, v43  }
0x20c: {  	(v2sf) =	vpush v46, $0xA;
	v61 =	vld [tilespmem:s1+$0x10E00]  }
0x20d: {  	s2 =	spop (v2sf);
	v62 =	vmul.f32 v57, v57;
	v42 =	vadd.f32 v60, v42;
	v43 =	vadd.f32 v57, v43  }
0x20e: {  	(v2sf) =	vpush v46, $0xB;
	v63 =	vld [tilespmem:s2+$0x10E80]  }
0x20f: {  	s5 =	spop (v2sf);
	v52 =	vmul.f32 v59, v59;
	v42 =	vadd.f32 v62, v42;
	v43 =	vadd.f32 v59, v43  }
0x210: {  	(v2sf) =	vpush v46, $0xC;
	v53 =	vld [tilespmem:s5+$0x10F00]  }
0x211: {  	s21 =	spop (v2sf);
	v54 =	vmul.f32 v61, v61;
	v42 =	vadd.f32 v52, v42;
	v43 =	vadd.f32 v61, v43  }
0x212: {  	(v2sf) =	vpush v46, $0xD;
	v55 =	vld [tilespmem:s21+$0x10F80]  }
0x213: {  	v56 =	vmul.f32 v63, v63;
	s31 =	spop (v2sf);
	v42 =	vadd.f32 v54, v42;
	v43 =	vadd.f32 v63, v43  }
0x214: {  	(v2sf) =	vpush v46, $0xE;
	v57 =	vld [tilespmem:s31+$0x11000]  }
0x215: {  	v58 =	vmul.f32 v53, v53;
	s1 =	spop (v2sf);
	v42 =	vadd.f32 v56, v42;
	v43 =	vadd.f32 v53, v43  }
0x216: {  	(v2sf) =	vpush v46, $0xF;
	v59 =	vld [tilespmem:s1+$0x11080]  }
0x217: {  	v60 =	vmul.f32 v55, v55;
	s2 =	spop (v2sf);
	v42 =	vadd.f32 v58, v42;
	v43 =	vadd.f32 v55, v43  }
0x218: {  	v61 =	vld [tilespmem:s2+$0x11100]  }
0x219: {  	s5 =	spop (v2sf);
	v62 =	vmul.f32 v57, v57;
	v42 =	vadd.f32 v60, v42;
	v43 =	vadd.f32 v57, v43  }
0x21a: {  	v63 =	vld [tilespmem:s5+$0x11180]  }
0x21b: {  	s21 =	spop (v2sf);
	v48 =	vmul.f32 v59, v59;
	v42 =	vadd.f32 v62, v42;
	v43 =	vadd.f32 v59, v43  }
0x21c: {  	v49 =	vld [tilespmem:s21+$0x11200]  }
0x21d: {  	s31 =	spop (v2sf);
	v50 =	vmul.f32 v61, v61;
	v42 =	vadd.f32 v48, v42;
	v43 =	vadd.f32 v61, v43  }
0x21e: {  	v51 =	vld [tilespmem:s31+$0x11280]  }
0x21f: {  	s1 =	spop (v2sf);
	v52 =	vmul.f32 v63, v63;
	v42 =	vadd.f32 v50, v42;
	v43 =	vadd.f32 v63, v43  }
0x220: {  	v53 =	vld [tilespmem:s1+$0x11300]  }
0x221: {  	s2 =	spop (v2sf);
	v54 =	vmul.f32 v49, v49;
	v42 =	vadd.f32 v52, v42;
	v43 =	vadd.f32 v49, v43  }
0x222: {  	v55 =	vld [tilespmem:s2+$0x11380]  }
0x223: {  	v56 =	vmul.f32 v51, v51;
	s5 =	spop (v2sf);
	v42 =	vadd.f32 v54, v42;
	v43 =	vadd.f32 v51, v43  }
0x224: {  	v57 =	vld [tilespmem:s5+$0x11400]  }
0x225: {  	v58 =	vmul.f32 v53, v53;
	s21 =	spop (v2sf);
	v42 =	vadd.f32 v56, v42;
	v43 =	vadd.f32 v53, v43  }
0x226: {  	v59 =	vld [tilespmem:s21+$0x11480]  }
0x227: {  	v60 =	vmul.f32 v55, v55;
	v42 =	vadd.f32 v58, v42;
	v43 =	vadd.f32 v55, v43;
	_ =	sdelay $0x1  }
0x228: {  	v61 =	vmul.f32 v57, v57;
	v42 =	vadd.f32 v60, v42;
	v43 =	vadd.f32 v57, v43;
	_ =	sdelay $0x1  }
0x229: {  	v62 =	vmul.f32 v59, v59;
	v42 =	vadd.f32 v61, v42;
	v43 =	vadd.f32 v59, v43;
	_ =	sdelay $0x1  }
0x22a: {  	v42 =	vadd.f32 v62, v42;
	v43 =	vmul.f32 v43, v43;
	_ =	sdelay $0x1  }
0x22b: {  	v42 =	vsub.f32 v43, v42  }
0x22c: {  	s30 =	sadd.s32 $0x10, s30  }
0x22d: {  	[tilespmem:s30+$0x0] =	vst v42  }
0x22e: {  	v42 =	vld.idx.msk [tilespmem:v12+s15+$0x0], $0xffff  }
0x22f: {  	v63 =	vld.idx.msk [tilespmem:v17+s15+$0x0], $0xffff;
	_ =	sdelay $0x1  }
0x230: {  	v48 =	vld.idx.msk [tilespmem:v18+s15+$0x0], $0xffff;
	_ =	sdelay $0x1  }
0x231: {  	v49 =	vld.idx.msk [tilespmem:v19+s15+$0x0], $0xffff  }
0x232: {  	v42 =	vadd.f32 v63, v42  }
0x233: {  	v50 =	vld.idx.msk [tilespmem:v20+s15+$0x0], $0xffff  }
0x234: {  	v42 =	vadd.f32 v48, v42  }
0x235: {  	v51 =	vld.idx.msk [tilespmem:v21+s15+$0x0], $0xffff  }
0x236: {  	v42 =	vadd.f32 v49, v42  }
0x237: {  	v52 =	vld.idx.msk [tilespmem:v22+s15+$0x0], $0xffff  }
0x238: {  	v42 =	vadd.f32 v50, v42  }
0x239: {  	v53 =	vld.idx.msk [tilespmem:v23+s15+$0x0], $0xffff  }
0x23a: {  	v42 =	vadd.f32 v51, v42  }
0x23b: {  	v54 =	vld.idx.msk [tilespmem:v24+s15+$0x0], $0xffff  }
0x23c: {  	v55 =	vld.idx.msk [tilespmem:v0+s18+$0x0], $0xffff;
	v42 =	vadd.f32 v52, v42  }
0x23d: {  	v56 =	vld.idx.msk [tilespmem:v25+s15+$0x0], $0xffff  }
0x23e: {  	v57 =	vld.idx.msk [tilespmem:v1+s18+$0x0], $0xffff;
	v42 =	vadd.f32 v53, v42  }
0x23f: {  	v58 =	vld.idx.msk [tilespmem:v26+s15+$0x0], $0xffff  }
0x240: {  	v59 =	vld.idx.msk [tilespmem:v2+s18+$0x0], $0xffff;
	v42 =	vadd.f32 v54, v42  }
0x241: {  	v60 =	vld.idx.msk [tilespmem:v27+s15+$0x0], $0xffff  }
0x242: {  	v61 =	vld.idx.msk [tilespmem:v3+s18+$0x0], $0xffff;
	v42 =	vadd.f32 v56, v42  }
0x243: {  	v62 =	vld.idx.msk [tilespmem:v28+s15+$0x0], $0xffff  }
0x244: {  	v46 =	vadd.f32 v57, v55;
	v63 =	vld.idx.msk [tilespmem:v4+s18+$0x0], $0xffff;
	v42 =	vadd.f32 v58, v42  }
0x245: {  	v52 =	vld.idx.msk [tilespmem:v29+s15+$0x0], $0xffff  }
0x246: {  	v46 =	vadd.f32 v59, v46;
	v53 =	vld.idx.msk [tilespmem:v5+s18+$0x0], $0xffff;
	v42 =	vadd.f32 v60, v42  }
0x247: {  	v54 =	vld.idx.msk [tilespmem:v30+s15+$0x0], $0xffff  }
0x248: {  	v55 =	vld.idx.msk [tilespmem:v6+s18+$0x0], $0xffff;
	v46 =	vadd.f32 v61, v46;
	v42 =	vadd.f32 v62, v42  }
0x249: {  	v56 =	vld.idx.msk [tilespmem:v31+s15+$0x0], $0xffff  }
0x24a: {  	v57 =	vld.idx.msk [tilespmem:v7+s18+$0x0], $0xffff;
	v46 =	vadd.f32 v63, v46;
	v42 =	vadd.f32 v52, v42  }
0x24b: {  	v58 =	vld.idx.msk [tilespmem:v32+s15+$0x0], $0xffff  }
0x24c: {  	v59 =	vld.idx.msk [tilespmem:v8+s18+$0x0], $0xffff;
	v46 =	vadd.f32 v53, v46;
	v42 =	vadd.f32 v54, v42  }
0x24d: {  	v60 =	vld.idx.msk [tilespmem:v33+s15+$0x0], $0xffff  }
0x24e: {  	v34 =	vld.idx.msk [tilespmem:v34+s15+$0x0], $0xffff;
	v46 =	vadd.f32 v55, v46;
	v42 =	vadd.f32 v56, v42  }
0x24f: {  	v61 =	vld.idx.msk [tilespmem:v9+s18+$0x0], $0xffff  }
0x250: {  	v35 =	vld.idx.msk [tilespmem:v35+s15+$0x0], $0xffff;
	v62 =	vadd.f32 v57, v46;
	v42 =	vadd.f32 v58, v42  }
0x251: {  	v63 =	vld.idx.msk [tilespmem:v10+s18+$0x0], $0xffff  }
0x252: {  	v36 =	vld.idx.msk [tilespmem:v36+s15+$0x0], $0xffff;
	v50 =	vadd.f32 v59, v62;
	v42 =	vadd.f32 v60, v42  }
0x253: {  	v51 =	vld.idx.msk [tilespmem:v11+s18+$0x0], $0xffff  }
0x254: {  	v37 =	vld.idx.msk [tilespmem:v37+s15+$0x0], $0xffff;
	v43 =	vadd.f32 v61, v50;
	v34 =	vadd.f32 v34, v42  }
0x255: {  	v52 =	vld.idx.msk [tilespmem:v13+s18+$0x0], $0xffff  }
0x256: {  	v55 =	vld.idx.msk [tilespmem:v38+s15+$0x0], $0xffff;
	v53 =	vadd.f32 v63, v43;
	v34 =	vadd.f32 v35, v34  }
0x257: {  	v54 =	vld.idx.msk [tilespmem:v14+s18+$0x0], $0xffff  }
0x258: {  	v57 =	vld.idx.msk [tilespmem:v15+s18+$0x0], $0xffff;
	v56 =	vadd.f32 v51, v53;
	v34 =	vadd.f32 v36, v34  }
0x259: {  	v58 =	vld.idx.msk [tilespmem:v39+s15+$0x0], $0xffff  }
0x25a: {  	v59 =	vld.idx.msk [tilespmem:v16+s18+$0x0], $0xffff;
	v38 =	vadd.f32 v52, v56;
	v34 =	vadd.f32 v37, v34  }
0x25b: {  	v60 =	vld.idx.msk [tilespmem:v40+s15+$0x0], $0xffff  }
0x25c: {  	v38 =	vadd.f32 v54, v38;
	v34 =	vadd.f32 v55, v34  }
0x25d: {  	v61 =	vld.idx.msk [tilespmem:v41+s15+$0x0], $0xffff  }
0x25e: {  	v38 =	vadd.f32 v57, v38;
	v34 =	vadd.f32 v58, v34;
	_ =	sdelay $0x1  }
0x25f: {  	s28 =	sadd.s32 $0x1, s28;
	v62 =	vadd.f32 v59, v38;
	v34 =	vadd.f32 v60, v34  }
0x260: {  	p0 =	sne.s32 s28, $0x10  }
.Ltmp6:
0x261: {  	v63 =	vmul.f32 $5.000000000e-01, v62;
	v34 =	vadd.f32 v61, v34;
	(pc) =	sbr.rel @p0 .LBB2_4-.Ltmp6, $4  }
0x262: {  	_ = 	snop  }
0x263: {  	s31 =	sshll.u32 s29, $0x4;
	v34 =	vadd.f32 v34, v63  }
0x264: {  	s0 =	sand.u32 $0x3FFFFFF0, s31  }
0x265: {  	s24 =	sadd.s32 $0x340, s24;
	s25 =	sadd.s32 $0x340, s25;
	s26 =	sadd.s32 $0x340, s26;
	[tilespmem:s0+$0x1DD00] =	vst v34  }
0x266: {  	s23 =	sadd.s32 $0x1, s23  }
0x267: {  	p0 =	sne.s32 s23, s7  }
.Ltmp7:
0x268: {  	s21 =	simm.s32 $0x0;
	s0 =	simm.s32 $0x1DD00;
	(pc) =	sbr.rel @p0 .LBB2_1-.Ltmp7, $4  }
0x269: {  	[hbm4b:s6+s21] =	stream.linear.scatter [tilespmem:s0], [sflag:$0x6], $0x200, $0x38;
	[tilespmem:$0x1DF00] =	vst v63  }
0x26a: {  	_ =	swait.ge [sflag:s22], $0x200  }
0x26b: {  	[sflag:s22] =	ssyncset.done $0x0  }
0x26c: {  	[sflag:s22] =	ssyncadd.s32 $0xFFFFFE00  }
0x26d: {  	_ =	sfence.sel $0x180000  }
0x26e: {  	[bflag:$0x0] =	sbarrier.arrive $0xFFFF  }
0x26f: {  	_ =	strace $0x9000004A  }
0x270: {  	s0 =	stileid.u32;
	[bflag:$0x2] =	sbarrier.arrive $0xFFFF  }
0x271: {  	p0 =	sne.s32 s0, $0x0;
	s0 =	rddreg [dreg:$0x2]  }
0x272: {  	s0 =	sadd.s32 @!p0 $0x100000, s0  }
0x273: {  	[sflag:s0] =	ssyncadd.tile.s32 @!p0 $0x1;
	_ =	shalt  }
.Lfunc_end2:
_tile_overlayer_lowered:
.L_overlay_start_2:
0x274: {  	(tag) =	ssettag $0x2  }
0x275: {  	s0 =	rddreg [dreg:$0x0];
	s2 =	stileid.u32  }
0x276: {  	s1 =	rddreg [dreg:$0x1];
	p0 =	sne.s32 s2, $0x0  }
0x277: {  	s3 =	rddreg [dreg:$0x2];
	[bflag:$0x3] =	sbarrier.arrive $0xFFFF;
	s2 =	simm.s32 @!p0 $0x1C06  }
0x278: {  	[timem:s3], [sflag:s2] =	dma.local @!p0 [hbm:s0], s1  }
0x279: {  	s0 =	simm.s32 @!p0 $0x6  }
0x27a: {  	_ =	swait.ge @!p0 [sflag:s0], s1  }
0x27b: {  	s1 =	ssub.s32 @!p0 $0x0, s1;
	[sflag:s0] =	ssyncset.done @!p0 $0x0  }
0x27c: {  	[sflag:s0] =	ssyncadd.s32 @!p0 s1  }
0x27d: {  	[bflag:$0x3] =	sbarrier.arrive $0xFFFF  }
0x27e: {  	_ =	shalt  }

</sc_bundles>
